<compile_context>
chip_gen: v7x
topology: tpu7x:2x2x1
jax: 0.10.2.dev20260603
libtpu: 0.0.44.dev20260713+nightly
codegen_flags: <defaults>
</compile_context>

<pallas_src>
import functools

import jax
import jax.numpy as jnp
from jax import lax
from jax.experimental import pallas as pl
from jax.experimental.pallas import tpu as pltpu
from jax.experimental.pallas import tpu_sc as plsc

_N = 10000
_NR = 10112
_HALF = _NR // 2
_RPTA = _NR // 16
_CH = 128
_CPT_DEG = 80
_CPT_AGG = 160
_KB = 2
_E_PAD = 32 * _CPT_DEG * _CH
_BN = 632
_PAD_DST = 10008

_sc_mesh = plsc.VectorSubcoreMesh(core_axis_name="c", subcore_axis_name="s")

_sc_params = pltpu.CompilerParams(
    needs_layout_passes=False, use_tc_tiling_on_sc=False)


def _make_sc_degree():
    @functools.partial(
        pl.kernel,
        out_type=jax.ShapeDtypeStruct((_NR, 512), jnp.float32),
        mesh=_sc_mesh,
        compiler_params=_sc_params,
        scratch_types=[
            pltpu.VMEM((_CPT_DEG, _CH), jnp.int32),
            pltpu.VMEM((_HALF, 16), jnp.float32),
        ],
    )
    def deg_kernel(dst_hbm, out_hbm, idx_v, hist_v):
        cid = lax.axis_index("c")
        sid = lax.axis_index("s")
        wid = sid * 2 + cid
        zero16 = jnp.zeros((16,), jnp.float32)
        one16 = jnp.full((16,), 1.0, jnp.float32)
        lane16 = lax.iota(jnp.int32, 16)

        pltpu.sync_copy(dst_hbm.at[pl.ds(wid * _CPT_DEG, _CPT_DEG)], idx_v)

        for h in range(2):
            lo = h * _HALF

            @pl.loop(0, _HALF)
            def _(r):
                hist_v[r, :] = zero16

            @pl.loop(0, _CPT_DEG)
            def _(c):
                for j in range(_CH // 16):
                    d16 = idx_v[c, pl.ds(16 * j, 16)]
                    m = (d16 >= lo) & (d16 < lo + _HALF)
                    plsc.addupdate_scatter(hist_v, [d16 - lo, lane16],
                                           one16, mask=m)

            pltpu.sync_copy(hist_v,
                            out_hbm.at[pl.ds(lo, _HALF),
                                       pl.ds(16 * wid, 16)])

    return deg_kernel


def _make_sc_agg(d: int, kb: int):
    nblk = _CPT_AGG // kb

    @functools.partial(
        pl.kernel,
        out_type=jax.ShapeDtypeStruct((2, _NR, d), jnp.float32),
        mesh=_sc_mesh,
        compiler_params=_sc_params,
        scratch_types=[
            pltpu.VMEM((nblk, kb * _CH), jnp.int32),
            pltpu.VMEM((nblk, kb * _CH), jnp.int32),
            pltpu.VMEM((kb * _CH, d), jnp.float32),
            pltpu.VMEM((kb * _CH, d), jnp.float32),
            pltpu.VMEM_SHARED((_NR, d), jnp.float32),
            pltpu.SemaphoreType.DMA,
            pltpu.SemaphoreType.DMA,
        ],
    )
    def agg_kernel(y_hbm, src_hbm, dst_hbm, out_hbm,
                   src_v, dst_v, rows_v, rows1_v, acc_sh, sg0, sg1):
        cid = lax.axis_index("c")
        sid = lax.axis_index("s")
        zero16 = jnp.zeros((16,), jnp.float32)

        pltpu.sync_copy(src_hbm.at[pl.ds(sid * nblk, nblk)], src_v)
        pltpu.sync_copy(dst_hbm.at[pl.ds(sid * nblk, nblk)], dst_v)

        @pl.loop(0, min(_RPTA, kb * _CH))
        def _(r):
            for j in range(d // 16):
                rows_v[r, pl.ds(16 * j, 16)] = zero16

        _nz = kb * _CH
        _off = 0
        while _off < _RPTA:
            _m = min(_nz, _RPTA - _off)
            pltpu.sync_copy(
                rows_v.at[pl.ds(0, _m)],
                acc_sh.at[pl.ds(sid * _RPTA + _off, _m)])
            _off += _m
        plsc.subcore_barrier()

        def _g_start(c, buf, sem):
            pltpu.make_async_copy(
                y_hbm.at[cid].at[src_v.at[c]], buf, sem).start()

        def _g_wait(c, buf, sem):
            pltpu.make_async_copy(
                y_hbm.at[cid].at[src_v.at[c]], buf, sem).wait()

        npair = nblk // 2
        _g_start(0, rows_v, sg0)

        @pl.loop(0, npair)
        def _(p):
            c0 = 2 * p
            _g_start(c0 + 1, rows1_v, sg1)
            _g_wait(c0, rows_v, sg0)
            pltpu.sync_copy(rows_v, acc_sh.at[dst_v.at[c0]], add=True)

            @pl.when(p + 1 < npair)
            def _():
                _g_start(c0 + 2, rows_v, sg0)

            _g_wait(c0 + 1, rows1_v, sg1)
            pltpu.sync_copy(rows1_v, acc_sh.at[dst_v.at[c0 + 1]], add=True)

        plsc.subcore_barrier()
        pltpu.sync_copy(acc_sh.at[pl.ds(sid * _RPTA, _RPTA)],
                        out_hbm.at[cid, pl.ds(sid * _RPTA, _RPTA)])

    return agg_kernel


_sc_degree = _make_sc_degree()
_sc_agg64 = _make_sc_agg(64, _KB)
_sc_agg32 = _make_sc_agg(32, _KB)


def _tc_first(dp, h, w1):
    n, din = h.shape
    dh = w1.shape[1] // 2
    g = n // _BN

    def body(dp_ref, h_ref, w_ref, y_ref, norm_ref):
        deg = jnp.sum(dp_ref[...], axis=1)[:, None] + 1.0
        nrm = lax.rsqrt(jnp.maximum(deg, 1.0))
        norm_ref[...] = nrm
        y = jnp.dot(h_ref[...] * nrm, w_ref[...],
                    preferred_element_type=jnp.float32)
        y_ref[0] = y[:, :dh]
        y_ref[1] = y[:, dh:]

    return pl.pallas_call(
        body,
        grid=(g,),
        in_specs=[
            pl.BlockSpec((_BN, 512), lambda i: (i, 0)),
            pl.BlockSpec((_BN, din), lambda i: (i, 0)),
            pl.BlockSpec((din, 2 * dh), lambda i: (0, 0)),
        ],
        out_specs=[
            pl.BlockSpec((2, _BN, dh), lambda i: (0, i, 0)),
            pl.BlockSpec((_BN, 1), lambda i: (i, 0)),
        ],
        out_shape=[
            jax.ShapeDtypeStruct((2, n, dh), jnp.float32),
            jax.ShapeDtypeStruct((n, 1), jnp.float32),
        ],
    )(dp, h, w1)


def _tc_mid(p, y, norm, b, w):
    n = y.shape[1]
    d = 2 * y.shape[2]
    dout = w.shape[1]
    g = n // _BN

    def body(p_ref, y_ref, n_ref, b_ref, w_ref, o_ref):
        agg = jnp.concatenate(
            [p_ref[0] + y_ref[0], p_ref[1] + y_ref[1]], axis=-1)
        x = jnp.maximum(n_ref[...] * agg + b_ref[...], 0.0)
        yn = jnp.dot(x * n_ref[...], w_ref[...],
                     preferred_element_type=jnp.float32)
        o_ref[0] = yn[:, :dout // 2]
        o_ref[1] = yn[:, dout // 2:]

    return pl.pallas_call(
        body,
        grid=(g,),
        in_specs=[
            pl.BlockSpec((2, _BN, d // 2), lambda i: (0, i, 0)),
            pl.BlockSpec((2, _BN, d // 2), lambda i: (0, i, 0)),
            pl.BlockSpec((_BN, 1), lambda i: (i, 0)),
            pl.BlockSpec((1, d), lambda i: (0, 0)),
            pl.BlockSpec((d, dout), lambda i: (0, 0)),
        ],
        out_specs=pl.BlockSpec((2, _BN, dout // 2), lambda i: (0, i, 0)),
        out_shape=jax.ShapeDtypeStruct((2, n, dout // 2), jnp.float32),
    )(p, y, norm, b, w)


def _tc_last(p, y, norm, b):
    n = y.shape[1]
    d = 2 * y.shape[2]
    g = n // _BN

    def body(p_ref, y_ref, n_ref, b_ref, o_ref):
        agg = jnp.concatenate(
            [p_ref[0] + y_ref[0], p_ref[1] + y_ref[1]], axis=-1)
        o_ref[...] = n_ref[...] * agg + b_ref[...]

    return pl.pallas_call(
        body,
        grid=(g,),
        in_specs=[
            pl.BlockSpec((2, _BN, d // 2), lambda i: (0, i, 0)),
            pl.BlockSpec((2, _BN, d // 2), lambda i: (0, i, 0)),
            pl.BlockSpec((_BN, 1), lambda i: (i, 0)),
            pl.BlockSpec((1, d), lambda i: (0, 0)),
        ],
        out_specs=pl.BlockSpec((_BN, d), lambda i: (i, 0)),
        out_shape=jax.ShapeDtypeStruct((n, d), jnp.float32),
    )(p, y, norm, b)


def kernel(h, edge_index, W1, b1, W2, b2, W3, b3):
    n = h.shape[0]
    src = edge_index[0]
    dst = edge_index[1]
    pad = _E_PAD - src.shape[0]
    src_p = jnp.concatenate([src, jnp.zeros((pad,), jnp.int32)])
    dst_p = jnp.concatenate([dst, jnp.full((pad,), _PAD_DST, jnp.int32)])
    srcA = src_p.reshape(_E_PAD // (_KB * _CH), _KB * _CH)
    dstA = dst_p.reshape(_E_PAD // (_KB * _CH), _KB * _CH)
    srcB = src_p.reshape(_E_PAD // (2 * _KB * _CH), 2 * _KB * _CH)
    dstB = dst_p.reshape(_E_PAD // (2 * _KB * _CH), 2 * _KB * _CH)

    hp = jnp.pad(h, ((0, _NR - n), (0, 0)))

    degp = _sc_degree(dst_p.reshape(_E_PAD // _CH, _CH))

    y1, norm = _tc_first(degp, hp, W1)
    p1 = _sc_agg64(y1, srcA, dstA)
    y2 = _tc_mid(p1, y1, norm, b1.reshape(1, -1), W2)
    p2 = _sc_agg64(y2, srcA, dstA)
    y3 = _tc_mid(p2, y2, norm, b2.reshape(1, -1), W3)
    p3 = _sc_agg32(y3, srcA, dstA)
    return _tc_last(p3, y3, norm, b3.reshape(1, -1))[:n]

# --- scband reference (transcript-rebuilt; emitter-appended) ---
"""Pipeline reference for scband-gcnbank-net-66245575573518 (READ-ONLY COPY).

The authoritative reference and input builder live on the scoring server;
editing this copy changes nothing except your own understanding.
"""

import jax, jax.numpy as jnp
import numpy as np

N = 10000
E = 320000
IN_DIM = 128
HID = 128
OUT = 64


def setup_inputs(seed: int = 0) -> dict:
    key = jax.random.key(seed)
    ks = jax.random.split(key, 9)
    h = jax.random.normal(ks[0], (N, IN_DIM), dtype=jnp.float32)
    edge_index = jax.random.randint(ks[1], (2, E), 0, N, dtype=jnp.int32)
    W1 = jax.random.normal(ks[2], (IN_DIM, HID), dtype=jnp.float32) * (1.0 / np.sqrt(IN_DIM))
    b1 = jnp.zeros((HID,), dtype=jnp.float32)
    W2 = jax.random.normal(ks[3], (HID, HID), dtype=jnp.float32) * (1.0 / np.sqrt(HID))
    b2 = jnp.zeros((HID,), dtype=jnp.float32)
    W3 = jax.random.normal(ks[4], (HID, OUT), dtype=jnp.float32) * (1.0 / np.sqrt(HID))
    b3 = jnp.zeros((OUT,), dtype=jnp.float32)
    return {"h": h, "edge_index": edge_index, "W1": W1, "b1": b1, "W2": W2, "b2": b2, "W3": W3, "b3": b3}


def _gcn_layer(h, src2, dst2, norm, W, b):
    n = h.shape[0]
    msg = h[src2] * norm[src2][:, None]
    agg = jax.ops.segment_sum(msg, dst2, num_segments=n)
    agg = agg * norm[:, None]
    return agg @ W + b


def reference(h, edge_index, W1, b1, W2, b2, W3, b3):
    n = h.shape[0]
    src, dst = edge_index[0], edge_index[1]
    loop = jnp.arange(n, dtype=src.dtype)
    src2 = jnp.concatenate([src, loop])
    dst2 = jnp.concatenate([dst, loop])
    deg = jax.ops.segment_sum(jnp.ones_like(dst2, dtype=h.dtype), dst2, num_segments=n)
    norm = jax.lax.rsqrt(jnp.maximum(deg, 1.0))
    # layer 1 + relu (dropout is identity in eval)
    x = jax.nn.relu(_gcn_layer(h, src2, dst2, norm, W1, b1))
    # layer 2 + relu
    x = jax.nn.relu(_gcn_layer(x, src2, dst2, norm, W2, b2))
    # output layer (no activation; self.norm is unused in the torch forward)
    x = _gcn_layer(x, src2, dst2, norm, W3, b3)
    return x

if __name__ == "__main__":
    import jax
    _d = setup_inputs()
    print(jax.jit(kernel)(*tuple(_d.values())))

</pallas_src>

<mosaic_0001>
#map = affine_map<(d0, d1) -> (0, 0, 0)>
#map1 = affine_map<(d0, d1) -> (0, 0)>
module attributes {stable_mosaic.version = 14 : i64} {
  func.func @agg_kernel(%arg0: i32, %arg1: i32, %arg2: memref<2x10112x32xf32, #tpu.memory_space<hbm>>, %arg3: memref<1280x256xi32, #tpu.memory_space<hbm>>, %arg4: memref<1280x256xi32, #tpu.memory_space<hbm>>, %arg5: memref<2x10112x32xf32, #tpu.memory_space<hbm>>, %arg6: memref<80x256xi32, #tpu.memory_space<vmem>>, %arg7: memref<80x256xi32, #tpu.memory_space<vmem>>, %arg8: memref<256x32xf32, #tpu.memory_space<vmem>>, %arg9: memref<256x32xf32, #tpu.memory_space<vmem>>, %arg10: memref<10112x32xf32, #tpu.memory_space<vmem_shared>>, %arg11: memref<!tpu.dma_semaphore, #tpu.memory_space<semaphore_mem>>, %arg12: memref<!tpu.dma_semaphore, #tpu.memory_space<semaphore_mem>>) attributes {dimension_semantics = [#tpu.dimension_semantics<core_parallel>, #tpu.dimension_semantics<subcore_parallel>], iteration_bounds = array<i64: 2, 16>, scalar_prefetch = 0 : i64, scratch_operands = 7 : i64, tpu.core_type = #tpu.core_type<sc_vector_subcore>, window_params = [{transform_indices = #map}, {transform_indices = #map1}, {transform_indices = #map1}, {transform_indices = #map}]} {
    %broadcast_in_dim3A = arith.constant 0.000000e+00 : f32
    %broadcast_in_dim3A_0 = vector.broadcast %broadcast_in_dim3A : f32 to vector<16xf32>
    %mul3A = arith.constant 80 : i32
    %mul3A_1 = arith.muli %arg1, %mul3A : i32
    "tpu.region"() ({
      %run_scoped3A = tpu.sem_alloc : memref<!tpu.dma_semaphore, #tpu.memory_space<semaphore_mem>>
      %dma_start3A_39 = arith.constant 0 : i32
      %dma_start3A_40 = tpu.memref_slice %arg3[%mul3A_1, %dma_start3A_39] : memref<1280x256xi32, #tpu.memory_space<hbm>> -> memref<80x256xi32, #tpu.memory_space<hbm>>
      %dma_start3A_41 = arith.constant 0 : i32
      %dma_start3A_42 = tpu.memref_slice %arg3[%mul3A_1, %dma_start3A_41] : memref<1280x256xi32, #tpu.memory_space<hbm>> -> memref<80x256xi32, #tpu.memory_space<hbm>>
      tpu.enqueue_dma source(%dma_start3A_42 : memref<80x256xi32, #tpu.memory_space<hbm>>) target(%arg6 : memref<80x256xi32, #tpu.memory_space<vmem>>) target_semaphore(%run_scoped3A : memref<!tpu.dma_semaphore, #tpu.memory_space<semaphore_mem>>)
      %dma_wait3A = arith.constant 0 : i32
      %dma_wait3A_43 = tpu.memref_slice %arg3[%mul3A_1, %dma_wait3A] : memref<1280x256xi32, #tpu.memory_space<hbm>> -> memref<80x256xi32, #tpu.memory_space<hbm>>
      %dma_wait3A_44 = arith.constant 0 : i32
      %dma_wait3A_45 = tpu.memref_slice %arg3[%mul3A_1, %dma_wait3A_44] : memref<1280x256xi32, #tpu.memory_space<hbm>> -> memref<80x256xi32, #tpu.memory_space<hbm>>
      tpu.wait_dma2 semaphore(%run_scoped3A : memref<!tpu.dma_semaphore, #tpu.memory_space<semaphore_mem>>) src(%dma_wait3A_45 : memref<80x256xi32, #tpu.memory_space<hbm>>) dst(%arg6 : memref<80x256xi32, #tpu.memory_space<vmem>>)
      tpu.yield
    }) : () -> ()
    %mul3A_2 = arith.constant 80 : i32
    %mul3A_3 = arith.muli %arg1, %mul3A_2 : i32
    "tpu.region"() ({
      %run_scoped3A = tpu.sem_alloc : memref<!tpu.dma_semaphore, #tpu.memory_space<semaphore_mem>>
      %dma_start3A_39 = arith.constant 0 : i32
      %dma_start3A_40 = tpu.memref_slice %arg4[%mul3A_3, %dma_start3A_39] : memref<1280x256xi32, #tpu.memory_space<hbm>> -> memref<80x256xi32, #tpu.memory_space<hbm>>
      %dma_start3A_41 = arith.constant 0 : i32
      %dma_start3A_42 = tpu.memref_slice %arg4[%mul3A_3, %dma_start3A_41] : memref<1280x256xi32, #tpu.memory_space<hbm>> -> memref<80x256xi32, #tpu.memory_space<hbm>>
      tpu.enqueue_dma source(%dma_start3A_42 : memref<80x256xi32, #tpu.memory_space<hbm>>) target(%arg7 : memref<80x256xi32, #tpu.memory_space<vmem>>) target_semaphore(%run_scoped3A : memref<!tpu.dma_semaphore, #tpu.memory_space<semaphore_mem>>)
      %dma_wait3A = arith.constant 0 : i32
      %dma_wait3A_43 = tpu.memref_slice %arg4[%mul3A_3, %dma_wait3A] : memref<1280x256xi32, #tpu.memory_space<hbm>> -> memref<80x256xi32, #tpu.memory_space<hbm>>
      %dma_wait3A_44 = arith.constant 0 : i32
      %dma_wait3A_45 = tpu.memref_slice %arg4[%mul3A_3, %dma_wait3A_44] : memref<1280x256xi32, #tpu.memory_space<hbm>> -> memref<80x256xi32, #tpu.memory_space<hbm>>
      tpu.wait_dma2 semaphore(%run_scoped3A : memref<!tpu.dma_semaphore, #tpu.memory_space<semaphore_mem>>) src(%dma_wait3A_45 : memref<80x256xi32, #tpu.memory_space<hbm>>) dst(%arg7 : memref<80x256xi32, #tpu.memory_space<vmem>>)
      tpu.yield
    }) : () -> ()
    %scan3A = arith.constant 0 : i32
    %scan3A_4 = arith.constant 256 : i32
    %scan3A_5 = arith.addi %scan3A, %scan3A_4 : i32
    %scan3A_6 = arith.constant 1 : i32
    scf.for %scan3A_39 = %scan3A to %scan3A_5 step %scan3A_6  : i32 {
      %mul3A_40 = arith.constant 1 : i32
      %mul3A_41 = arith.muli %scan3A_39, %mul3A_40 : i32
      %add3A_42 = arith.constant 0 : i32
      %add3A_43 = arith.addi %add3A_42, %mul3A_41 : i32
      %swap3A = arith.index_cast %add3A_43 : i32 to index
      %swap3A_44 = arith.constant 0 : index
      %swap3A_45 = tpu.vector_load %arg8[%swap3A, %swap3A_44] {strides = array<i32>} : memref<256x32xf32, #tpu.memory_space<vmem>>, vector<16xf32>,
      tpu.vector_store %arg8[%swap3A, %swap3A_44], %broadcast_in_dim3A_0 {strides = array<i32>} : memref<256x32xf32, #tpu.memory_space<vmem>>, vector<16xf32>,
      %swap3A_46 = arith.index_cast %add3A_43 : i32 to index
      %swap3A_47 = arith.constant 16 : index
      %swap3A_48 = tpu.vector_load %arg8[%swap3A_46, %swap3A_47] {strides = array<i32>} : memref<256x32xf32, #tpu.memory_space<vmem>>, vector<16xf32>,
      tpu.vector_store %arg8[%swap3A_46, %swap3A_47], %broadcast_in_dim3A_0 {strides = array<i32>} : memref<256x32xf32, #tpu.memory_space<vmem>>, vector<16xf32>,
    }
    %scan3A_7 = arith.constant 256 : i32
    %mul3A_8 = arith.constant 632 : i32
    %mul3A_9 = arith.muli %arg1, %mul3A_8 : i32
    %add3A = arith.constant 0 : i32
    %add3A_10 = arith.addi %mul3A_9, %add3A : i32
    "tpu.region"() ({
      %run_scoped3A = tpu.sem_alloc : memref<!tpu.dma_semaphore, #tpu.memory_space<semaphore_mem>>
      %dma_start3A_39 = arith.constant 0 : i32
      %dma_start3A_40 = arith.constant 0 : i32
      %dma_start3A_41 = tpu.memref_slice %arg8[%dma_start3A_39, %dma_start3A_40] : memref<256x32xf32, #tpu.memory_space<vmem>> -> memref<256x32xf32, #tpu.memory_space<vmem>>
      %dma_start3A_42 = arith.constant 0 : i32
      %dma_start3A_43 = tpu.memref_slice %arg10[%add3A_10, %dma_start3A_42] : memref<10112x32xf32, #tpu.memory_space<vmem_shared>> -> memref<256x32xf32, #tpu.memory_space<vmem_shared>>
      %dma_start3A_44 = arith.constant 0 : i32
      %dma_start3A_45 = tpu.memref_slice %arg10[%add3A_10, %dma_start3A_44] : memref<10112x32xf32, #tpu.memory_space<vmem_shared>> -> memref<256x32xf32, #tpu.memory_space<vmem_shared>>
      %dma_start3A_46 = arith.constant 0 : i32
      %dma_start3A_47 = arith.constant 0 : i32
      %dma_start3A_48 = tpu.memref_slice %arg8[%dma_start3A_46, %dma_start3A_47] : memref<256x32xf32, #tpu.memory_space<vmem>> -> memref<256x32xf32, #tpu.memory_space<vmem>>
      tpu.enqueue_dma source(%dma_start3A_48 : memref<256x32xf32, #tpu.memory_space<vmem>>) target(%dma_start3A_45 : memref<256x32xf32, #tpu.memory_space<vmem_shared>>) target_semaphore(%run_scoped3A : memref<!tpu.dma_semaphore, #tpu.memory_space<semaphore_mem>>)
      %dma_wait3A = arith.constant 0 : i32
      %dma_wait3A_49 = arith.constant 0 : i32
      %dma_wait3A_50 = tpu.memref_slice %arg8[%dma_wait3A, %dma_wait3A_49] : memref<256x32xf32, #tpu.memory_space<vmem>> -> memref<256x32xf32, #tpu.memory_space<vmem>>
      %dma_wait3A_51 = arith.constant 0 : i32
      %dma_wait3A_52 = tpu.memref_slice %arg10[%add3A_10, %dma_wait3A_51] : memref<10112x32xf32, #tpu.memory_space<vmem_shared>> -> memref<256x32xf32, #tpu.memory_space<vmem_shared>>
      %dma_wait3A_53 = arith.constant 0 : i32
      %dma_wait3A_54 = tpu.memref_slice %arg10[%add3A_10, %dma_wait3A_53] : memref<10112x32xf32, #tpu.memory_space<vmem_shared>> -> memref<256x32xf32, #tpu.memory_space<vmem_shared>>
      %dma_wait3A_55 = arith.constant 0 : i32
      %dma_wait3A_56 = arith.constant 0 : i32
      %dma_wait3A_57 = tpu.memref_slice %arg8[%dma_wait3A_55, %dma_wait3A_56] : memref<256x32xf32, #tpu.memory_space<vmem>> -> memref<256x32xf32, #tpu.memory_space<vmem>>
      tpu.wait_dma2 semaphore(%run_scoped3A : memref<!tpu.dma_semaphore, #tpu.memory_space<semaphore_mem>>) src(%dma_wait3A_57 : memref<256x32xf32, #tpu.memory_space<vmem>>) dst(%dma_wait3A_54 : memref<256x32xf32, #tpu.memory_space<vmem_shared>>)
      tpu.yield
    }) : () -> ()
    %mul3A_11 = arith.constant 632 : i32
    %mul3A_12 = arith.muli %arg1, %mul3A_11 : i32
    %add3A_13 = arith.constant 256 : i32
    %add3A_14 = arith.addi %mul3A_12, %add3A_13 : i32
    "tpu.region"() ({
      %run_scoped3A = tpu.sem_alloc : memref<!tpu.dma_semaphore, #tpu.memory_space<semaphore_mem>>
      %dma_start3A_39 = arith.constant 0 : i32
      %dma_start3A_40 = arith.constant 0 : i32
      %dma_start3A_41 = tpu.memref_slice %arg8[%dma_start3A_39, %dma_start3A_40] : memref<256x32xf32, #tpu.memory_space<vmem>> -> memref<256x32xf32, #tpu.memory_space<vmem>>
      %dma_start3A_42 = arith.constant 0 : i32
      %dma_start3A_43 = tpu.memref_slice %arg10[%add3A_14, %dma_start3A_42] : memref<10112x32xf32, #tpu.memory_space<vmem_shared>> -> memref<256x32xf32, #tpu.memory_space<vmem_shared>>
      %dma_start3A_44 = arith.constant 0 : i32
      %dma_start3A_45 = tpu.memref_slice %arg10[%add3A_14, %dma_start3A_44] : memref<10112x32xf32, #tpu.memory_space<vmem_shared>> -> memref<256x32xf32, #tpu.memory_space<vmem_shared>>
      %dma_start3A_46 = arith.constant 0 : i32
      %dma_start3A_47 = arith.constant 0 : i32
      %dma_start3A_48 = tpu.memref_slice %arg8[%dma_start3A_46, %dma_start3A_47] : memref<256x32xf32, #tpu.memory_space<vmem>> -> memref<256x32xf32, #tpu.memory_space<vmem>>
      tpu.enqueue_dma source(%dma_start3A_48 : memref<256x32xf32, #tpu.memory_space<vmem>>) target(%dma_start3A_45 : memref<256x32xf32, #tpu.memory_space<vmem_shared>>) target_semaphore(%run_scoped3A : memref<!tpu.dma_semaphore, #tpu.memory_space<semaphore_mem>>)
      %dma_wait3A = arith.constant 0 : i32
      %dma_wait3A_49 = arith.constant 0 : i32
      %dma_wait3A_50 = tpu.memref_slice %arg8[%dma_wait3A, %dma_wait3A_49] : memref<256x32xf32, #tpu.memory_space<vmem>> -> memref<256x32xf32, #tpu.memory_space<vmem>>
      %dma_wait3A_51 = arith.constant 0 : i32
      %dma_wait3A_52 = tpu.memref_slice %arg10[%add3A_14, %dma_wait3A_51] : memref<10112x32xf32, #tpu.memory_space<vmem_shared>> -> memref<256x32xf32, #tpu.memory_space<vmem_shared>>
      %dma_wait3A_53 = arith.constant 0 : i32
      %dma_wait3A_54 = tpu.memref_slice %arg10[%add3A_14, %dma_wait3A_53] : memref<10112x32xf32, #tpu.memory_space<vmem_shared>> -> memref<256x32xf32, #tpu.memory_space<vmem_shared>>
      %dma_wait3A_55 = arith.constant 0 : i32
      %dma_wait3A_56 = arith.constant 0 : i32
      %dma_wait3A_57 = tpu.memref_slice %arg8[%dma_wait3A_55, %dma_wait3A_56] : memref<256x32xf32, #tpu.memory_space<vmem>> -> memref<256x32xf32, #tpu.memory_space<vmem>>
      tpu.wait_dma2 semaphore(%run_scoped3A : memref<!tpu.dma_semaphore, #tpu.memory_space<semaphore_mem>>) src(%dma_wait3A_57 : memref<256x32xf32, #tpu.memory_space<vmem>>) dst(%dma_wait3A_54 : memref<256x32xf32, #tpu.memory_space<vmem_shared>>)
      tpu.yield
    }) : () -> ()
    %mul3A_15 = arith.constant 632 : i32
    %mul3A_16 = arith.muli %arg1, %mul3A_15 : i32
    %add3A_17 = arith.constant 512 : i32
    %add3A_18 = arith.addi %mul3A_16, %add3A_17 : i32
    "tpu.region"() ({
      %run_scoped3A = tpu.sem_alloc : memref<!tpu.dma_semaphore, #tpu.memory_space<semaphore_mem>>
      %dma_start3A_39 = arith.constant 0 : i32
      %dma_start3A_40 = arith.constant 0 : i32
      %dma_start3A_41 = tpu.memref_slice %arg8[%dma_start3A_39, %dma_start3A_40] : memref<256x32xf32, #tpu.memory_space<vmem>> -> memref<120x32xf32, #tpu.memory_space<vmem>>
      %dma_start3A_42 = arith.constant 0 : i32
      %dma_start3A_43 = tpu.memref_slice %arg10[%add3A_18, %dma_start3A_42] : memref<10112x32xf32, #tpu.memory_space<vmem_shared>> -> memref<120x32xf32, #tpu.memory_space<vmem_shared>>
      %dma_start3A_44 = arith.constant 0 : i32
      %dma_start3A_45 = tpu.memref_slice %arg10[%add3A_18, %dma_start3A_44] : memref<10112x32xf32, #tpu.memory_space<vmem_shared>> -> memref<120x32xf32, #tpu.memory_space<vmem_shared>>
      %dma_start3A_46 = arith.constant 0 : i32
      %dma_start3A_47 = arith.constant 0 : i32
      %dma_start3A_48 = tpu.memref_slice %arg8[%dma_start3A_46, %dma_start3A_47] : memref<256x32xf32, #tpu.memory_space<vmem>> -> memref<120x32xf32, #tpu.memory_space<vmem>>
      tpu.enqueue_dma source(%dma_start3A_48 : memref<120x32xf32, #tpu.memory_space<vmem>>) target(%dma_start3A_45 : memref<120x32xf32, #tpu.memory_space<vmem_shared>>) target_semaphore(%run_scoped3A : memref<!tpu.dma_semaphore, #tpu.memory_space<semaphore_mem>>)
      %dma_wait3A = arith.constant 0 : i32
      %dma_wait3A_49 = arith.constant 0 : i32
      %dma_wait3A_50 = tpu.memref_slice %arg8[%dma_wait3A, %dma_wait3A_49] : memref<256x32xf32, #tpu.memory_space<vmem>> -> memref<120x32xf32, #tpu.memory_space<vmem>>
      %dma_wait3A_51 = arith.constant 0 : i32
      %dma_wait3A_52 = tpu.memref_slice %arg10[%add3A_18, %dma_wait3A_51] : memref<10112x32xf32, #tpu.memory_space<vmem_shared>> -> memref<120x32xf32, #tpu.memory_space<vmem_shared>>
      %dma_wait3A_53 = arith.constant 0 : i32
      %dma_wait3A_54 = tpu.memref_slice %arg10[%add3A_18, %dma_wait3A_53] : memref<10112x32xf32, #tpu.memory_space<vmem_shared>> -> memref<120x32xf32, #tpu.memory_space<vmem_shared>>
      %dma_wait3A_55 = arith.constant 0 : i32
      %dma_wait3A_56 = arith.constant 0 : i32
      %dma_wait3A_57 = tpu.memref_slice %arg8[%dma_wait3A_55, %dma_wait3A_56] : memref<256x32xf32, #tpu.memory_space<vmem>> -> memref<120x32xf32, #tpu.memory_space<vmem>>
      tpu.wait_dma2 semaphore(%run_scoped3A : memref<!tpu.dma_semaphore, #tpu.memory_space<semaphore_mem>>) src(%dma_wait3A_57 : memref<120x32xf32, #tpu.memory_space<vmem>>) dst(%dma_wait3A_54 : memref<120x32xf32, #tpu.memory_space<vmem_shared>>)
      tpu.yield
    }) : () -> ()
    %barrier3A = arith.constant 0 : index
    tpu.barrier barrier_id(%barrier3A)
    %dma_start3A = arith.constant 0 : i32
    %dma_start3A_19 = arith.constant 0 : i32
    %dma_start3A_20 = tpu.memref_slice %arg6[%dma_start3A, %dma_start3A_19] : memref<80x256xi32, #tpu.memory_space<vmem>> -> memref<1x256xi32, #tpu.memory_space<vmem>>
    %dma_start3A_21 = tpu.memref_squeeze %dma_start3A_20 : memref<1x256xi32, #tpu.memory_space<vmem>> -> memref<256xi32, #tpu.memory_space<vmem>>
    %dma_start3A_22 = arith.constant 0 : i32
    %dma_start3A_23 = arith.constant 0 : i32
    %dma_start3A_24 = tpu.memref_slice %arg2[%arg0, %dma_start3A_22, %dma_start3A_23] : memref<2x10112x32xf32, #tpu.memory_space<hbm>> -> memref<1x10112x32xf32, #tpu.memory_space<hbm>>
    %dma_start3A_25 = tpu.memref_squeeze %dma_start3A_24 : memref<1x10112x32xf32, #tpu.memory_space<hbm>> -> memref<10112x32xf32, #tpu.memory_space<hbm>>
    %dma_start3A_26 = arith.constant 0 : i32
    %dma_start3A_27 = arith.constant 0 : i32
    %dma_start3A_28 = tpu.memref_slice %dma_start3A_25[%dma_start3A_26, %dma_start3A_27] : memref<10112x32xf32, #tpu.memory_space<hbm>> -> memref<10112x32xf32, #tpu.memory_space<hbm>>
    tpu.enqueue_indirect_dma source(%dma_start3A_28 : memref<10112x32xf32, #tpu.memory_space<hbm>>) target(%arg8 : memref<256x32xf32, #tpu.memory_space<vmem>>) offsets(%dma_start3A_21 : memref<256xi32, #tpu.memory_space<vmem>>) semaphore(%arg11 : memref<!tpu.dma_semaphore, #tpu.memory_space<semaphore_mem>>)
    %scan3A_29 = arith.constant 0 : i32
    %scan3A_30 = arith.constant 40 : i32
    %scan3A_31 = arith.addi %scan3A_29, %scan3A_30 : i32
    %scan3A_32 = arith.constant 1 : i32
    scf.for %scan3A_39 = %scan3A_29 to %scan3A_31 step %scan3A_32  : i32 {
      %mul3A_40 = arith.constant 1 : i32
      %mul3A_41 = arith.muli %scan3A_39, %mul3A_40 : i32
      %add3A_42 = arith.constant 0 : i32
      %add3A_43 = arith.addi %add3A_42, %mul3A_41 : i32
      %mul3A_44 = arith.constant 2 : i32
      %mul3A_45 = arith.muli %mul3A_44, %add3A_43 : i32
      %add3A_46 = arith.constant 1 : i32
      %add3A_47 = arith.addi %mul3A_45, %add3A_46 : i32
      %dma_start3A_48 = arith.constant 0 : i32
      %dma_start3A_49 = tpu.memref_slice %arg6[%add3A_47, %dma_start3A_48] : memref<80x256xi32, #tpu.memory_space<vmem>> -> memref<1x256xi32, #tpu.memory_space<vmem>>
      %dma_start3A_50 = tpu.memref_squeeze %dma_start3A_49 : memref<1x256xi32, #tpu.memory_space<vmem>> -> memref<256xi32, #tpu.memory_space<vmem>>
      %dma_start3A_51 = arith.constant 0 : i32
      %dma_start3A_52 = arith.constant 0 : i32
      %dma_start3A_53 = tpu.memref_slice %arg2[%arg0, %dma_start3A_51, %dma_start3A_52] : memref<2x10112x32xf32, #tpu.memory_space<hbm>> -> memref<1x10112x32xf32, #tpu.memory_space<hbm>>
      %dma_start3A_54 = tpu.memref_squeeze %dma_start3A_53 : memref<1x10112x32xf32, #tpu.memory_space<hbm>> -> memref<10112x32xf32, #tpu.memory_space<hbm>>
      %dma_start3A_55 = arith.constant 0 : i32
      %dma_start3A_56 = arith.constant 0 : i32
      %dma_start3A_57 = tpu.memref_slice %dma_start3A_54[%dma_start3A_55, %dma_start3A_56] : memref<10112x32xf32, #tpu.memory_space<hbm>> -> memref<10112x32xf32, #tpu.memory_space<hbm>>
      tpu.enqueue_indirect_dma source(%dma_start3A_57 : memref<10112x32xf32, #tpu.memory_space<hbm>>) target(%arg9 : memref<256x32xf32, #tpu.memory_space<vmem>>) offsets(%dma_start3A_50 : memref<256xi32, #tpu.memory_space<vmem>>) semaphore(%arg12 : memref<!tpu.dma_semaphore, #tpu.memory_space<semaphore_mem>>)
      %dma_wait3A = arith.constant 0 : i32
      %dma_wait3A_58 = tpu.memref_slice %arg6[%mul3A_45, %dma_wait3A] : memref<80x256xi32, #tpu.memory_space<vmem>> -> memref<1x256xi32, #tpu.memory_space<vmem>>
      %dma_wait3A_59 = tpu.memref_squeeze %dma_wait3A_58 : memref<1x256xi32, #tpu.memory_space<vmem>> -> memref<256xi32, #tpu.memory_space<vmem>>
      %dma_wait3A_60 = arith.constant 0 : i32
      %dma_wait3A_61 = arith.constant 0 : i32
      %dma_wait3A_62 = tpu.memref_slice %arg2[%arg0, %dma_wait3A_60, %dma_wait3A_61] : memref<2x10112x32xf32, #tpu.memory_space<hbm>> -> memref<1x10112x32xf32, #tpu.memory_space<hbm>>
      %dma_wait3A_63 = tpu.memref_squeeze %dma_wait3A_62 : memref<1x10112x32xf32, #tpu.memory_space<hbm>> -> memref<10112x32xf32, #tpu.memory_space<hbm>>
      %dma_wait3A_64 = arith.constant 0 : i32
      %dma_wait3A_65 = arith.constant 0 : i32
      %dma_wait3A_66 = tpu.memref_slice %dma_wait3A_63[%dma_wait3A_64, %dma_wait3A_65] : memref<10112x32xf32, #tpu.memory_space<hbm>> -> memref<10112x32xf32, #tpu.memory_space<hbm>>
      tpu.wait_indirect_dma semaphore(%arg11 : memref<!tpu.dma_semaphore, #tpu.memory_space<semaphore_mem>>) src(%dma_wait3A_66 : memref<10112x32xf32, #tpu.memory_space<hbm>>) dst(%arg8 : memref<256x32xf32, #tpu.memory_space<vmem>>)
      "tpu.region"() ({
        %run_scoped3A = tpu.sem_alloc : memref<!tpu.dma_semaphore, #tpu.memory_space<semaphore_mem>>
        %dma_start3A_85 = arith.constant 0 : i32
        %dma_start3A_86 = tpu.memref_slice %arg7[%mul3A_45, %dma_start3A_85] : memref<80x256xi32, #tpu.memory_space<vmem>> -> memref<1x256xi32, #tpu.memory_space<vmem>>
        %dma_start3A_87 = tpu.memref_squeeze %dma_start3A_86 : memref<1x256xi32, #tpu.memory_space<vmem>> -> memref<256xi32, #tpu.memory_space<vmem>>
        %dma_start3A_88 = arith.constant 0 : i32
        %dma_start3A_89 = arith.constant 0 : i32
        %dma_start3A_90 = tpu.memref_slice %arg10[%dma_start3A_88, %dma_start3A_89] : memref<10112x32xf32, #tpu.memory_space<vmem_shared>> -> memref<10112x32xf32, #tpu.memory_space<vmem_shared>>
        tpu.enqueue_indirect_dma source(%arg8 : memref<256x32xf32, #tpu.memory_space<vmem>>) target(%dma_start3A_90 : memref<10112x32xf32, #tpu.memory_space<vmem_shared>>) offsets(%dma_start3A_87 : memref<256xi32, #tpu.memory_space<vmem>>) semaphore(%run_scoped3A : memref<!tpu.dma_semaphore, #tpu.memory_space<semaphore_mem>>) {add = true}
        %dma_wait3A_91 = arith.constant 0 : i32
        %dma_wait3A_92 = tpu.memref_slice %arg7[%mul3A_45, %dma_wait3A_91] : memref<80x256xi32, #tpu.memory_space<vmem>> -> memref<1x256xi32, #tpu.memory_space<vmem>>
        %dma_wait3A_93 = tpu.memref_squeeze %dma_wait3A_92 : memref<1x256xi32, #tpu.memory_space<vmem>> -> memref<256xi32, #tpu.memory_space<vmem>>
        %dma_wait3A_94 = arith.constant 0 : i32
        %dma_wait3A_95 = arith.constant 0 : i32
        %dma_wait3A_96 = tpu.memref_slice %arg10[%dma_wait3A_94, %dma_wait3A_95] : memref<10112x32xf32, #tpu.memory_space<vmem_shared>> -> memref<10112x32xf32, #tpu.memory_space<vmem_shared>>
        tpu.wait_indirect_dma semaphore(%run_scoped3A : memref<!tpu.dma_semaphore, #tpu.memory_space<semaphore_mem>>) src(%arg8 : memref<256x32xf32, #tpu.memory_space<vmem>>) dst(%dma_wait3A_96 : memref<10112x32xf32, #tpu.memory_space<vmem_shared>>)
        tpu.yield
      }) : () -> ()
      %add3A_67 = arith.constant 1 : i32
      %add3A_68 = arith.addi %add3A_43, %add3A_67 : i32
      %lt3A = arith.constant 40 : i32
      %lt3A_69 = arith.cmpi slt, %add3A_68, %lt3A : i32
      %convert_element_type3A = arith.extui %lt3A_69 : i1 to i32
      %cond3A = arith.constant 0 : i32
      %cond3A_70 = arith.cmpi ne, %convert_element_type3A, %cond3A : i32
      scf.if %cond3A_70 {
        %add3A_85 = arith.constant 2 : i32
        %add3A_86 = arith.addi %mul3A_45, %add3A_85 : i32
        %dma_start3A_87 = arith.constant 0 : i32
        %dma_start3A_88 = tpu.memref_slice %arg6[%add3A_86, %dma_start3A_87] : memref<80x256xi32, #tpu.memory_space<vmem>> -> memref<1x256xi32, #tpu.memory_space<vmem>>
        %dma_start3A_89 = tpu.memref_squeeze %dma_start3A_88 : memref<1x256xi32, #tpu.memory_space<vmem>> -> memref<256xi32, #tpu.memory_space<vmem>>
        %dma_start3A_90 = arith.constant 0 : i32
        %dma_start3A_91 = arith.constant 0 : i32
        %dma_start3A_92 = tpu.memref_slice %arg2[%arg0, %dma_start3A_90, %dma_start3A_91] : memref<2x10112x32xf32, #tpu.memory_space<hbm>> -> memref<1x10112x32xf32, #tpu.memory_space<hbm>>
        %dma_start3A_93 = tpu.memref_squeeze %dma_start3A_92 : memref<1x10112x32xf32, #tpu.memory_space<hbm>> -> memref<10112x32xf32, #tpu.memory_space<hbm>>
        %dma_start3A_94 = arith.constant 0 : i32
        %dma_start3A_95 = arith.constant 0 : i32
        %dma_start3A_96 = tpu.memref_slice %dma_start3A_93[%dma_start3A_94, %dma_start3A_95] : memref<10112x32xf32, #tpu.memory_space<hbm>> -> memref<10112x32xf32, #tpu.memory_space<hbm>>
        tpu.enqueue_indirect_dma source(%dma_start3A_96 : memref<10112x32xf32, #tpu.memory_space<hbm>>) target(%arg8 : memref<256x32xf32, #tpu.memory_space<vmem>>) offsets(%dma_start3A_89 : memref<256xi32, #tpu.memory_space<vmem>>) semaphore(%arg11 : memref<!tpu.dma_semaphore, #tpu.memory_space<semaphore_mem>>)
      } else {
      }
      %add3A_71 = arith.constant 1 : i32
      %add3A_72 = arith.addi %mul3A_45, %add3A_71 : i32
      %dma_wait3A_73 = arith.constant 0 : i32
      %dma_wait3A_74 = tpu.memref_slice %arg6[%add3A_72, %dma_wait3A_73] : memref<80x256xi32, #tpu.memory_space<vmem>> -> memref<1x256xi32, #tpu.memory_space<vmem>>
      %dma_wait3A_75 = tpu.memref_squeeze %dma_wait3A_74 : memref<1x256xi32, #tpu.memory_space<vmem>> -> memref<256xi32, #tpu.memory_space<vmem>>
      %dma_wait3A_76 = arith.constant 0 : i32
      %dma_wait3A_77 = arith.constant 0 : i32
      %dma_wait3A_78 = tpu.memref_slice %arg2[%arg0, %dma_wait3A_76, %dma_wait3A_77] : memref<2x10112x32xf32, #tpu.memory_space<hbm>> -> memref<1x10112x32xf32, #tpu.memory_space<hbm>>
      %dma_wait3A_79 = tpu.memref_squeeze %dma_wait3A_78 : memref<1x10112x32xf32, #tpu.memory_space<hbm>> -> memref<10112x32xf32, #tpu.memory_space<hbm>>
      %dma_wait3A_80 = arith.constant 0 : i32
      %dma_wait3A_81 = arith.constant 0 : i32
      %dma_wait3A_82 = tpu.memref_slice %dma_wait3A_79[%dma_wait3A_80, %dma_wait3A_81] : memref<10112x32xf32, #tpu.memory_space<hbm>> -> memref<10112x32xf32, #tpu.memory_space<hbm>>
      tpu.wait_indirect_dma semaphore(%arg12 : memref<!tpu.dma_semaphore, #tpu.memory_space<semaphore_mem>>) src(%dma_wait3A_82 : memref<10112x32xf32, #tpu.memory_space<hbm>>) dst(%arg9 : memref<256x32xf32, #tpu.memory_space<vmem>>)
      %add3A_83 = arith.constant 1 : i32
      %add3A_84 = arith.addi %mul3A_45, %add3A_83 : i32
      "tpu.region"() ({
        %run_scoped3A = tpu.sem_alloc : memref<!tpu.dma_semaphore, #tpu.memory_space<semaphore_mem>>
        %dma_start3A_85 = arith.constant 0 : i32
        %dma_start3A_86 = tpu.memref_slice %arg7[%add3A_84, %dma_start3A_85] : memref<80x256xi32, #tpu.memory_space<vmem>> -> memref<1x256xi32, #tpu.memory_space<vmem>>
        %dma_start3A_87 = tpu.memref_squeeze %dma_start3A_86 : memref<1x256xi32, #tpu.memory_space<vmem>> -> memref<256xi32, #tpu.memory_space<vmem>>
        %dma_start3A_88 = arith.constant 0 : i32
        %dma_start3A_89 = arith.constant 0 : i32
        %dma_start3A_90 = tpu.memref_slice %arg10[%dma_start3A_88, %dma_start3A_89] : memref<10112x32xf32, #tpu.memory_space<vmem_shared>> -> memref<10112x32xf32, #tpu.memory_space<vmem_shared>>
        tpu.enqueue_indirect_dma source(%arg9 : memref<256x32xf32, #tpu.memory_space<vmem>>) target(%dma_start3A_90 : memref<10112x32xf32, #tpu.memory_space<vmem_shared>>) offsets(%dma_start3A_87 : memref<256xi32, #tpu.memory_space<vmem>>) semaphore(%run_scoped3A : memref<!tpu.dma_semaphore, #tpu.memory_space<semaphore_mem>>) {add = true}
        %dma_wait3A_91 = arith.constant 0 : i32
        %dma_wait3A_92 = tpu.memref_slice %arg7[%add3A_84, %dma_wait3A_91] : memref<80x256xi32, #tpu.memory_space<vmem>> -> memref<1x256xi32, #tpu.memory_space<vmem>>
        %dma_wait3A_93 = tpu.memref_squeeze %dma_wait3A_92 : memref<1x256xi32, #tpu.memory_space<vmem>> -> memref<256xi32, #tpu.memory_space<vmem>>
        %dma_wait3A_94 = arith.constant 0 : i32
        %dma_wait3A_95 = arith.constant 0 : i32
        %dma_wait3A_96 = tpu.memref_slice %arg10[%dma_wait3A_94, %dma_wait3A_95] : memref<10112x32xf32, #tpu.memory_space<vmem_shared>> -> memref<10112x32xf32, #tpu.memory_space<vmem_shared>>
        tpu.wait_indirect_dma semaphore(%run_scoped3A : memref<!tpu.dma_semaphore, #tpu.memory_space<semaphore_mem>>) src(%arg9 : memref<256x32xf32, #tpu.memory_space<vmem>>) dst(%dma_wait3A_96 : memref<10112x32xf32, #tpu.memory_space<vmem_shared>>)
        tpu.yield
      }) : () -> ()
    }
    %scan3A_33 = arith.constant 40 : i32
    %barrier3A_34 = arith.constant 0 : index
    tpu.barrier barrier_id(%barrier3A_34)
    %mul3A_35 = arith.constant 632 : i32
    %mul3A_36 = arith.muli %arg1, %mul3A_35 : i32
    %mul3A_37 = arith.constant 632 : i32
    %mul3A_38 = arith.muli %arg1, %mul3A_37 : i32
    "tpu.region"() ({
      %run_scoped3A = tpu.sem_alloc : memref<!tpu.dma_semaphore, #tpu.memory_space<semaphore_mem>>
      %dma_start3A_39 = arith.constant 0 : i32
      %dma_start3A_40 = tpu.memref_slice %arg5[%arg0, %mul3A_38, %dma_start3A_39] : memref<2x10112x32xf32, #tpu.memory_space<hbm>> -> memref<1x632x32xf32, #tpu.memory_space<hbm>>
      %dma_start3A_41 = tpu.memref_squeeze %dma_start3A_40 : memref<1x632x32xf32, #tpu.memory_space<hbm>> -> memref<632x32xf32, #tpu.memory_space<hbm>>
      %dma_start3A_42 = arith.constant 0 : i32
      %dma_start3A_43 = tpu.memref_slice %arg10[%mul3A_36, %dma_start3A_42] : memref<10112x32xf32, #tpu.memory_space<vmem_shared>> -> memref<632x32xf32, #tpu.memory_space<vmem_shared>>
      tpu.enqueue_dma source(%dma_start3A_43 : memref<632x32xf32, #tpu.memory_space<vmem_shared>>) target(%dma_start3A_41 : memref<632x32xf32, #tpu.memory_space<hbm>>) target_semaphore(%run_scoped3A : memref<!tpu.dma_semaphore, #tpu.memory_space<semaphore_mem>>)
      %dma_wait3A = arith.constant 0 : i32
      %dma_wait3A_44 = tpu.memref_slice %arg5[%arg0, %mul3A_38, %dma_wait3A] : memref<2x10112x32xf32, #tpu.memory_space<hbm>> -> memref<1x632x32xf32, #tpu.memory_space<hbm>>
      %dma_wait3A_45 = tpu.memref_squeeze %dma_wait3A_44 : memref<1x632x32xf32, #tpu.memory_space<hbm>> -> memref<632x32xf32, #tpu.memory_space<hbm>>
      %dma_wait3A_46 = arith.constant 0 : i32
      %dma_wait3A_47 = tpu.memref_slice %arg10[%mul3A_36, %dma_wait3A_46] : memref<10112x32xf32, #tpu.memory_space<vmem_shared>> -> memref<632x32xf32, #tpu.memory_space<vmem_shared>>
      tpu.wait_dma2 semaphore(%run_scoped3A : memref<!tpu.dma_semaphore, #tpu.memory_space<semaphore_mem>>) src(%dma_wait3A_47 : memref<632x32xf32, #tpu.memory_space<vmem_shared>>) dst(%dma_wait3A_45 : memref<632x32xf32, #tpu.memory_space<hbm>>)
      tpu.yield
    }) : () -> ()
    return
  }
}

#map = affine_map<(d0, d1) -> (0, 0, 0)>
#map1 = affine_map<(d0, d1) -> (0, 0)>
module attributes {stable_mosaic.version = 14 : i64} {
  func.func @agg_kernel(%arg0: i32, %arg1: i32, %arg2: memref<2x10112x64xf32, #tpu.memory_space<hbm>>, %arg3: memref<1280x256xi32, #tpu.memory_space<hbm>>, %arg4: memref<1280x256xi32, #tpu.memory_space<hbm>>, %arg5: memref<2x10112x64xf32, #tpu.memory_space<hbm>>, %arg6: memref<80x256xi32, #tpu.memory_space<vmem>>, %arg7: memref<80x256xi32, #tpu.memory_space<vmem>>, %arg8: memref<256x64xf32, #tpu.memory_space<vmem>>, %arg9: memref<256x64xf32, #tpu.memory_space<vmem>>, %arg10: memref<10112x64xf32, #tpu.memory_space<vmem_shared>>, %arg11: memref<!tpu.dma_semaphore, #tpu.memory_space<semaphore_mem>>, %arg12: memref<!tpu.dma_semaphore, #tpu.memory_space<semaphore_mem>>) attributes {dimension_semantics = [#tpu.dimension_semantics<core_parallel>, #tpu.dimension_semantics<subcore_parallel>], iteration_bounds = array<i64: 2, 16>, scalar_prefetch = 0 : i64, scratch_operands = 7 : i64, tpu.core_type = #tpu.core_type<sc_vector_subcore>, window_params = [{transform_indices = #map}, {transform_indices = #map1}, {transform_indices = #map1}, {transform_indices = #map}]} {
    %broadcast_in_dim3A = arith.constant 0.000000e+00 : f32
    %broadcast_in_dim3A_0 = vector.broadcast %broadcast_in_dim3A : f32 to vector<16xf32>
    %mul3A = arith.constant 80 : i32
    %mul3A_1 = arith.muli %arg1, %mul3A : i32
    "tpu.region"() ({
      %run_scoped3A = tpu.sem_alloc : memref<!tpu.dma_semaphore, #tpu.memory_space<semaphore_mem>>
      %dma_start3A_39 = arith.constant 0 : i32
      %dma_start3A_40 = tpu.memref_slice %arg3[%mul3A_1, %dma_start3A_39] : memref<1280x256xi32, #tpu.memory_space<hbm>> -> memref<80x256xi32, #tpu.memory_space<hbm>>
      %dma_start3A_41 = arith.constant 0 : i32
      %dma_start3A_42 = tpu.memref_slice %arg3[%mul3A_1, %dma_start3A_41] : memref<1280x256xi32, #tpu.memory_space<hbm>> -> memref<80x256xi32, #tpu.memory_space<hbm>>
      tpu.enqueue_dma source(%dma_start3A_42 : memref<80x256xi32, #tpu.memory_space<hbm>>) target(%arg6 : memref<80x256xi32, #tpu.memory_space<vmem>>) target_semaphore(%run_scoped3A : memref<!tpu.dma_semaphore, #tpu.memory_space<semaphore_mem>>)
      %dma_wait3A = arith.constant 0 : i32
      %dma_wait3A_43 = tpu.memref_slice %arg3[%mul3A_1, %dma_wait3A] : memref<1280x256xi32, #tpu.memory_space<hbm>> -> memref<80x256xi32, #tpu.memory_space<hbm>>
      %dma_wait3A_44 = arith.constant 0 : i32
      %dma_wait3A_45 = tpu.memref_slice %arg3[%mul3A_1, %dma_wait3A_44] : memref<1280x256xi32, #tpu.memory_space<hbm>> -> memref<80x256xi32, #tpu.memory_space<hbm>>
      tpu.wait_dma2 semaphore(%run_scoped3A : memref<!tpu.dma_semaphore, #tpu.memory_space<semaphore_mem>>) src(%dma_wait3A_45 : memref<80x256xi32, #tpu.memory_space<hbm>>) dst(%arg6 : memref<80x256xi32, #tpu.memory_space<vmem>>)
      tpu.yield
    }) : () -> ()
    %mul3A_2 = arith.constant 80 : i32
    %mul3A_3 = arith.muli %arg1, %mul3A_2 : i32
    "tpu.region"() ({
      %run_scoped3A = tpu.sem_alloc : memref<!tpu.dma_semaphore, #tpu.memory_space<semaphore_mem>>
      %dma_start3A_39 = arith.constant 0 : i32
      %dma_start3A_40 = tpu.memref_slice %arg4[%mul3A_3, %dma_start3A_39] : memref<1280x256xi32, #tpu.memory_space<hbm>> -> memref<80x256xi32, #tpu.memory_space<hbm>>
      %dma_start3A_41 = arith.constant 0 : i32
      %dma_start3A_42 = tpu.memref_slice %arg4[%mul3A_3, %dma_start3A_41] : memref<1280x256xi32, #tpu.memory_space<hbm>> -> memref<80x256xi32, #tpu.memory_space<hbm>>
      tpu.enqueue_dma source(%dma_start3A_42 : memref<80x256xi32, #tpu.memory_space<hbm>>) target(%arg7 : memref<80x256xi32, #tpu.memory_space<vmem>>) target_semaphore(%run_scoped3A : memref<!tpu.dma_semaphore, #tpu.memory_space<semaphore_mem>>)
      %dma_wait3A = arith.constant 0 : i32
      %dma_wait3A_43 = tpu.memref_slice %arg4[%mul3A_3, %dma_wait3A] : memref<1280x256xi32, #tpu.memory_space<hbm>> -> memref<80x256xi32, #tpu.memory_space<hbm>>
      %dma_wait3A_44 = arith.constant 0 : i32
      %dma_wait3A_45 = tpu.memref_slice %arg4[%mul3A_3, %dma_wait3A_44] : memref<1280x256xi32, #tpu.memory_space<hbm>> -> memref<80x256xi32, #tpu.memory_space<hbm>>
      tpu.wait_dma2 semaphore(%run_scoped3A : memref<!tpu.dma_semaphore, #tpu.memory_space<semaphore_mem>>) src(%dma_wait3A_45 : memref<80x256xi32, #tpu.memory_space<hbm>>) dst(%arg7 : memref<80x256xi32, #tpu.memory_space<vmem>>)
      tpu.yield
    }) : () -> ()
    %scan3A = arith.constant 0 : i32
    %scan3A_4 = arith.constant 256 : i32
    %scan3A_5 = arith.addi %scan3A, %scan3A_4 : i32
    %scan3A_6 = arith.constant 1 : i32
    scf.for %scan3A_39 = %scan3A to %scan3A_5 step %scan3A_6  : i32 {
      %mul3A_40 = arith.constant 1 : i32
      %mul3A_41 = arith.muli %scan3A_39, %mul3A_40 : i32
      %add3A_42 = arith.constant 0 : i32
      %add3A_43 = arith.addi %add3A_42, %mul3A_41 : i32
      %swap3A = arith.index_cast %add3A_43 : i32 to index
      %swap3A_44 = arith.constant 0 : index
      %swap3A_45 = tpu.vector_load %arg8[%swap3A, %swap3A_44] {strides = array<i32>} : memref<256x64xf32, #tpu.memory_space<vmem>>, vector<16xf32>,
      tpu.vector_store %arg8[%swap3A, %swap3A_44], %broadcast_in_dim3A_0 {strides = array<i32>} : memref<256x64xf32, #tpu.memory_space<vmem>>, vector<16xf32>,
      %swap3A_46 = arith.index_cast %add3A_43 : i32 to index
      %swap3A_47 = arith.constant 16 : index
      %swap3A_48 = tpu.vector_load %arg8[%swap3A_46, %swap3A_47] {strides = array<i32>} : memref<256x64xf32, #tpu.memory_space<vmem>>, vector<16xf32>,
      tpu.vector_store %arg8[%swap3A_46, %swap3A_47], %broadcast_in_dim3A_0 {strides = array<i32>} : memref<256x64xf32, #tpu.memory_space<vmem>>, vector<16xf32>,
      %swap3A_49 = arith.index_cast %add3A_43 : i32 to index
      %swap3A_50 = arith.constant 32 : index
      %swap3A_51 = tpu.vector_load %arg8[%swap3A_49, %swap3A_50] {strides = array<i32>} : memref<256x64xf32, #tpu.memory_space<vmem>>, vector<16xf32>,
      tpu.vector_store %arg8[%swap3A_49, %swap3A_50], %broadcast_in_dim3A_0 {strides = array<i32>} : memref<256x64xf32, #tpu.memory_space<vmem>>, vector<16xf32>,
      %swap3A_52 = arith.index_cast %add3A_43 : i32 to index
      %swap3A_53 = arith.constant 48 : index
      %swap3A_54 = tpu.vector_load %arg8[%swap3A_52, %swap3A_53] {strides = array<i32>} : memref<256x64xf32, #tpu.memory_space<vmem>>, vector<16xf32>,
      tpu.vector_store %arg8[%swap3A_52, %swap3A_53], %broadcast_in_dim3A_0 {strides = array<i32>} : memref<256x64xf32, #tpu.memory_space<vmem>>, vector<16xf32>,
    }
    %scan3A_7 = arith.constant 256 : i32
    %mul3A_8 = arith.constant 632 : i32
    %mul3A_9 = arith.muli %arg1, %mul3A_8 : i32
    %add3A = arith.constant 0 : i32
    %add3A_10 = arith.addi %mul3A_9, %add3A : i32
    "tpu.region"() ({
      %run_scoped3A = tpu.sem_alloc : memref<!tpu.dma_semaphore, #tpu.memory_space<semaphore_mem>>
      %dma_start3A_39 = arith.constant 0 : i32
      %dma_start3A_40 = arith.constant 0 : i32
      %dma_start3A_41 = tpu.memref_slice %arg8[%dma_start3A_39, %dma_start3A_40] : memref<256x64xf32, #tpu.memory_space<vmem>> -> memref<256x64xf32, #tpu.memory_space<vmem>>
      %dma_start3A_42 = arith.constant 0 : i32
      %dma_start3A_43 = tpu.memref_slice %arg10[%add3A_10, %dma_start3A_42] : memref<10112x64xf32, #tpu.memory_space<vmem_shared>> -> memref<256x64xf32, #tpu.memory_space<vmem_shared>>
      %dma_start3A_44 = arith.constant 0 : i32
      %dma_start3A_45 = tpu.memref_slice %arg10[%add3A_10, %dma_start3A_44] : memref<10112x64xf32, #tpu.memory_space<vmem_shared>> -> memref<256x64xf32, #tpu.memory_space<vmem_shared>>
      %dma_start3A_46 = arith.constant 0 : i32
      %dma_start3A_47 = arith.constant 0 : i32
      %dma_start3A_48 = tpu.memref_slice %arg8[%dma_start3A_46, %dma_start3A_47] : memref<256x64xf32, #tpu.memory_space<vmem>> -> memref<256x64xf32, #tpu.memory_space<vmem>>
      tpu.enqueue_dma source(%dma_start3A_48 : memref<256x64xf32, #tpu.memory_space<vmem>>) target(%dma_start3A_45 : memref<256x64xf32, #tpu.memory_space<vmem_shared>>) target_semaphore(%run_scoped3A : memref<!tpu.dma_semaphore, #tpu.memory_space<semaphore_mem>>)
      %dma_wait3A = arith.constant 0 : i32
      %dma_wait3A_49 = arith.constant 0 : i32
      %dma_wait3A_50 = tpu.memref_slice %arg8[%dma_wait3A, %dma_wait3A_49] : memref<256x64xf32, #tpu.memory_space<vmem>> -> memref<256x64xf32, #tpu.memory_space<vmem>>
      %dma_wait3A_51 = arith.constant 0 : i32
      %dma_wait3A_52 = tpu.memref_slice %arg10[%add3A_10, %dma_wait3A_51] : memref<10112x64xf32, #tpu.memory_space<vmem_shared>> -> memref<256x64xf32, #tpu.memory_space<vmem_shared>>
      %dma_wait3A_53 = arith.constant 0 : i32
      %dma_wait3A_54 = tpu.memref_slice %arg10[%add3A_10, %dma_wait3A_53] : memref<10112x64xf32, #tpu.memory_space<vmem_shared>> -> memref<256x64xf32, #tpu.memory_space<vmem_shared>>
      %dma_wait3A_55 = arith.constant 0 : i32
      %dma_wait3A_56 = arith.constant 0 : i32
      %dma_wait3A_57 = tpu.memref_slice %arg8[%dma_wait3A_55, %dma_wait3A_56] : memref<256x64xf32, #tpu.memory_space<vmem>> -> memref<256x64xf32, #tpu.memory_space<vmem>>
      tpu.wait_dma2 semaphore(%run_scoped3A : memref<!tpu.dma_semaphore, #tpu.memory_space<semaphore_mem>>) src(%dma_wait3A_57 : memref<256x64xf32, #tpu.memory_space<vmem>>) dst(%dma_wait3A_54 : memref<256x64xf32, #tpu.memory_space<vmem_shared>>)
      tpu.yield
    }) : () -> ()
    %mul3A_11 = arith.constant 632 : i32
    %mul3A_12 = arith.muli %arg1, %mul3A_11 : i32
    %add3A_13 = arith.constant 256 : i32
    %add3A_14 = arith.addi %mul3A_12, %add3A_13 : i32
    "tpu.region"() ({
      %run_scoped3A = tpu.sem_alloc : memref<!tpu.dma_semaphore, #tpu.memory_space<semaphore_mem>>
      %dma_start3A_39 = arith.constant 0 : i32
      %dma_start3A_40 = arith.constant 0 : i32
      %dma_start3A_41 = tpu.memref_slice %arg8[%dma_start3A_39, %dma_start3A_40] : memref<256x64xf32, #tpu.memory_space<vmem>> -> memref<256x64xf32, #tpu.memory_space<vmem>>
      %dma_start3A_42 = arith.constant 0 : i32
      %dma_start3A_43 = tpu.memref_slice %arg10[%add3A_14, %dma_start3A_42] : memref<10112x64xf32, #tpu.memory_space<vmem_shared>> -> memref<256x64xf32, #tpu.memory_space<vmem_shared>>
      %dma_start3A_44 = arith.constant 0 : i32
      %dma_start3A_45 = tpu.memref_slice %arg10[%add3A_14, %dma_start3A_44] : memref<10112x64xf32, #tpu.memory_space<vmem_shared>> -> memref<256x64xf32, #tpu.memory_space<vmem_shared>>
      %dma_start3A_46 = arith.constant 0 : i32
      %dma_start3A_47 = arith.constant 0 : i32
      %dma_start3A_48 = tpu.memref_slice %arg8[%dma_start3A_46, %dma_start3A_47] : memref<256x64xf32, #tpu.memory_space<vmem>> -> memref<256x64xf32, #tpu.memory_space<vmem>>
      tpu.enqueue_dma source(%dma_start3A_48 : memref<256x64xf32, #tpu.memory_space<vmem>>) target(%dma_start3A_45 : memref<256x64xf32, #tpu.memory_space<vmem_shared>>) target_semaphore(%run_scoped3A : memref<!tpu.dma_semaphore, #tpu.memory_space<semaphore_mem>>)
      %dma_wait3A = arith.constant 0 : i32
      %dma_wait3A_49 = arith.constant 0 : i32
      %dma_wait3A_50 = tpu.memref_slice %arg8[%dma_wait3A, %dma_wait3A_49] : memref<256x64xf32, #tpu.memory_space<vmem>> -> memref<256x64xf32, #tpu.memory_space<vmem>>
      %dma_wait3A_51 = arith.constant 0 : i32
      %dma_wait3A_52 = tpu.memref_slice %arg10[%add3A_14, %dma_wait3A_51] : memref<10112x64xf32, #tpu.memory_space<vmem_shared>> -> memref<256x64xf32, #tpu.memory_space<vmem_shared>>
      %dma_wait3A_53 = arith.constant 0 : i32
      %dma_wait3A_54 = tpu.memref_slice %arg10[%add3A_14, %dma_wait3A_53] : memref<10112x64xf32, #tpu.memory_space<vmem_shared>> -> memref<256x64xf32, #tpu.memory_space<vmem_shared>>
      %dma_wait3A_55 = arith.constant 0 : i32
      %dma_wait3A_56 = arith.constant 0 : i32
      %dma_wait3A_57 = tpu.memref_slice %arg8[%dma_wait3A_55, %dma_wait3A_56] : memref<256x64xf32, #tpu.memory_space<vmem>> -> memref<256x64xf32, #tpu.memory_space<vmem>>
      tpu.wait_dma2 semaphore(%run_scoped3A : memref<!tpu.dma_semaphore, #tpu.memory_space<semaphore_mem>>) src(%dma_wait3A_57 : memref<256x64xf32, #tpu.memory_space<vmem>>) dst(%dma_wait3A_54 : memref<256x64xf32, #tpu.memory_space<vmem_shared>>)
      tpu.yield
    }) : () -> ()
    %mul3A_15 = arith.constant 632 : i32
    %mul3A_16 = arith.muli %arg1, %mul3A_15 : i32
    %add3A_17 = arith.constant 512 : i32
    %add3A_18 = arith.addi %mul3A_16, %add3A_17 : i32
    "tpu.region"() ({
      %run_scoped3A = tpu.sem_alloc : memref<!tpu.dma_semaphore, #tpu.memory_space<semaphore_mem>>
      %dma_start3A_39 = arith.constant 0 : i32
      %dma_start3A_40 = arith.constant 0 : i32
      %dma_start3A_41 = tpu.memref_slice %arg8[%dma_start3A_39, %dma_start3A_40] : memref<256x64xf32, #tpu.memory_space<vmem>> -> memref<120x64xf32, #tpu.memory_space<vmem>>
      %dma_start3A_42 = arith.constant 0 : i32
      %dma_start3A_43 = tpu.memref_slice %arg10[%add3A_18, %dma_start3A_42] : memref<10112x64xf32, #tpu.memory_space<vmem_shared>> -> memref<120x64xf32, #tpu.memory_space<vmem_shared>>
      %dma_start3A_44 = arith.constant 0 : i32
      %dma_start3A_45 = tpu.memref_slice %arg10[%add3A_18, %dma_start3A_44] : memref<10112x64xf32, #tpu.memory_space<vmem_shared>> -> memref<120x64xf32, #tpu.memory_space<vmem_shared>>
      %dma_start3A_46 = arith.constant 0 : i32
      %dma_start3A_47 = arith.constant 0 : i32
      %dma_start3A_48 = tpu.memref_slice %arg8[%dma_start3A_46, %dma_start3A_47] : memref<256x64xf32, #tpu.memory_space<vmem>> -> memref<120x64xf32, #tpu.memory_space<vmem>>
      tpu.enqueue_dma source(%dma_start3A_48 : memref<120x64xf32, #tpu.memory_space<vmem>>) target(%dma_start3A_45 : memref<120x64xf32, #tpu.memory_space<vmem_shared>>) target_semaphore(%run_scoped3A : memref<!tpu.dma_semaphore, #tpu.memory_space<semaphore_mem>>)
      %dma_wait3A = arith.constant 0 : i32
      %dma_wait3A_49 = arith.constant 0 : i32
      %dma_wait3A_50 = tpu.memref_slice %arg8[%dma_wait3A, %dma_wait3A_49] : memref<256x64xf32, #tpu.memory_space<vmem>> -> memref<120x64xf32, #tpu.memory_space<vmem>>
      %dma_wait3A_51 = arith.constant 0 : i32
      %dma_wait3A_52 = tpu.memref_slice %arg10[%add3A_18, %dma_wait3A_51] : memref<10112x64xf32, #tpu.memory_space<vmem_shared>> -> memref<120x64xf32, #tpu.memory_space<vmem_shared>>
      %dma_wait3A_53 = arith.constant 0 : i32
      %dma_wait3A_54 = tpu.memref_slice %arg10[%add3A_18, %dma_wait3A_53] : memref<10112x64xf32, #tpu.memory_space<vmem_shared>> -> memref<120x64xf32, #tpu.memory_space<vmem_shared>>
      %dma_wait3A_55 = arith.constant 0 : i32
      %dma_wait3A_56 = arith.constant 0 : i32
      %dma_wait3A_57 = tpu.memref_slice %arg8[%dma_wait3A_55, %dma_wait3A_56] : memref<256x64xf32, #tpu.memory_space<vmem>> -> memref<120x64xf32, #tpu.memory_space<vmem>>
      tpu.wait_dma2 semaphore(%run_scoped3A : memref<!tpu.dma_semaphore, #tpu.memory_space<semaphore_mem>>) src(%dma_wait3A_57 : memref<120x64xf32, #tpu.memory_space<vmem>>) dst(%dma_wait3A_54 : memref<120x64xf32, #tpu.memory_space<vmem_shared>>)
      tpu.yield
    }) : () -> ()
    %barrier3A = arith.constant 0 : index
    tpu.barrier barrier_id(%barrier3A)
    %dma_start3A = arith.constant 0 : i32
    %dma_start3A_19 = arith.constant 0 : i32
    %dma_start3A_20 = tpu.memref_slice %arg6[%dma_start3A, %dma_start3A_19] : memref<80x256xi32, #tpu.memory_space<vmem>> -> memref<1x256xi32, #tpu.memory_space<vmem>>
    %dma_start3A_21 = tpu.memref_squeeze %dma_start3A_20 : memref<1x256xi32, #tpu.memory_space<vmem>> -> memref<256xi32, #tpu.memory_space<vmem>>
    %dma_start3A_22 = arith.constant 0 : i32
    %dma_start3A_23 = arith.constant 0 : i32
    %dma_start3A_24 = tpu.memref_slice %arg2[%arg0, %dma_start3A_22, %dma_start3A_23] : memref<2x10112x64xf32, #tpu.memory_space<hbm>> -> memref<1x10112x64xf32, #tpu.memory_space<hbm>>
    %dma_start3A_25 = tpu.memref_squeeze %dma_start3A_24 : memref<1x10112x64xf32, #tpu.memory_space<hbm>> -> memref<10112x64xf32, #tpu.memory_space<hbm>>
    %dma_start3A_26 = arith.constant 0 : i32
    %dma_start3A_27 = arith.constant 0 : i32
    %dma_start3A_28 = tpu.memref_slice %dma_start3A_25[%dma_start3A_26, %dma_start3A_27] : memref<10112x64xf32, #tpu.memory_space<hbm>> -> memref<10112x64xf32, #tpu.memory_space<hbm>>
    tpu.enqueue_indirect_dma source(%dma_start3A_28 : memref<10112x64xf32, #tpu.memory_space<hbm>>) target(%arg8 : memref<256x64xf32, #tpu.memory_space<vmem>>) offsets(%dma_start3A_21 : memref<256xi32, #tpu.memory_space<vmem>>) semaphore(%arg11 : memref<!tpu.dma_semaphore, #tpu.memory_space<semaphore_mem>>)
    %scan3A_29 = arith.constant 0 : i32
    %scan3A_30 = arith.constant 40 : i32
    %scan3A_31 = arith.addi %scan3A_29, %scan3A_30 : i32
    %scan3A_32 = arith.constant 1 : i32
    scf.for %scan3A_39 = %scan3A_29 to %scan3A_31 step %scan3A_32  : i32 {
      %mul3A_40 = arith.constant 1 : i32
      %mul3A_41 = arith.muli %scan3A_39, %mul3A_40 : i32
      %add3A_42 = arith.constant 0 : i32
      %add3A_43 = arith.addi %add3A_42, %mul3A_41 : i32
      %mul3A_44 = arith.constant 2 : i32
      %mul3A_45 = arith.muli %mul3A_44, %add3A_43 : i32
      %add3A_46 = arith.constant 1 : i32
      %add3A_47 = arith.addi %mul3A_45, %add3A_46 : i32
      %dma_start3A_48 = arith.constant 0 : i32
      %dma_start3A_49 = tpu.memref_slice %arg6[%add3A_47, %dma_start3A_48] : memref<80x256xi32, #tpu.memory_space<vmem>> -> memref<1x256xi32, #tpu.memory_space<vmem>>
      %dma_start3A_50 = tpu.memref_squeeze %dma_start3A_49 : memref<1x256xi32, #tpu.memory_space<vmem>> -> memref<256xi32, #tpu.memory_space<vmem>>
      %dma_start3A_51 = arith.constant 0 : i32
      %dma_start3A_52 = arith.constant 0 : i32
      %dma_start3A_53 = tpu.memref_slice %arg2[%arg0, %dma_start3A_51, %dma_start3A_52] : memref<2x10112x64xf32, #tpu.memory_space<hbm>> -> memref<1x10112x64xf32, #tpu.memory_space<hbm>>
      %dma_start3A_54 = tpu.memref_squeeze %dma_start3A_53 : memref<1x10112x64xf32, #tpu.memory_space<hbm>> -> memref<10112x64xf32, #tpu.memory_space<hbm>>
      %dma_start3A_55 = arith.constant 0 : i32
      %dma_start3A_56 = arith.constant 0 : i32
      %dma_start3A_57 = tpu.memref_slice %dma_start3A_54[%dma_start3A_55, %dma_start3A_56] : memref<10112x64xf32, #tpu.memory_space<hbm>> -> memref<10112x64xf32, #tpu.memory_space<hbm>>
      tpu.enqueue_indirect_dma source(%dma_start3A_57 : memref<10112x64xf32, #tpu.memory_space<hbm>>) target(%arg9 : memref<256x64xf32, #tpu.memory_space<vmem>>) offsets(%dma_start3A_50 : memref<256xi32, #tpu.memory_space<vmem>>) semaphore(%arg12 : memref<!tpu.dma_semaphore, #tpu.memory_space<semaphore_mem>>)
      %dma_wait3A = arith.constant 0 : i32
      %dma_wait3A_58 = tpu.memref_slice %arg6[%mul3A_45, %dma_wait3A] : memref<80x256xi32, #tpu.memory_space<vmem>> -> memref<1x256xi32, #tpu.memory_space<vmem>>
      %dma_wait3A_59 = tpu.memref_squeeze %dma_wait3A_58 : memref<1x256xi32, #tpu.memory_space<vmem>> -> memref<256xi32, #tpu.memory_space<vmem>>
      %dma_wait3A_60 = arith.constant 0 : i32
      %dma_wait3A_61 = arith.constant 0 : i32
      %dma_wait3A_62 = tpu.memref_slice %arg2[%arg0, %dma_wait3A_60, %dma_wait3A_61] : memref<2x10112x64xf32, #tpu.memory_space<hbm>> -> memref<1x10112x64xf32, #tpu.memory_space<hbm>>
      %dma_wait3A_63 = tpu.memref_squeeze %dma_wait3A_62 : memref<1x10112x64xf32, #tpu.memory_space<hbm>> -> memref<10112x64xf32, #tpu.memory_space<hbm>>
      %dma_wait3A_64 = arith.constant 0 : i32
      %dma_wait3A_65 = arith.constant 0 : i32
      %dma_wait3A_66 = tpu.memref_slice %dma_wait3A_63[%dma_wait3A_64, %dma_wait3A_65] : memref<10112x64xf32, #tpu.memory_space<hbm>> -> memref<10112x64xf32, #tpu.memory_space<hbm>>
      tpu.wait_indirect_dma semaphore(%arg11 : memref<!tpu.dma_semaphore, #tpu.memory_space<semaphore_mem>>) src(%dma_wait3A_66 : memref<10112x64xf32, #tpu.memory_space<hbm>>) dst(%arg8 : memref<256x64xf32, #tpu.memory_space<vmem>>)
      "tpu.region"() ({
        %run_scoped3A = tpu.sem_alloc : memref<!tpu.dma_semaphore, #tpu.memory_space<semaphore_mem>>
        %dma_start3A_85 = arith.constant 0 : i32
        %dma_start3A_86 = tpu.memref_slice %arg7[%mul3A_45, %dma_start3A_85] : memref<80x256xi32, #tpu.memory_space<vmem>> -> memref<1x256xi32, #tpu.memory_space<vmem>>
        %dma_start3A_87 = tpu.memref_squeeze %dma_start3A_86 : memref<1x256xi32, #tpu.memory_space<vmem>> -> memref<256xi32, #tpu.memory_space<vmem>>
        %dma_start3A_88 = arith.constant 0 : i32
        %dma_start3A_89 = arith.constant 0 : i32
        %dma_start3A_90 = tpu.memref_slice %arg10[%dma_start3A_88, %dma_start3A_89] : memref<10112x64xf32, #tpu.memory_space<vmem_shared>> -> memref<10112x64xf32, #tpu.memory_space<vmem_shared>>
        tpu.enqueue_indirect_dma source(%arg8 : memref<256x64xf32, #tpu.memory_space<vmem>>) target(%dma_start3A_90 : memref<10112x64xf32, #tpu.memory_space<vmem_shared>>) offsets(%dma_start3A_87 : memref<256xi32, #tpu.memory_space<vmem>>) semaphore(%run_scoped3A : memref<!tpu.dma_semaphore, #tpu.memory_space<semaphore_mem>>) {add = true}
        %dma_wait3A_91 = arith.constant 0 : i32
        %dma_wait3A_92 = tpu.memref_slice %arg7[%mul3A_45, %dma_wait3A_91] : memref<80x256xi32, #tpu.memory_space<vmem>> -> memref<1x256xi32, #tpu.memory_space<vmem>>
        %dma_wait3A_93 = tpu.memref_squeeze %dma_wait3A_92 : memref<1x256xi32, #tpu.memory_space<vmem>> -> memref<256xi32, #tpu.memory_space<vmem>>
        %dma_wait3A_94 = arith.constant 0 : i32
        %dma_wait3A_95 = arith.constant 0 : i32
        %dma_wait3A_96 = tpu.memref_slice %arg10[%dma_wait3A_94, %dma_wait3A_95] : memref<10112x64xf32, #tpu.memory_space<vmem_shared>> -> memref<10112x64xf32, #tpu.memory_space<vmem_shared>>
        tpu.wait_indirect_dma semaphore(%run_scoped3A : memref<!tpu.dma_semaphore, #tpu.memory_space<semaphore_mem>>) src(%arg8 : memref<256x64xf32, #tpu.memory_space<vmem>>) dst(%dma_wait3A_96 : memref<10112x64xf32, #tpu.memory_space<vmem_shared>>)
        tpu.yield
      }) : () -> ()
      %add3A_67 = arith.constant 1 : i32
      %add3A_68 = arith.addi %add3A_43, %add3A_67 : i32
      %lt3A = arith.constant 40 : i32
      %lt3A_69 = arith.cmpi slt, %add3A_68, %lt3A : i32
      %convert_element_type3A = arith.extui %lt3A_69 : i1 to i32
      %cond3A = arith.constant 0 : i32
      %cond3A_70 = arith.cmpi ne, %convert_element_type3A, %cond3A : i32
      scf.if %cond3A_70 {
        %add3A_85 = arith.constant 2 : i32
        %add3A_86 = arith.addi %mul3A_45, %add3A_85 : i32
        %dma_start3A_87 = arith.constant 0 : i32
        %dma_start3A_88 = tpu.memref_slice %arg6[%add3A_86, %dma_start3A_87] : memref<80x256xi32, #tpu.memory_space<vmem>> -> memref<1x256xi32, #tpu.memory_space<vmem>>
        %dma_start3A_89 = tpu.memref_squeeze %dma_start3A_88 : memref<1x256xi32, #tpu.memory_space<vmem>> -> memref<256xi32, #tpu.memory_space<vmem>>
        %dma_start3A_90 = arith.constant 0 : i32
        %dma_start3A_91 = arith.constant 0 : i32
        %dma_start3A_92 = tpu.memref_slice %arg2[%arg0, %dma_start3A_90, %dma_start3A_91] : memref<2x10112x64xf32, #tpu.memory_space<hbm>> -> memref<1x10112x64xf32, #tpu.memory_space<hbm>>
        %dma_start3A_93 = tpu.memref_squeeze %dma_start3A_92 : memref<1x10112x64xf32, #tpu.memory_space<hbm>> -> memref<10112x64xf32, #tpu.memory_space<hbm>>
        %dma_start3A_94 = arith.constant 0 : i32
        %dma_start3A_95 = arith.constant 0 : i32
        %dma_start3A_96 = tpu.memref_slice %dma_start3A_93[%dma_start3A_94, %dma_start3A_95] : memref<10112x64xf32, #tpu.memory_space<hbm>> -> memref<10112x64xf32, #tpu.memory_space<hbm>>
        tpu.enqueue_indirect_dma source(%dma_start3A_96 : memref<10112x64xf32, #tpu.memory_space<hbm>>) target(%arg8 : memref<256x64xf32, #tpu.memory_space<vmem>>) offsets(%dma_start3A_89 : memref<256xi32, #tpu.memory_space<vmem>>) semaphore(%arg11 : memref<!tpu.dma_semaphore, #tpu.memory_space<semaphore_mem>>)
      } else {
      }
      %add3A_71 = arith.constant 1 : i32
      %add3A_72 = arith.addi %mul3A_45, %add3A_71 : i32
      %dma_wait3A_73 = arith.constant 0 : i32
      %dma_wait3A_74 = tpu.memref_slice %arg6[%add3A_72, %dma_wait3A_73] : memref<80x256xi32, #tpu.memory_space<vmem>> -> memref<1x256xi32, #tpu.memory_space<vmem>>
      %dma_wait3A_75 = tpu.memref_squeeze %dma_wait3A_74 : memref<1x256xi32, #tpu.memory_space<vmem>> -> memref<256xi32, #tpu.memory_space<vmem>>
      %dma_wait3A_76 = arith.constant 0 : i32
      %dma_wait3A_77 = arith.constant 0 : i32
      %dma_wait3A_78 = tpu.memref_slice %arg2[%arg0, %dma_wait3A_76, %dma_wait3A_77] : memref<2x10112x64xf32, #tpu.memory_space<hbm>> -> memref<1x10112x64xf32, #tpu.memory_space<hbm>>
      %dma_wait3A_79 = tpu.memref_squeeze %dma_wait3A_78 : memref<1x10112x64xf32, #tpu.memory_space<hbm>> -> memref<10112x64xf32, #tpu.memory_space<hbm>>
      %dma_wait3A_80 = arith.constant 0 : i32
      %dma_wait3A_81 = arith.constant 0 : i32
      %dma_wait3A_82 = tpu.memref_slice %dma_wait3A_79[%dma_wait3A_80, %dma_wait3A_81] : memref<10112x64xf32, #tpu.memory_space<hbm>> -> memref<10112x64xf32, #tpu.memory_space<hbm>>
      tpu.wait_indirect_dma semaphore(%arg12 : memref<!tpu.dma_semaphore, #tpu.memory_space<semaphore_mem>>) src(%dma_wait3A_82 : memref<10112x64xf32, #tpu.memory_space<hbm>>) dst(%arg9 : memref<256x64xf32, #tpu.memory_space<vmem>>)
      %add3A_83 = arith.constant 1 : i32
      %add3A_84 = arith.addi %mul3A_45, %add3A_83 : i32
      "tpu.region"() ({
        %run_scoped3A = tpu.sem_alloc : memref<!tpu.dma_semaphore, #tpu.memory_space<semaphore_mem>>
        %dma_start3A_85 = arith.constant 0 : i32
        %dma_start3A_86 = tpu.memref_slice %arg7[%add3A_84, %dma_start3A_85] : memref<80x256xi32, #tpu.memory_space<vmem>> -> memref<1x256xi32, #tpu.memory_space<vmem>>
        %dma_start3A_87 = tpu.memref_squeeze %dma_start3A_86 : memref<1x256xi32, #tpu.memory_space<vmem>> -> memref<256xi32, #tpu.memory_space<vmem>>
        %dma_start3A_88 = arith.constant 0 : i32
        %dma_start3A_89 = arith.constant 0 : i32
        %dma_start3A_90 = tpu.memref_slice %arg10[%dma_start3A_88, %dma_start3A_89] : memref<10112x64xf32, #tpu.memory_space<vmem_shared>> -> memref<10112x64xf32, #tpu.memory_space<vmem_shared>>
        tpu.enqueue_indirect_dma source(%arg9 : memref<256x64xf32, #tpu.memory_space<vmem>>) target(%dma_start3A_90 : memref<10112x64xf32, #tpu.memory_space<vmem_shared>>) offsets(%dma_start3A_87 : memref<256xi32, #tpu.memory_space<vmem>>) semaphore(%run_scoped3A : memref<!tpu.dma_semaphore, #tpu.memory_space<semaphore_mem>>) {add = true}
        %dma_wait3A_91 = arith.constant 0 : i32
        %dma_wait3A_92 = tpu.memref_slice %arg7[%add3A_84, %dma_wait3A_91] : memref<80x256xi32, #tpu.memory_space<vmem>> -> memref<1x256xi32, #tpu.memory_space<vmem>>
        %dma_wait3A_93 = tpu.memref_squeeze %dma_wait3A_92 : memref<1x256xi32, #tpu.memory_space<vmem>> -> memref<256xi32, #tpu.memory_space<vmem>>
        %dma_wait3A_94 = arith.constant 0 : i32
        %dma_wait3A_95 = arith.constant 0 : i32
        %dma_wait3A_96 = tpu.memref_slice %arg10[%dma_wait3A_94, %dma_wait3A_95] : memref<10112x64xf32, #tpu.memory_space<vmem_shared>> -> memref<10112x64xf32, #tpu.memory_space<vmem_shared>>
        tpu.wait_indirect_dma semaphore(%run_scoped3A : memref<!tpu.dma_semaphore, #tpu.memory_space<semaphore_mem>>) src(%arg9 : memref<256x64xf32, #tpu.memory_space<vmem>>) dst(%dma_wait3A_96 : memref<10112x64xf32, #tpu.memory_space<vmem_shared>>)
        tpu.yield
      }) : () -> ()
    }
    %scan3A_33 = arith.constant 40 : i32
    %barrier3A_34 = arith.constant 0 : index
    tpu.barrier barrier_id(%barrier3A_34)
    %mul3A_35 = arith.constant 632 : i32
    %mul3A_36 = arith.muli %arg1, %mul3A_35 : i32
    %mul3A_37 = arith.constant 632 : i32
    %mul3A_38 = arith.muli %arg1, %mul3A_37 : i32
    "tpu.region"() ({
      %run_scoped3A = tpu.sem_alloc : memref<!tpu.dma_semaphore, #tpu.memory_space<semaphore_mem>>
      %dma_start3A_39 = arith.constant 0 : i32
      %dma_start3A_40 = tpu.memref_slice %arg5[%arg0, %mul3A_38, %dma_start3A_39] : memref<2x10112x64xf32, #tpu.memory_space<hbm>> -> memref<1x632x64xf32, #tpu.memory_space<hbm>>
      %dma_start3A_41 = tpu.memref_squeeze %dma_start3A_40 : memref<1x632x64xf32, #tpu.memory_space<hbm>> -> memref<632x64xf32, #tpu.memory_space<hbm>>
      %dma_start3A_42 = arith.constant 0 : i32
      %dma_start3A_43 = tpu.memref_slice %arg10[%mul3A_36, %dma_start3A_42] : memref<10112x64xf32, #tpu.memory_space<vmem_shared>> -> memref<632x64xf32, #tpu.memory_space<vmem_shared>>
      tpu.enqueue_dma source(%dma_start3A_43 : memref<632x64xf32, #tpu.memory_space<vmem_shared>>) target(%dma_start3A_41 : memref<632x64xf32, #tpu.memory_space<hbm>>) target_semaphore(%run_scoped3A : memref<!tpu.dma_semaphore, #tpu.memory_space<semaphore_mem>>)
      %dma_wait3A = arith.constant 0 : i32
      %dma_wait3A_44 = tpu.memref_slice %arg5[%arg0, %mul3A_38, %dma_wait3A] : memref<2x10112x64xf32, #tpu.memory_space<hbm>> -> memref<1x632x64xf32, #tpu.memory_space<hbm>>
      %dma_wait3A_45 = tpu.memref_squeeze %dma_wait3A_44 : memref<1x632x64xf32, #tpu.memory_space<hbm>> -> memref<632x64xf32, #tpu.memory_space<hbm>>
      %dma_wait3A_46 = arith.constant 0 : i32
      %dma_wait3A_47 = tpu.memref_slice %arg10[%mul3A_36, %dma_wait3A_46] : memref<10112x64xf32, #tpu.memory_space<vmem_shared>> -> memref<632x64xf32, #tpu.memory_space<vmem_shared>>
      tpu.wait_dma2 semaphore(%run_scoped3A : memref<!tpu.dma_semaphore, #tpu.memory_space<semaphore_mem>>) src(%dma_wait3A_47 : memref<632x64xf32, #tpu.memory_space<vmem_shared>>) dst(%dma_wait3A_45 : memref<632x64xf32, #tpu.memory_space<hbm>>)
      tpu.yield
    }) : () -> ()
    return
  }
}

#map = affine_map<(d0, d1) -> (0, 0)>
module attributes {stable_mosaic.version = 14 : i64} {
  func.func @deg_kernel(%arg0: i32, %arg1: i32, %arg2: memref<2560x128xi32, #tpu.memory_space<hbm>>, %arg3: memref<10112x512xf32, #tpu.memory_space<hbm>>, %arg4: memref<80x128xi32, #tpu.memory_space<vmem>>, %arg5: memref<5056x16xf32, #tpu.memory_space<vmem>>) attributes {dimension_semantics = [#tpu.dimension_semantics<core_parallel>, #tpu.dimension_semantics<subcore_parallel>], iteration_bounds = array<i64: 2, 16>, scalar_prefetch = 0 : i64, scratch_operands = 2 : i64, tpu.core_type = #tpu.core_type<sc_vector_subcore>, window_params = [{transform_indices = #map}, {transform_indices = #map}]} {
    %mul3A = arith.constant 2 : i32
    %mul3A_0 = arith.muli %arg1, %mul3A : i32
    %add3A = arith.addi %mul3A_0, %arg0 : i32
    %broadcast_in_dim3A = arith.constant 0.000000e+00 : f32
    %broadcast_in_dim3A_1 = vector.broadcast %broadcast_in_dim3A : f32 to vector<16xf32>
    %broadcast_in_dim3A_2 = arith.constant 1.000000e+00 : f32
    %broadcast_in_dim3A_3 = vector.broadcast %broadcast_in_dim3A_2 : f32 to vector<16xf32>
    %iota3A = tpu.iota {dimensions = array<i32: 0>} : vector<16xi32>
    %mul3A_4 = arith.constant 80 : i32
    %mul3A_5 = arith.muli %add3A, %mul3A_4 : i32
    "tpu.region"() ({
      %run_scoped3A = tpu.sem_alloc : memref<!tpu.dma_semaphore, #tpu.memory_space<semaphore_mem>>
      %dma_start3A = arith.constant 0 : i32
      %dma_start3A_29 = tpu.memref_slice %arg2[%mul3A_5, %dma_start3A] : memref<2560x128xi32, #tpu.memory_space<hbm>> -> memref<80x128xi32, #tpu.memory_space<hbm>>
      %dma_start3A_30 = arith.constant 0 : i32
      %dma_start3A_31 = tpu.memref_slice %arg2[%mul3A_5, %dma_start3A_30] : memref<2560x128xi32, #tpu.memory_space<hbm>> -> memref<80x128xi32, #tpu.memory_space<hbm>>
      tpu.enqueue_dma source(%dma_start3A_31 : memref<80x128xi32, #tpu.memory_space<hbm>>) target(%arg4 : memref<80x128xi32, #tpu.memory_space<vmem>>) target_semaphore(%run_scoped3A : memref<!tpu.dma_semaphore, #tpu.memory_space<semaphore_mem>>)
      %dma_wait3A = arith.constant 0 : i32
      %dma_wait3A_32 = tpu.memref_slice %arg2[%mul3A_5, %dma_wait3A] : memref<2560x128xi32, #tpu.memory_space<hbm>> -> memref<80x128xi32, #tpu.memory_space<hbm>>
      %dma_wait3A_33 = arith.constant 0 : i32
      %dma_wait3A_34 = tpu.memref_slice %arg2[%mul3A_5, %dma_wait3A_33] : memref<2560x128xi32, #tpu.memory_space<hbm>> -> memref<80x128xi32, #tpu.memory_space<hbm>>
      tpu.wait_dma2 semaphore(%run_scoped3A : memref<!tpu.dma_semaphore, #tpu.memory_space<semaphore_mem>>) src(%dma_wait3A_34 : memref<80x128xi32, #tpu.memory_space<hbm>>) dst(%arg4 : memref<80x128xi32, #tpu.memory_space<vmem>>)
      tpu.yield
    }) : () -> ()
    %scan3A = arith.constant 0 : i32
    %scan3A_6 = arith.constant 5056 : i32
    %scan3A_7 = arith.addi %scan3A, %scan3A_6 : i32
    %scan3A_8 = arith.constant 1 : i32
    scf.for %scan3A_29 = %scan3A to %scan3A_7 step %scan3A_8  : i32 {
      %mul3A_30 = arith.constant 1 : i32
      %mul3A_31 = arith.muli %scan3A_29, %mul3A_30 : i32
      %add3A_32 = arith.constant 0 : i32
      %add3A_33 = arith.addi %add3A_32, %mul3A_31 : i32
      %swap3A = arith.index_cast %add3A_33 : i32 to index
      %swap3A_34 = arith.constant 0 : index
      %swap3A_35 = tpu.vector_load %arg5[%swap3A, %swap3A_34] {strides = array<i32>} : memref<5056x16xf32, #tpu.memory_space<vmem>>, vector<16xf32>,
      tpu.vector_store %arg5[%swap3A, %swap3A_34], %broadcast_in_dim3A_1 {strides = array<i32>} : memref<5056x16xf32, #tpu.memory_space<vmem>>, vector<16xf32>,
    }
    %scan3A_9 = arith.constant 5056 : i32
    %scan3A_10 = arith.constant 0 : i32
    %scan3A_11 = arith.constant 80 : i32
    %scan3A_12 = arith.addi %scan3A_10, %scan3A_11 : i32
    %scan3A_13 = arith.constant 1 : i32
    scf.for %scan3A_29 = %scan3A_10 to %scan3A_12 step %scan3A_13  : i32 {
      %mul3A_30 = arith.constant 1 : i32
      %mul3A_31 = arith.muli %scan3A_29, %mul3A_30 : i32
      %add3A_32 = arith.constant 0 : i32
      %add3A_33 = arith.addi %add3A_32, %mul3A_31 : i32
      %get3A = arith.index_cast %add3A_33 : i32 to index
      %get3A_34 = arith.constant 0 : index
      %get3A_35 = tpu.vector_load %arg4[%get3A, %get3A_34] {strides = array<i32>} : memref<80x128xi32, #tpu.memory_space<vmem>>, vector<16xi32>,
      %ge3A = arith.constant 0 : i32
      %ge3A_36 = vector.broadcast %ge3A : i32 to vector<16xi32>
      %ge3A_37 = arith.cmpi sge, %get3A_35, %ge3A_36 : vector<16xi32>
      %lt3A = arith.constant 5056 : i32
      %lt3A_38 = vector.broadcast %lt3A : i32 to vector<16xi32>
      %lt3A_39 = arith.cmpi slt, %get3A_35, %lt3A_38 : vector<16xi32>
      %and3A = arith.andi %ge3A_37, %lt3A_39 : vector<16xi1>
      %sub3A = arith.constant 0 : i32
      %sub3A_40 = vector.broadcast %sub3A : i32 to vector<16xi32>
      %sub3A_41 = arith.subi %get3A_35, %sub3A_40 : vector<16xi32>
      tpu.vector_store_idx %arg5[%sub3A_41, %iota3A], %broadcast_in_dim3A_3 masked %and3A {add = true} : memref<5056x16xf32, #tpu.memory_space<vmem>>[vector<16xi32>, vector<16xi32>], vector<16xf32>, vector<16xi1>
      %get3A_42 = arith.index_cast %add3A_33 : i32 to index
      %get3A_43 = arith.constant 16 : index
      %get3A_44 = tpu.vector_load %arg4[%get3A_42, %get3A_43] {strides = array<i32>} : memref<80x128xi32, #tpu.memory_space<vmem>>, vector<16xi32>,
      %ge3A_45 = arith.constant 0 : i32
      %ge3A_46 = vector.broadcast %ge3A_45 : i32 to vector<16xi32>
      %ge3A_47 = arith.cmpi sge, %get3A_44, %ge3A_46 : vector<16xi32>
      %lt3A_48 = arith.constant 5056 : i32
      %lt3A_49 = vector.broadcast %lt3A_48 : i32 to vector<16xi32>
      %lt3A_50 = arith.cmpi slt, %get3A_44, %lt3A_49 : vector<16xi32>
      %and3A_51 = arith.andi %ge3A_47, %lt3A_50 : vector<16xi1>
      %sub3A_52 = arith.constant 0 : i32
      %sub3A_53 = vector.broadcast %sub3A_52 : i32 to vector<16xi32>
      %sub3A_54 = arith.subi %get3A_44, %sub3A_53 : vector<16xi32>
      tpu.vector_store_idx %arg5[%sub3A_54, %iota3A], %broadcast_in_dim3A_3 masked %and3A_51 {add = true} : memref<5056x16xf32, #tpu.memory_space<vmem>>[vector<16xi32>, vector<16xi32>], vector<16xf32>, vector<16xi1>
      %get3A_55 = arith.index_cast %add3A_33 : i32 to index
      %get3A_56 = arith.constant 32 : index
      %get3A_57 = tpu.vector_load %arg4[%get3A_55, %get3A_56] {strides = array<i32>} : memref<80x128xi32, #tpu.memory_space<vmem>>, vector<16xi32>,
      %ge3A_58 = arith.constant 0 : i32
      %ge3A_59 = vector.broadcast %ge3A_58 : i32 to vector<16xi32>
      %ge3A_60 = arith.cmpi sge, %get3A_57, %ge3A_59 : vector<16xi32>
      %lt3A_61 = arith.constant 5056 : i32
      %lt3A_62 = vector.broadcast %lt3A_61 : i32 to vector<16xi32>
      %lt3A_63 = arith.cmpi slt, %get3A_57, %lt3A_62 : vector<16xi32>
      %and3A_64 = arith.andi %ge3A_60, %lt3A_63 : vector<16xi1>
      %sub3A_65 = arith.constant 0 : i32
      %sub3A_66 = vector.broadcast %sub3A_65 : i32 to vector<16xi32>
      %sub3A_67 = arith.subi %get3A_57, %sub3A_66 : vector<16xi32>
      tpu.vector_store_idx %arg5[%sub3A_67, %iota3A], %broadcast_in_dim3A_3 masked %and3A_64 {add = true} : memref<5056x16xf32, #tpu.memory_space<vmem>>[vector<16xi32>, vector<16xi32>], vector<16xf32>, vector<16xi1>
      %get3A_68 = arith.index_cast %add3A_33 : i32 to index
      %get3A_69 = arith.constant 48 : index
      %get3A_70 = tpu.vector_load %arg4[%get3A_68, %get3A_69] {strides = array<i32>} : memref<80x128xi32, #tpu.memory_space<vmem>>, vector<16xi32>,
      %ge3A_71 = arith.constant 0 : i32
      %ge3A_72 = vector.broadcast %ge3A_71 : i32 to vector<16xi32>
      %ge3A_73 = arith.cmpi sge, %get3A_70, %ge3A_72 : vector<16xi32>
      %lt3A_74 = arith.constant 5056 : i32
      %lt3A_75 = vector.broadcast %lt3A_74 : i32 to vector<16xi32>
      %lt3A_76 = arith.cmpi slt, %get3A_70, %lt3A_75 : vector<16xi32>
      %and3A_77 = arith.andi %ge3A_73, %lt3A_76 : vector<16xi1>
      %sub3A_78 = arith.constant 0 : i32
      %sub3A_79 = vector.broadcast %sub3A_78 : i32 to vector<16xi32>
      %sub3A_80 = arith.subi %get3A_70, %sub3A_79 : vector<16xi32>
      tpu.vector_store_idx %arg5[%sub3A_80, %iota3A], %broadcast_in_dim3A_3 masked %and3A_77 {add = true} : memref<5056x16xf32, #tpu.memory_space<vmem>>[vector<16xi32>, vector<16xi32>], vector<16xf32>, vector<16xi1>
      %get3A_81 = arith.index_cast %add3A_33 : i32 to index
      %get3A_82 = arith.constant 64 : index
      %get3A_83 = tpu.vector_load %arg4[%get3A_81, %get3A_82] {strides = array<i32>} : memref<80x128xi32, #tpu.memory_space<vmem>>, vector<16xi32>,
      %ge3A_84 = arith.constant 0 : i32
      %ge3A_85 = vector.broadcast %ge3A_84 : i32 to vector<16xi32>
      %ge3A_86 = arith.cmpi sge, %get3A_83, %ge3A_85 : vector<16xi32>
      %lt3A_87 = arith.constant 5056 : i32
      %lt3A_88 = vector.broadcast %lt3A_87 : i32 to vector<16xi32>
      %lt3A_89 = arith.cmpi slt, %get3A_83, %lt3A_88 : vector<16xi32>
      %and3A_90 = arith.andi %ge3A_86, %lt3A_89 : vector<16xi1>
      %sub3A_91 = arith.constant 0 : i32
      %sub3A_92 = vector.broadcast %sub3A_91 : i32 to vector<16xi32>
      %sub3A_93 = arith.subi %get3A_83, %sub3A_92 : vector<16xi32>
      tpu.vector_store_idx %arg5[%sub3A_93, %iota3A], %broadcast_in_dim3A_3 masked %and3A_90 {add = true} : memref<5056x16xf32, #tpu.memory_space<vmem>>[vector<16xi32>, vector<16xi32>], vector<16xf32>, vector<16xi1>
      %get3A_94 = arith.index_cast %add3A_33 : i32 to index
      %get3A_95 = arith.constant 80 : index
      %get3A_96 = tpu.vector_load %arg4[%get3A_94, %get3A_95] {strides = array<i32>} : memref<80x128xi32, #tpu.memory_space<vmem>>, vector<16xi32>,
      %ge3A_97 = arith.constant 0 : i32
      %ge3A_98 = vector.broadcast %ge3A_97 : i32 to vector<16xi32>
      %ge3A_99 = arith.cmpi sge, %get3A_96, %ge3A_98 : vector<16xi32>
      %lt3A_100 = arith.constant 5056 : i32
      %lt3A_101 = vector.broadcast %lt3A_100 : i32 to vector<16xi32>
      %lt3A_102 = arith.cmpi slt, %get3A_96, %lt3A_101 : vector<16xi32>
      %and3A_103 = arith.andi %ge3A_99, %lt3A_102 : vector<16xi1>
      %sub3A_104 = arith.constant 0 : i32
      %sub3A_105 = vector.broadcast %sub3A_104 : i32 to vector<16xi32>
      %sub3A_106 = arith.subi %get3A_96, %sub3A_105 : vector<16xi32>
      tpu.vector_store_idx %arg5[%sub3A_106, %iota3A], %broadcast_in_dim3A_3 masked %and3A_103 {add = true} : memref<5056x16xf32, #tpu.memory_space<vmem>>[vector<16xi32>, vector<16xi32>], vector<16xf32>, vector<16xi1>
      %get3A_107 = arith.index_cast %add3A_33 : i32 to index
      %get3A_108 = arith.constant 96 : index
      %get3A_109 = tpu.vector_load %arg4[%get3A_107, %get3A_108] {strides = array<i32>} : memref<80x128xi32, #tpu.memory_space<vmem>>, vector<16xi32>,
      %ge3A_110 = arith.constant 0 : i32
      %ge3A_111 = vector.broadcast %ge3A_110 : i32 to vector<16xi32>
      %ge3A_112 = arith.cmpi sge, %get3A_109, %ge3A_111 : vector<16xi32>
      %lt3A_113 = arith.constant 5056 : i32
      %lt3A_114 = vector.broadcast %lt3A_113 : i32 to vector<16xi32>
      %lt3A_115 = arith.cmpi slt, %get3A_109, %lt3A_114 : vector<16xi32>
      %and3A_116 = arith.andi %ge3A_112, %lt3A_115 : vector<16xi1>
      %sub3A_117 = arith.constant 0 : i32
      %sub3A_118 = vector.broadcast %sub3A_117 : i32 to vector<16xi32>
      %sub3A_119 = arith.subi %get3A_109, %sub3A_118 : vector<16xi32>
      tpu.vector_store_idx %arg5[%sub3A_119, %iota3A], %broadcast_in_dim3A_3 masked %and3A_116 {add = true} : memref<5056x16xf32, #tpu.memory_space<vmem>>[vector<16xi32>, vector<16xi32>], vector<16xf32>, vector<16xi1>
      %get3A_120 = arith.index_cast %add3A_33 : i32 to index
      %get3A_121 = arith.constant 112 : index
      %get3A_122 = tpu.vector_load %arg4[%get3A_120, %get3A_121] {strides = array<i32>} : memref<80x128xi32, #tpu.memory_space<vmem>>, vector<16xi32>,
      %ge3A_123 = arith.constant 0 : i32
      %ge3A_124 = vector.broadcast %ge3A_123 : i32 to vector<16xi32>
      %ge3A_125 = arith.cmpi sge, %get3A_122, %ge3A_124 : vector<16xi32>
      %lt3A_126 = arith.constant 5056 : i32
      %lt3A_127 = vector.broadcast %lt3A_126 : i32 to vector<16xi32>
      %lt3A_128 = arith.cmpi slt, %get3A_122, %lt3A_127 : vector<16xi32>
      %and3A_129 = arith.andi %ge3A_125, %lt3A_128 : vector<16xi1>
      %sub3A_130 = arith.constant 0 : i32
      %sub3A_131 = vector.broadcast %sub3A_130 : i32 to vector<16xi32>
      %sub3A_132 = arith.subi %get3A_122, %sub3A_131 : vector<16xi32>
      tpu.vector_store_idx %arg5[%sub3A_132, %iota3A], %broadcast_in_dim3A_3 masked %and3A_129 {add = true} : memref<5056x16xf32, #tpu.memory_space<vmem>>[vector<16xi32>, vector<16xi32>], vector<16xf32>, vector<16xi1>
    }
    %scan3A_14 = arith.constant 80 : i32
    %mul3A_15 = arith.constant 16 : i32
    %mul3A_16 = arith.muli %mul3A_15, %add3A : i32
    "tpu.region"() ({
      %run_scoped3A = tpu.sem_alloc : memref<!tpu.dma_semaphore, #tpu.memory_space<semaphore_mem>>
      %dma_start3A = arith.constant 0 : i32
      %dma_start3A_29 = tpu.memref_slice %arg3[%dma_start3A, %mul3A_16] : memref<10112x512xf32, #tpu.memory_space<hbm>> -> memref<5056x16xf32, #tpu.memory_space<hbm>>
      %dma_start3A_30 = arith.constant 0 : i32
      %dma_start3A_31 = tpu.memref_slice %arg3[%dma_start3A_30, %mul3A_16] : memref<10112x512xf32, #tpu.memory_space<hbm>> -> memref<5056x16xf32, #tpu.memory_space<hbm>>
      tpu.enqueue_dma source(%arg5 : memref<5056x16xf32, #tpu.memory_space<vmem>>) target(%dma_start3A_31 : memref<5056x16xf32, #tpu.memory_space<hbm>>) target_semaphore(%run_scoped3A : memref<!tpu.dma_semaphore, #tpu.memory_space<semaphore_mem>>)
      %dma_wait3A = arith.constant 0 : i32
      %dma_wait3A_32 = tpu.memref_slice %arg3[%dma_wait3A, %mul3A_16] : memref<10112x512xf32, #tpu.memory_space<hbm>> -> memref<5056x16xf32, #tpu.memory_space<hbm>>
      %dma_wait3A_33 = arith.constant 0 : i32
      %dma_wait3A_34 = tpu.memref_slice %arg3[%dma_wait3A_33, %mul3A_16] : memref<10112x512xf32, #tpu.memory_space<hbm>> -> memref<5056x16xf32, #tpu.memory_space<hbm>>
      tpu.wait_dma2 semaphore(%run_scoped3A : memref<!tpu.dma_semaphore, #tpu.memory_space<semaphore_mem>>) src(%arg5 : memref<5056x16xf32, #tpu.memory_space<vmem>>) dst(%dma_wait3A_34 : memref<5056x16xf32, #tpu.memory_space<hbm>>)
      tpu.yield
    }) : () -> ()
    %scan3A_17 = arith.constant 0 : i32
    %scan3A_18 = arith.constant 5056 : i32
    %scan3A_19 = arith.addi %scan3A_17, %scan3A_18 : i32
    %scan3A_20 = arith.constant 1 : i32
    scf.for %scan3A_29 = %scan3A_17 to %scan3A_19 step %scan3A_20  : i32 {
      %mul3A_30 = arith.constant 1 : i32
      %mul3A_31 = arith.muli %scan3A_29, %mul3A_30 : i32
      %add3A_32 = arith.constant 0 : i32
      %add3A_33 = arith.addi %add3A_32, %mul3A_31 : i32
      %swap3A = arith.index_cast %add3A_33 : i32 to index
      %swap3A_34 = arith.constant 0 : index
      %swap3A_35 = tpu.vector_load %arg5[%swap3A, %swap3A_34] {strides = array<i32>} : memref<5056x16xf32, #tpu.memory_space<vmem>>, vector<16xf32>,
      tpu.vector_store %arg5[%swap3A, %swap3A_34], %broadcast_in_dim3A_1 {strides = array<i32>} : memref<5056x16xf32, #tpu.memory_space<vmem>>, vector<16xf32>,
    }
    %scan3A_21 = arith.constant 5056 : i32
    %scan3A_22 = arith.constant 0 : i32
    %scan3A_23 = arith.constant 80 : i32
    %scan3A_24 = arith.addi %scan3A_22, %scan3A_23 : i32
    %scan3A_25 = arith.constant 1 : i32
    scf.for %scan3A_29 = %scan3A_22 to %scan3A_24 step %scan3A_25  : i32 {
      %mul3A_30 = arith.constant 1 : i32
      %mul3A_31 = arith.muli %scan3A_29, %mul3A_30 : i32
      %add3A_32 = arith.constant 0 : i32
      %add3A_33 = arith.addi %add3A_32, %mul3A_31 : i32
      %get3A = arith.index_cast %add3A_33 : i32 to index
      %get3A_34 = arith.constant 0 : index
      %get3A_35 = tpu.vector_load %arg4[%get3A, %get3A_34] {strides = array<i32>} : memref<80x128xi32, #tpu.memory_space<vmem>>, vector<16xi32>,
      %ge3A = arith.constant 5056 : i32
      %ge3A_36 = vector.broadcast %ge3A : i32 to vector<16xi32>
      %ge3A_37 = arith.cmpi sge, %get3A_35, %ge3A_36 : vector<16xi32>
      %lt3A = arith.constant 10112 : i32
      %lt3A_38 = vector.broadcast %lt3A : i32 to vector<16xi32>
      %lt3A_39 = arith.cmpi slt, %get3A_35, %lt3A_38 : vector<16xi32>
      %and3A = arith.andi %ge3A_37, %lt3A_39 : vector<16xi1>
      %sub3A = arith.constant 5056 : i32
      %sub3A_40 = vector.broadcast %sub3A : i32 to vector<16xi32>
      %sub3A_41 = arith.subi %get3A_35, %sub3A_40 : vector<16xi32>
      tpu.vector_store_idx %arg5[%sub3A_41, %iota3A], %broadcast_in_dim3A_3 masked %and3A {add = true} : memref<5056x16xf32, #tpu.memory_space<vmem>>[vector<16xi32>, vector<16xi32>], vector<16xf32>, vector<16xi1>
      %get3A_42 = arith.index_cast %add3A_33 : i32 to index
      %get3A_43 = arith.constant 16 : index
      %get3A_44 = tpu.vector_load %arg4[%get3A_42, %get3A_43] {strides = array<i32>} : memref<80x128xi32, #tpu.memory_space<vmem>>, vector<16xi32>,
      %ge3A_45 = arith.constant 5056 : i32
      %ge3A_46 = vector.broadcast %ge3A_45 : i32 to vector<16xi32>
      %ge3A_47 = arith.cmpi sge, %get3A_44, %ge3A_46 : vector<16xi32>
      %lt3A_48 = arith.constant 10112 : i32
      %lt3A_49 = vector.broadcast %lt3A_48 : i32 to vector<16xi32>
      %lt3A_50 = arith.cmpi slt, %get3A_44, %lt3A_49 : vector<16xi32>
      %and3A_51 = arith.andi %ge3A_47, %lt3A_50 : vector<16xi1>
      %sub3A_52 = arith.constant 5056 : i32
      %sub3A_53 = vector.broadcast %sub3A_52 : i32 to vector<16xi32>
      %sub3A_54 = arith.subi %get3A_44, %sub3A_53 : vector<16xi32>
      tpu.vector_store_idx %arg5[%sub3A_54, %iota3A], %broadcast_in_dim3A_3 masked %and3A_51 {add = true} : memref<5056x16xf32, #tpu.memory_space<vmem>>[vector<16xi32>, vector<16xi32>], vector<16xf32>, vector<16xi1>
      %get3A_55 = arith.index_cast %add3A_33 : i32 to index
      %get3A_56 = arith.constant 32 : index
      %get3A_57 = tpu.vector_load %arg4[%get3A_55, %get3A_56] {strides = array<i32>} : memref<80x128xi32, #tpu.memory_space<vmem>>, vector<16xi32>,
      %ge3A_58 = arith.constant 5056 : i32
      %ge3A_59 = vector.broadcast %ge3A_58 : i32 to vector<16xi32>
      %ge3A_60 = arith.cmpi sge, %get3A_57, %ge3A_59 : vector<16xi32>
      %lt3A_61 = arith.constant 10112 : i32
      %lt3A_62 = vector.broadcast %lt3A_61 : i32 to vector<16xi32>
      %lt3A_63 = arith.cmpi slt, %get3A_57, %lt3A_62 : vector<16xi32>
      %and3A_64 = arith.andi %ge3A_60, %lt3A_63 : vector<16xi1>
      %sub3A_65 = arith.constant 5056 : i32
      %sub3A_66 = vector.broadcast %sub3A_65 : i32 to vector<16xi32>
      %sub3A_67 = arith.subi %get3A_57, %sub3A_66 : vector<16xi32>
      tpu.vector_store_idx %arg5[%sub3A_67, %iota3A], %broadcast_in_dim3A_3 masked %and3A_64 {add = true} : memref<5056x16xf32, #tpu.memory_space<vmem>>[vector<16xi32>, vector<16xi32>], vector<16xf32>, vector<16xi1>
      %get3A_68 = arith.index_cast %add3A_33 : i32 to index
      %get3A_69 = arith.constant 48 : index
      %get3A_70 = tpu.vector_load %arg4[%get3A_68, %get3A_69] {strides = array<i32>} : memref<80x128xi32, #tpu.memory_space<vmem>>, vector<16xi32>,
      %ge3A_71 = arith.constant 5056 : i32
      %ge3A_72 = vector.broadcast %ge3A_71 : i32 to vector<16xi32>
      %ge3A_73 = arith.cmpi sge, %get3A_70, %ge3A_72 : vector<16xi32>
      %lt3A_74 = arith.constant 10112 : i32
      %lt3A_75 = vector.broadcast %lt3A_74 : i32 to vector<16xi32>
      %lt3A_76 = arith.cmpi slt, %get3A_70, %lt3A_75 : vector<16xi32>
      %and3A_77 = arith.andi %ge3A_73, %lt3A_76 : vector<16xi1>
      %sub3A_78 = arith.constant 5056 : i32
      %sub3A_79 = vector.broadcast %sub3A_78 : i32 to vector<16xi32>
      %sub3A_80 = arith.subi %get3A_70, %sub3A_79 : vector<16xi32>
      tpu.vector_store_idx %arg5[%sub3A_80, %iota3A], %broadcast_in_dim3A_3 masked %and3A_77 {add = true} : memref<5056x16xf32, #tpu.memory_space<vmem>>[vector<16xi32>, vector<16xi32>], vector<16xf32>, vector<16xi1>
      %get3A_81 = arith.index_cast %add3A_33 : i32 to index
      %get3A_82 = arith.constant 64 : index
      %get3A_83 = tpu.vector_load %arg4[%get3A_81, %get3A_82] {strides = array<i32>} : memref<80x128xi32, #tpu.memory_space<vmem>>, vector<16xi32>,
      %ge3A_84 = arith.constant 5056 : i32
      %ge3A_85 = vector.broadcast %ge3A_84 : i32 to vector<16xi32>
      %ge3A_86 = arith.cmpi sge, %get3A_83, %ge3A_85 : vector<16xi32>
      %lt3A_87 = arith.constant 10112 : i32
      %lt3A_88 = vector.broadcast %lt3A_87 : i32 to vector<16xi32>
      %lt3A_89 = arith.cmpi slt, %get3A_83, %lt3A_88 : vector<16xi32>
      %and3A_90 = arith.andi %ge3A_86, %lt3A_89 : vector<16xi1>
      %sub3A_91 = arith.constant 5056 : i32
      %sub3A_92 = vector.broadcast %sub3A_91 : i32 to vector<16xi32>
      %sub3A_93 = arith.subi %get3A_83, %sub3A_92 : vector<16xi32>
      tpu.vector_store_idx %arg5[%sub3A_93, %iota3A], %broadcast_in_dim3A_3 masked %and3A_90 {add = true} : memref<5056x16xf32, #tpu.memory_space<vmem>>[vector<16xi32>, vector<16xi32>], vector<16xf32>, vector<16xi1>
      %get3A_94 = arith.index_cast %add3A_33 : i32 to index
      %get3A_95 = arith.constant 80 : index
      %get3A_96 = tpu.vector_load %arg4[%get3A_94, %get3A_95] {strides = array<i32>} : memref<80x128xi32, #tpu.memory_space<vmem>>, vector<16xi32>,
      %ge3A_97 = arith.constant 5056 : i32
      %ge3A_98 = vector.broadcast %ge3A_97 : i32 to vector<16xi32>
      %ge3A_99 = arith.cmpi sge, %get3A_96, %ge3A_98 : vector<16xi32>
      %lt3A_100 = arith.constant 10112 : i32
      %lt3A_101 = vector.broadcast %lt3A_100 : i32 to vector<16xi32>
      %lt3A_102 = arith.cmpi slt, %get3A_96, %lt3A_101 : vector<16xi32>
      %and3A_103 = arith.andi %ge3A_99, %lt3A_102 : vector<16xi1>
      %sub3A_104 = arith.constant 5056 : i32
      %sub3A_105 = vector.broadcast %sub3A_104 : i32 to vector<16xi32>
      %sub3A_106 = arith.subi %get3A_96, %sub3A_105 : vector<16xi32>
      tpu.vector_store_idx %arg5[%sub3A_106, %iota3A], %broadcast_in_dim3A_3 masked %and3A_103 {add = true} : memref<5056x16xf32, #tpu.memory_space<vmem>>[vector<16xi32>, vector<16xi32>], vector<16xf32>, vector<16xi1>
      %get3A_107 = arith.index_cast %add3A_33 : i32 to index
      %get3A_108 = arith.constant 96 : index
      %get3A_109 = tpu.vector_load %arg4[%get3A_107, %get3A_108] {strides = array<i32>} : memref<80x128xi32, #tpu.memory_space<vmem>>, vector<16xi32>,
      %ge3A_110 = arith.constant 5056 : i32
      %ge3A_111 = vector.broadcast %ge3A_110 : i32 to vector<16xi32>
      %ge3A_112 = arith.cmpi sge, %get3A_109, %ge3A_111 : vector<16xi32>
      %lt3A_113 = arith.constant 10112 : i32
      %lt3A_114 = vector.broadcast %lt3A_113 : i32 to vector<16xi32>
      %lt3A_115 = arith.cmpi slt, %get3A_109, %lt3A_114 : vector<16xi32>
      %and3A_116 = arith.andi %ge3A_112, %lt3A_115 : vector<16xi1>
      %sub3A_117 = arith.constant 5056 : i32
      %sub3A_118 = vector.broadcast %sub3A_117 : i32 to vector<16xi32>
      %sub3A_119 = arith.subi %get3A_109, %sub3A_118 : vector<16xi32>
      tpu.vector_store_idx %arg5[%sub3A_119, %iota3A], %broadcast_in_dim3A_3 masked %and3A_116 {add = true} : memref<5056x16xf32, #tpu.memory_space<vmem>>[vector<16xi32>, vector<16xi32>], vector<16xf32>, vector<16xi1>
      %get3A_120 = arith.index_cast %add3A_33 : i32 to index
      %get3A_121 = arith.constant 112 : index
      %get3A_122 = tpu.vector_load %arg4[%get3A_120, %get3A_121] {strides = array<i32>} : memref<80x128xi32, #tpu.memory_space<vmem>>, vector<16xi32>,
      %ge3A_123 = arith.constant 5056 : i32
      %ge3A_124 = vector.broadcast %ge3A_123 : i32 to vector<16xi32>
      %ge3A_125 = arith.cmpi sge, %get3A_122, %ge3A_124 : vector<16xi32>
      %lt3A_126 = arith.constant 10112 : i32
      %lt3A_127 = vector.broadcast %lt3A_126 : i32 to vector<16xi32>
      %lt3A_128 = arith.cmpi slt, %get3A_122, %lt3A_127 : vector<16xi32>
      %and3A_129 = arith.andi %ge3A_125, %lt3A_128 : vector<16xi1>
      %sub3A_130 = arith.constant 5056 : i32
      %sub3A_131 = vector.broadcast %sub3A_130 : i32 to vector<16xi32>
      %sub3A_132 = arith.subi %get3A_122, %sub3A_131 : vector<16xi32>
      tpu.vector_store_idx %arg5[%sub3A_132, %iota3A], %broadcast_in_dim3A_3 masked %and3A_129 {add = true} : memref<5056x16xf32, #tpu.memory_space<vmem>>[vector<16xi32>, vector<16xi32>], vector<16xf32>, vector<16xi1>
    }
    %scan3A_26 = arith.constant 80 : i32
    %mul3A_27 = arith.constant 16 : i32
    %mul3A_28 = arith.muli %mul3A_27, %add3A : i32
    "tpu.region"() ({
      %run_scoped3A = tpu.sem_alloc : memref<!tpu.dma_semaphore, #tpu.memory_space<semaphore_mem>>
      %dma_start3A = arith.constant 5056 : i32
      %dma_start3A_29 = tpu.memref_slice %arg3[%dma_start3A, %mul3A_28] : memref<10112x512xf32, #tpu.memory_space<hbm>> -> memref<5056x16xf32, #tpu.memory_space<hbm>>
      %dma_start3A_30 = arith.constant 5056 : i32
      %dma_start3A_31 = tpu.memref_slice %arg3[%dma_start3A_30, %mul3A_28] : memref<10112x512xf32, #tpu.memory_space<hbm>> -> memref<5056x16xf32, #tpu.memory_space<hbm>>
      tpu.enqueue_dma source(%arg5 : memref<5056x16xf32, #tpu.memory_space<vmem>>) target(%dma_start3A_31 : memref<5056x16xf32, #tpu.memory_space<hbm>>) target_semaphore(%run_scoped3A : memref<!tpu.dma_semaphore, #tpu.memory_space<semaphore_mem>>)
      %dma_wait3A = arith.constant 5056 : i32
      %dma_wait3A_32 = tpu.memref_slice %arg3[%dma_wait3A, %mul3A_28] : memref<10112x512xf32, #tpu.memory_space<hbm>> -> memref<5056x16xf32, #tpu.memory_space<hbm>>
      %dma_wait3A_33 = arith.constant 5056 : i32
      %dma_wait3A_34 = tpu.memref_slice %arg3[%dma_wait3A_33, %mul3A_28] : memref<10112x512xf32, #tpu.memory_space<hbm>> -> memref<5056x16xf32, #tpu.memory_space<hbm>>
      tpu.wait_dma2 semaphore(%run_scoped3A : memref<!tpu.dma_semaphore, #tpu.memory_space<semaphore_mem>>) src(%arg5 : memref<5056x16xf32, #tpu.memory_space<vmem>>) dst(%dma_wait3A_34 : memref<5056x16xf32, #tpu.memory_space<hbm>>)
      tpu.yield
    }) : () -> ()
    return
  }
}

#map = affine_map<(d0, d1) -> (0, 0, 0)>
#map1 = affine_map<(d0, d1) -> (0, 0)>
module attributes {stable_mosaic.version = 14 : i64} {
  func.func @agg_kernel(%arg0: i32, %arg1: i32, %arg2: memref<2x10112x64xf32, #tpu.memory_space<hbm>>, %arg3: memref<1280x256xi32, #tpu.memory_space<hbm>>, %arg4: memref<1280x256xi32, #tpu.memory_space<hbm>>, %arg5: memref<2x10112x64xf32, #tpu.memory_space<hbm>>, %arg6: memref<80x256xi32, #tpu.memory_space<vmem>>, %arg7: memref<80x256xi32, #tpu.memory_space<vmem>>, %arg8: memref<256x64xf32, #tpu.memory_space<vmem>>, %arg9: memref<256x64xf32, #tpu.memory_space<vmem>>, %arg10: memref<10112x64xf32, #tpu.memory_space<vmem_shared>>, %arg11: memref<!tpu.dma_semaphore, #tpu.memory_space<semaphore_mem>>, %arg12: memref<!tpu.dma_semaphore, #tpu.memory_space<semaphore_mem>>) attributes {dimension_semantics = [#tpu.dimension_semantics<core_parallel>, #tpu.dimension_semantics<subcore_parallel>], iteration_bounds = array<i64: 2, 16>, scalar_prefetch = 0 : i64, scratch_operands = 7 : i64, tpu.core_type = #tpu.core_type<sc_vector_subcore>, window_params = [{transform_indices = #map}, {transform_indices = #map1}, {transform_indices = #map1}, {transform_indices = #map}]} {
    %broadcast_in_dim3A = arith.constant 0.000000e+00 : f32
    %broadcast_in_dim3A_0 = vector.broadcast %broadcast_in_dim3A : f32 to vector<16xf32>
    %mul3A = arith.constant 80 : i32
    %mul3A_1 = arith.muli %arg1, %mul3A : i32
    "tpu.region"() ({
      %run_scoped3A = tpu.sem_alloc : memref<!tpu.dma_semaphore, #tpu.memory_space<semaphore_mem>>
      %dma_start3A_39 = arith.constant 0 : i32
      %dma_start3A_40 = tpu.memref_slice %arg3[%mul3A_1, %dma_start3A_39] : memref<1280x256xi32, #tpu.memory_space<hbm>> -> memref<80x256xi32, #tpu.memory_space<hbm>>
      %dma_start3A_41 = arith.constant 0 : i32
      %dma_start3A_42 = tpu.memref_slice %arg3[%mul3A_1, %dma_start3A_41] : memref<1280x256xi32, #tpu.memory_space<hbm>> -> memref<80x256xi32, #tpu.memory_space<hbm>>
      tpu.enqueue_dma source(%dma_start3A_42 : memref<80x256xi32, #tpu.memory_space<hbm>>) target(%arg6 : memref<80x256xi32, #tpu.memory_space<vmem>>) target_semaphore(%run_scoped3A : memref<!tpu.dma_semaphore, #tpu.memory_space<semaphore_mem>>)
      %dma_wait3A = arith.constant 0 : i32
      %dma_wait3A_43 = tpu.memref_slice %arg3[%mul3A_1, %dma_wait3A] : memref<1280x256xi32, #tpu.memory_space<hbm>> -> memref<80x256xi32, #tpu.memory_space<hbm>>
      %dma_wait3A_44 = arith.constant 0 : i32
      %dma_wait3A_45 = tpu.memref_slice %arg3[%mul3A_1, %dma_wait3A_44] : memref<1280x256xi32, #tpu.memory_space<hbm>> -> memref<80x256xi32, #tpu.memory_space<hbm>>
      tpu.wait_dma2 semaphore(%run_scoped3A : memref<!tpu.dma_semaphore, #tpu.memory_space<semaphore_mem>>) src(%dma_wait3A_45 : memref<80x256xi32, #tpu.memory_space<hbm>>) dst(%arg6 : memref<80x256xi32, #tpu.memory_space<vmem>>)
      tpu.yield
    }) : () -> ()
    %mul3A_2 = arith.constant 80 : i32
    %mul3A_3 = arith.muli %arg1, %mul3A_2 : i32
    "tpu.region"() ({
      %run_scoped3A = tpu.sem_alloc : memref<!tpu.dma_semaphore, #tpu.memory_space<semaphore_mem>>
      %dma_start3A_39 = arith.constant 0 : i32
      %dma_start3A_40 = tpu.memref_slice %arg4[%mul3A_3, %dma_start3A_39] : memref<1280x256xi32, #tpu.memory_space<hbm>> -> memref<80x256xi32, #tpu.memory_space<hbm>>
      %dma_start3A_41 = arith.constant 0 : i32
      %dma_start3A_42 = tpu.memref_slice %arg4[%mul3A_3, %dma_start3A_41] : memref<1280x256xi32, #tpu.memory_space<hbm>> -> memref<80x256xi32, #tpu.memory_space<hbm>>
      tpu.enqueue_dma source(%dma_start3A_42 : memref<80x256xi32, #tpu.memory_space<hbm>>) target(%arg7 : memref<80x256xi32, #tpu.memory_space<vmem>>) target_semaphore(%run_scoped3A : memref<!tpu.dma_semaphore, #tpu.memory_space<semaphore_mem>>)
      %dma_wait3A = arith.constant 0 : i32
      %dma_wait3A_43 = tpu.memref_slice %arg4[%mul3A_3, %dma_wait3A] : memref<1280x256xi32, #tpu.memory_space<hbm>> -> memref<80x256xi32, #tpu.memory_space<hbm>>
      %dma_wait3A_44 = arith.constant 0 : i32
      %dma_wait3A_45 = tpu.memref_slice %arg4[%mul3A_3, %dma_wait3A_44] : memref<1280x256xi32, #tpu.memory_space<hbm>> -> memref<80x256xi32, #tpu.memory_space<hbm>>
      tpu.wait_dma2 semaphore(%run_scoped3A : memref<!tpu.dma_semaphore, #tpu.memory_space<semaphore_mem>>) src(%dma_wait3A_45 : memref<80x256xi32, #tpu.memory_space<hbm>>) dst(%arg7 : memref<80x256xi32, #tpu.memory_space<vmem>>)
      tpu.yield
    }) : () -> ()
    %scan3A = arith.constant 0 : i32
    %scan3A_4 = arith.constant 256 : i32
    %scan3A_5 = arith.addi %scan3A, %scan3A_4 : i32
    %scan3A_6 = arith.constant 1 : i32
    scf.for %scan3A_39 = %scan3A to %scan3A_5 step %scan3A_6  : i32 {
      %mul3A_40 = arith.constant 1 : i32
      %mul3A_41 = arith.muli %scan3A_39, %mul3A_40 : i32
      %add3A_42 = arith.constant 0 : i32
      %add3A_43 = arith.addi %add3A_42, %mul3A_41 : i32
      %swap3A = arith.index_cast %add3A_43 : i32 to index
      %swap3A_44 = arith.constant 0 : index
      %swap3A_45 = tpu.vector_load %arg8[%swap3A, %swap3A_44] {strides = array<i32>} : memref<256x64xf32, #tpu.memory_space<vmem>>, vector<16xf32>,
      tpu.vector_store %arg8[%swap3A, %swap3A_44], %broadcast_in_dim3A_0 {strides = array<i32>} : memref<256x64xf32, #tpu.memory_space<vmem>>, vector<16xf32>,
      %swap3A_46 = arith.index_cast %add3A_43 : i32 to index
      %swap3A_47 = arith.constant 16 : index
      %swap3A_48 = tpu.vector_load %arg8[%swap3A_46, %swap3A_47] {strides = array<i32>} : memref<256x64xf32, #tpu.memory_space<vmem>>, vector<16xf32>,
      tpu.vector_store %arg8[%swap3A_46, %swap3A_47], %broadcast_in_dim3A_0 {strides = array<i32>} : memref<256x64xf32, #tpu.memory_space<vmem>>, vector<16xf32>,
      %swap3A_49 = arith.index_cast %add3A_43 : i32 to index
      %swap3A_50 = arith.constant 32 : index
      %swap3A_51 = tpu.vector_load %arg8[%swap3A_49, %swap3A_50] {strides = array<i32>} : memref<256x64xf32, #tpu.memory_space<vmem>>, vector<16xf32>,
      tpu.vector_store %arg8[%swap3A_49, %swap3A_50], %broadcast_in_dim3A_0 {strides = array<i32>} : memref<256x64xf32, #tpu.memory_space<vmem>>, vector<16xf32>,
      %swap3A_52 = arith.index_cast %add3A_43 : i32 to index
      %swap3A_53 = arith.constant 48 : index
      %swap3A_54 = tpu.vector_load %arg8[%swap3A_52, %swap3A_53] {strides = array<i32>} : memref<256x64xf32, #tpu.memory_space<vmem>>, vector<16xf32>,
      tpu.vector_store %arg8[%swap3A_52, %swap3A_53], %broadcast_in_dim3A_0 {strides = array<i32>} : memref<256x64xf32, #tpu.memory_space<vmem>>, vector<16xf32>,
    }
    %scan3A_7 = arith.constant 256 : i32
    %mul3A_8 = arith.constant 632 : i32
    %mul3A_9 = arith.muli %arg1, %mul3A_8 : i32
    %add3A = arith.constant 0 : i32
    %add3A_10 = arith.addi %mul3A_9, %add3A : i32
    "tpu.region"() ({
      %run_scoped3A = tpu.sem_alloc : memref<!tpu.dma_semaphore, #tpu.memory_space<semaphore_mem>>
      %dma_start3A_39 = arith.constant 0 : i32
      %dma_start3A_40 = arith.constant 0 : i32
      %dma_start3A_41 = tpu.memref_slice %arg8[%dma_start3A_39, %dma_start3A_40] : memref<256x64xf32, #tpu.memory_space<vmem>> -> memref<256x64xf32, #tpu.memory_space<vmem>>
      %dma_start3A_42 = arith.constant 0 : i32
      %dma_start3A_43 = tpu.memref_slice %arg10[%add3A_10, %dma_start3A_42] : memref<10112x64xf32, #tpu.memory_space<vmem_shared>> -> memref<256x64xf32, #tpu.memory_space<vmem_shared>>
      %dma_start3A_44 = arith.constant 0 : i32
      %dma_start3A_45 = tpu.memref_slice %arg10[%add3A_10, %dma_start3A_44] : memref<10112x64xf32, #tpu.memory_space<vmem_shared>> -> memref<256x64xf32, #tpu.memory_space<vmem_shared>>
      %dma_start3A_46 = arith.constant 0 : i32
      %dma_start3A_47 = arith.constant 0 : i32
      %dma_start3A_48 = tpu.memref_slice %arg8[%dma_start3A_46, %dma_start3A_47] : memref<256x64xf32, #tpu.memory_space<vmem>> -> memref<256x64xf32, #tpu.memory_space<vmem>>
      tpu.enqueue_dma source(%dma_start3A_48 : memref<256x64xf32, #tpu.memory_space<vmem>>) target(%dma_start3A_45 : memref<256x64xf32, #tpu.memory_space<vmem_shared>>) target_semaphore(%run_scoped3A : memref<!tpu.dma_semaphore, #tpu.memory_space<semaphore_mem>>)
      %dma_wait3A = arith.constant 0 : i32
      %dma_wait3A_49 = arith.constant 0 : i32
      %dma_wait3A_50 = tpu.memref_slice %arg8[%dma_wait3A, %dma_wait3A_49] : memref<256x64xf32, #tpu.memory_space<vmem>> -> memref<256x64xf32, #tpu.memory_space<vmem>>
      %dma_wait3A_51 = arith.constant 0 : i32
      %dma_wait3A_52 = tpu.memref_slice %arg10[%add3A_10, %dma_wait3A_51] : memref<10112x64xf32, #tpu.memory_space<vmem_shared>> -> memref<256x64xf32, #tpu.memory_space<vmem_shared>>
      %dma_wait3A_53 = arith.constant 0 : i32
      %dma_wait3A_54 = tpu.memref_slice %arg10[%add3A_10, %dma_wait3A_53] : memref<10112x64xf32, #tpu.memory_space<vmem_shared>> -> memref<256x64xf32, #tpu.memory_space<vmem_shared>>
      %dma_wait3A_55 = arith.constant 0 : i32
      %dma_wait3A_56 = arith.constant 0 : i32
      %dma_wait3A_57 = tpu.memref_slice %arg8[%dma_wait3A_55, %dma_wait3A_56] : memref<256x64xf32, #tpu.memory_space<vmem>> -> memref<256x64xf32, #tpu.memory_space<vmem>>
      tpu.wait_dma2 semaphore(%run_scoped3A : memref<!tpu.dma_semaphore, #tpu.memory_space<semaphore_mem>>) src(%dma_wait3A_57 : memref<256x64xf32, #tpu.memory_space<vmem>>) dst(%dma_wait3A_54 : memref<256x64xf32, #tpu.memory_space<vmem_shared>>)
      tpu.yield
    }) : () -> ()
    %mul3A_11 = arith.constant 632 : i32
    %mul3A_12 = arith.muli %arg1, %mul3A_11 : i32
    %add3A_13 = arith.constant 256 : i32
    %add3A_14 = arith.addi %mul3A_12, %add3A_13 : i32
    "tpu.region"() ({
      %run_scoped3A = tpu.sem_alloc : memref<!tpu.dma_semaphore, #tpu.memory_space<semaphore_mem>>
      %dma_start3A_39 = arith.constant 0 : i32
      %dma_start3A_40 = arith.constant 0 : i32
      %dma_start3A_41 = tpu.memref_slice %arg8[%dma_start3A_39, %dma_start3A_40] : memref<256x64xf32, #tpu.memory_space<vmem>> -> memref<256x64xf32, #tpu.memory_space<vmem>>
      %dma_start3A_42 = arith.constant 0 : i32
      %dma_start3A_43 = tpu.memref_slice %arg10[%add3A_14, %dma_start3A_42] : memref<10112x64xf32, #tpu.memory_space<vmem_shared>> -> memref<256x64xf32, #tpu.memory_space<vmem_shared>>
      %dma_start3A_44 = arith.constant 0 : i32
      %dma_start3A_45 = tpu.memref_slice %arg10[%add3A_14, %dma_start3A_44] : memref<10112x64xf32, #tpu.memory_space<vmem_shared>> -> memref<256x64xf32, #tpu.memory_space<vmem_shared>>
      %dma_start3A_46 = arith.constant 0 : i32
      %dma_start3A_47 = arith.constant 0 : i32
      %dma_start3A_48 = tpu.memref_slice %arg8[%dma_start3A_46, %dma_start3A_47] : memref<256x64xf32, #tpu.memory_space<vmem>> -> memref<256x64xf32, #tpu.memory_space<vmem>>
      tpu.enqueue_dma source(%dma_start3A_48 : memref<256x64xf32, #tpu.memory_space<vmem>>) target(%dma_start3A_45 : memref<256x64xf32, #tpu.memory_space<vmem_shared>>) target_semaphore(%run_scoped3A : memref<!tpu.dma_semaphore, #tpu.memory_space<semaphore_mem>>)
      %dma_wait3A = arith.constant 0 : i32
      %dma_wait3A_49 = arith.constant 0 : i32
      %dma_wait3A_50 = tpu.memref_slice %arg8[%dma_wait3A, %dma_wait3A_49] : memref<256x64xf32, #tpu.memory_space<vmem>> -> memref<256x64xf32, #tpu.memory_space<vmem>>
      %dma_wait3A_51 = arith.constant 0 : i32
      %dma_wait3A_52 = tpu.memref_slice %arg10[%add3A_14, %dma_wait3A_51] : memref<10112x64xf32, #tpu.memory_space<vmem_shared>> -> memref<256x64xf32, #tpu.memory_space<vmem_shared>>
      %dma_wait3A_53 = arith.constant 0 : i32
      %dma_wait3A_54 = tpu.memref_slice %arg10[%add3A_14, %dma_wait3A_53] : memref<10112x64xf32, #tpu.memory_space<vmem_shared>> -> memref<256x64xf32, #tpu.memory_space<vmem_shared>>
      %dma_wait3A_55 = arith.constant 0 : i32
      %dma_wait3A_56 = arith.constant 0 : i32
      %dma_wait3A_57 = tpu.memref_slice %arg8[%dma_wait3A_55, %dma_wait3A_56] : memref<256x64xf32, #tpu.memory_space<vmem>> -> memref<256x64xf32, #tpu.memory_space<vmem>>
      tpu.wait_dma2 semaphore(%run_scoped3A : memref<!tpu.dma_semaphore, #tpu.memory_space<semaphore_mem>>) src(%dma_wait3A_57 : memref<256x64xf32, #tpu.memory_space<vmem>>) dst(%dma_wait3A_54 : memref<256x64xf32, #tpu.memory_space<vmem_shared>>)
      tpu.yield
    }) : () -> ()
    %mul3A_15 = arith.constant 632 : i32
    %mul3A_16 = arith.muli %arg1, %mul3A_15 : i32
    %add3A_17 = arith.constant 512 : i32
    %add3A_18 = arith.addi %mul3A_16, %add3A_17 : i32
    "tpu.region"() ({
      %run_scoped3A = tpu.sem_alloc : memref<!tpu.dma_semaphore, #tpu.memory_space<semaphore_mem>>
      %dma_start3A_39 = arith.constant 0 : i32
      %dma_start3A_40 = arith.constant 0 : i32
      %dma_start3A_41 = tpu.memref_slice %arg8[%dma_start3A_39, %dma_start3A_40] : memref<256x64xf32, #tpu.memory_space<vmem>> -> memref<120x64xf32, #tpu.memory_space<vmem>>
      %dma_start3A_42 = arith.constant 0 : i32
      %dma_start3A_43 = tpu.memref_slice %arg10[%add3A_18, %dma_start3A_42] : memref<10112x64xf32, #tpu.memory_space<vmem_shared>> -> memref<120x64xf32, #tpu.memory_space<vmem_shared>>
      %dma_start3A_44 = arith.constant 0 : i32
      %dma_start3A_45 = tpu.memref_slice %arg10[%add3A_18, %dma_start3A_44] : memref<10112x64xf32, #tpu.memory_space<vmem_shared>> -> memref<120x64xf32, #tpu.memory_space<vmem_shared>>
      %dma_start3A_46 = arith.constant 0 : i32
      %dma_start3A_47 = arith.constant 0 : i32
      %dma_start3A_48 = tpu.memref_slice %arg8[%dma_start3A_46, %dma_start3A_47] : memref<256x64xf32, #tpu.memory_space<vmem>> -> memref<120x64xf32, #tpu.memory_space<vmem>>
      tpu.enqueue_dma source(%dma_start3A_48 : memref<120x64xf32, #tpu.memory_space<vmem>>) target(%dma_start3A_45 : memref<120x64xf32, #tpu.memory_space<vmem_shared>>) target_semaphore(%run_scoped3A : memref<!tpu.dma_semaphore, #tpu.memory_space<semaphore_mem>>)
      %dma_wait3A = arith.constant 0 : i32
      %dma_wait3A_49 = arith.constant 0 : i32
      %dma_wait3A_50 = tpu.memref_slice %arg8[%dma_wait3A, %dma_wait3A_49] : memref<256x64xf32, #tpu.memory_space<vmem>> -> memref<120x64xf32, #tpu.memory_space<vmem>>
      %dma_wait3A_51 = arith.constant 0 : i32
      %dma_wait3A_52 = tpu.memref_slice %arg10[%add3A_18, %dma_wait3A_51] : memref<10112x64xf32, #tpu.memory_space<vmem_shared>> -> memref<120x64xf32, #tpu.memory_space<vmem_shared>>
      %dma_wait3A_53 = arith.constant 0 : i32
      %dma_wait3A_54 = tpu.memref_slice %arg10[%add3A_18, %dma_wait3A_53] : memref<10112x64xf32, #tpu.memory_space<vmem_shared>> -> memref<120x64xf32, #tpu.memory_space<vmem_shared>>
      %dma_wait3A_55 = arith.constant 0 : i32
      %dma_wait3A_56 = arith.constant 0 : i32
      %dma_wait3A_57 = tpu.memref_slice %arg8[%dma_wait3A_55, %dma_wait3A_56] : memref<256x64xf32, #tpu.memory_space<vmem>> -> memref<120x64xf32, #tpu.memory_space<vmem>>
      tpu.wait_dma2 semaphore(%run_scoped3A : memref<!tpu.dma_semaphore, #tpu.memory_space<semaphore_mem>>) src(%dma_wait3A_57 : memref<120x64xf32, #tpu.memory_space<vmem>>) dst(%dma_wait3A_54 : memref<120x64xf32, #tpu.memory_space<vmem_shared>>)
      tpu.yield
    }) : () -> ()
    %barrier3A = arith.constant 0 : index
    tpu.barrier barrier_id(%barrier3A)
    %dma_start3A = arith.constant 0 : i32
    %dma_start3A_19 = arith.constant 0 : i32
    %dma_start3A_20 = tpu.memref_slice %arg6[%dma_start3A, %dma_start3A_19] : memref<80x256xi32, #tpu.memory_space<vmem>> -> memref<1x256xi32, #tpu.memory_space<vmem>>
    %dma_start3A_21 = tpu.memref_squeeze %dma_start3A_20 : memref<1x256xi32, #tpu.memory_space<vmem>> -> memref<256xi32, #tpu.memory_space<vmem>>
    %dma_start3A_22 = arith.constant 0 : i32
    %dma_start3A_23 = arith.constant 0 : i32
    %dma_start3A_24 = tpu.memref_slice %arg2[%arg0, %dma_start3A_22, %dma_start3A_23] : memref<2x10112x64xf32, #tpu.memory_space<hbm>> -> memref<1x10112x64xf32, #tpu.memory_space<hbm>>
    %dma_start3A_25 = tpu.memref_squeeze %dma_start3A_24 : memref<1x10112x64xf32, #tpu.memory_space<hbm>> -> memref<10112x64xf32, #tpu.memory_space<hbm>>
    %dma_start3A_26 = arith.constant 0 : i32
    %dma_start3A_27 = arith.constant 0 : i32
    %dma_start3A_28 = tpu.memref_slice %dma_start3A_25[%dma_start3A_26, %dma_start3A_27] : memref<10112x64xf32, #tpu.memory_space<hbm>> -> memref<10112x64xf32, #tpu.memory_space<hbm>>
    tpu.enqueue_indirect_dma source(%dma_start3A_28 : memref<10112x64xf32, #tpu.memory_space<hbm>>) target(%arg8 : memref<256x64xf32, #tpu.memory_space<vmem>>) offsets(%dma_start3A_21 : memref<256xi32, #tpu.memory_space<vmem>>) semaphore(%arg11 : memref<!tpu.dma_semaphore, #tpu.memory_space<semaphore_mem>>)
    %scan3A_29 = arith.constant 0 : i32
    %scan3A_30 = arith.constant 40 : i32
    %scan3A_31 = arith.addi %scan3A_29, %scan3A_30 : i32
    %scan3A_32 = arith.constant 1 : i32
    scf.for %scan3A_39 = %scan3A_29 to %scan3A_31 step %scan3A_32  : i32 {
      %mul3A_40 = arith.constant 1 : i32
      %mul3A_41 = arith.muli %scan3A_39, %mul3A_40 : i32
      %add3A_42 = arith.constant 0 : i32
      %add3A_43 = arith.addi %add3A_42, %mul3A_41 : i32
      %mul3A_44 = arith.constant 2 : i32
      %mul3A_45 = arith.muli %mul3A_44, %add3A_43 : i32
      %add3A_46 = arith.constant 1 : i32
      %add3A_47 = arith.addi %mul3A_45, %add3A_46 : i32
      %dma_start3A_48 = arith.constant 0 : i32
      %dma_start3A_49 = tpu.memref_slice %arg6[%add3A_47, %dma_start3A_48] : memref<80x256xi32, #tpu.memory_space<vmem>> -> memref<1x256xi32, #tpu.memory_space<vmem>>
      %dma_start3A_50 = tpu.memref_squeeze %dma_start3A_49 : memref<1x256xi32, #tpu.memory_space<vmem>> -> memref<256xi32, #tpu.memory_space<vmem>>
      %dma_start3A_51 = arith.constant 0 : i32
      %dma_start3A_52 = arith.constant 0 : i32
      %dma_start3A_53 = tpu.memref_slice %arg2[%arg0, %dma_start3A_51, %dma_start3A_52] : memref<2x10112x64xf32, #tpu.memory_space<hbm>> -> memref<1x10112x64xf32, #tpu.memory_space<hbm>>
      %dma_start3A_54 = tpu.memref_squeeze %dma_start3A_53 : memref<1x10112x64xf32, #tpu.memory_space<hbm>> -> memref<10112x64xf32, #tpu.memory_space<hbm>>
      %dma_start3A_55 = arith.constant 0 : i32
      %dma_start3A_56 = arith.constant 0 : i32
      %dma_start3A_57 = tpu.memref_slice %dma_start3A_54[%dma_start3A_55, %dma_start3A_56] : memref<10112x64xf32, #tpu.memory_space<hbm>> -> memref<10112x64xf32, #tpu.memory_space<hbm>>
      tpu.enqueue_indirect_dma source(%dma_start3A_57 : memref<10112x64xf32, #tpu.memory_space<hbm>>) target(%arg9 : memref<256x64xf32, #tpu.memory_space<vmem>>) offsets(%dma_start3A_50 : memref<256xi32, #tpu.memory_space<vmem>>) semaphore(%arg12 : memref<!tpu.dma_semaphore, #tpu.memory_space<semaphore_mem>>)
      %dma_wait3A = arith.constant 0 : i32
      %dma_wait3A_58 = tpu.memref_slice %arg6[%mul3A_45, %dma_wait3A] : memref<80x256xi32, #tpu.memory_space<vmem>> -> memref<1x256xi32, #tpu.memory_space<vmem>>
      %dma_wait3A_59 = tpu.memref_squeeze %dma_wait3A_58 : memref<1x256xi32, #tpu.memory_space<vmem>> -> memref<256xi32, #tpu.memory_space<vmem>>
      %dma_wait3A_60 = arith.constant 0 : i32
      %dma_wait3A_61 = arith.constant 0 : i32
      %dma_wait3A_62 = tpu.memref_slice %arg2[%arg0, %dma_wait3A_60, %dma_wait3A_61] : memref<2x10112x64xf32, #tpu.memory_space<hbm>> -> memref<1x10112x64xf32, #tpu.memory_space<hbm>>
      %dma_wait3A_63 = tpu.memref_squeeze %dma_wait3A_62 : memref<1x10112x64xf32, #tpu.memory_space<hbm>> -> memref<10112x64xf32, #tpu.memory_space<hbm>>
      %dma_wait3A_64 = arith.constant 0 : i32
      %dma_wait3A_65 = arith.constant 0 : i32
      %dma_wait3A_66 = tpu.memref_slice %dma_wait3A_63[%dma_wait3A_64, %dma_wait3A_65] : memref<10112x64xf32, #tpu.memory_space<hbm>> -> memref<10112x64xf32, #tpu.memory_space<hbm>>
      tpu.wait_indirect_dma semaphore(%arg11 : memref<!tpu.dma_semaphore, #tpu.memory_space<semaphore_mem>>) src(%dma_wait3A_66 : memref<10112x64xf32, #tpu.memory_space<hbm>>) dst(%arg8 : memref<256x64xf32, #tpu.memory_space<vmem>>)
      "tpu.region"() ({
        %run_scoped3A = tpu.sem_alloc : memref<!tpu.dma_semaphore, #tpu.memory_space<semaphore_mem>>
        %dma_start3A_85 = arith.constant 0 : i32
        %dma_start3A_86 = tpu.memref_slice %arg7[%mul3A_45, %dma_start3A_85] : memref<80x256xi32, #tpu.memory_space<vmem>> -> memref<1x256xi32, #tpu.memory_space<vmem>>
        %dma_start3A_87 = tpu.memref_squeeze %dma_start3A_86 : memref<1x256xi32, #tpu.memory_space<vmem>> -> memref<256xi32, #tpu.memory_space<vmem>>
        %dma_start3A_88 = arith.constant 0 : i32
        %dma_start3A_89 = arith.constant 0 : i32
        %dma_start3A_90 = tpu.memref_slice %arg10[%dma_start3A_88, %dma_start3A_89] : memref<10112x64xf32, #tpu.memory_space<vmem_shared>> -> memref<10112x64xf32, #tpu.memory_space<vmem_shared>>
        tpu.enqueue_indirect_dma source(%arg8 : memref<256x64xf32, #tpu.memory_space<vmem>>) target(%dma_start3A_90 : memref<10112x64xf32, #tpu.memory_space<vmem_shared>>) offsets(%dma_start3A_87 : memref<256xi32, #tpu.memory_space<vmem>>) semaphore(%run_scoped3A : memref<!tpu.dma_semaphore, #tpu.memory_space<semaphore_mem>>) {add = true}
        %dma_wait3A_91 = arith.constant 0 : i32
        %dma_wait3A_92 = tpu.memref_slice %arg7[%mul3A_45, %dma_wait3A_91] : memref<80x256xi32, #tpu.memory_space<vmem>> -> memref<1x256xi32, #tpu.memory_space<vmem>>
        %dma_wait3A_93 = tpu.memref_squeeze %dma_wait3A_92 : memref<1x256xi32, #tpu.memory_space<vmem>> -> memref<256xi32, #tpu.memory_space<vmem>>
        %dma_wait3A_94 = arith.constant 0 : i32
        %dma_wait3A_95 = arith.constant 0 : i32
        %dma_wait3A_96 = tpu.memref_slice %arg10[%dma_wait3A_94, %dma_wait3A_95] : memref<10112x64xf32, #tpu.memory_space<vmem_shared>> -> memref<10112x64xf32, #tpu.memory_space<vmem_shared>>
        tpu.wait_indirect_dma semaphore(%run_scoped3A : memref<!tpu.dma_semaphore, #tpu.memory_space<semaphore_mem>>) src(%arg8 : memref<256x64xf32, #tpu.memory_space<vmem>>) dst(%dma_wait3A_96 : memref<10112x64xf32, #tpu.memory_space<vmem_shared>>)
        tpu.yield
      }) : () -> ()
      %add3A_67 = arith.constant 1 : i32
      %add3A_68 = arith.addi %add3A_43, %add3A_67 : i32
      %lt3A = arith.constant 40 : i32
      %lt3A_69 = arith.cmpi slt, %add3A_68, %lt3A : i32
      %convert_element_type3A = arith.extui %lt3A_69 : i1 to i32
      %cond3A = arith.constant 0 : i32
      %cond3A_70 = arith.cmpi ne, %convert_element_type3A, %cond3A : i32
      scf.if %cond3A_70 {
        %add3A_85 = arith.constant 2 : i32
        %add3A_86 = arith.addi %mul3A_45, %add3A_85 : i32
        %dma_start3A_87 = arith.constant 0 : i32
        %dma_start3A_88 = tpu.memref_slice %arg6[%add3A_86, %dma_start3A_87] : memref<80x256xi32, #tpu.memory_space<vmem>> -> memref<1x256xi32, #tpu.memory_space<vmem>>
        %dma_start3A_89 = tpu.memref_squeeze %dma_start3A_88 : memref<1x256xi32, #tpu.memory_space<vmem>> -> memref<256xi32, #tpu.memory_space<vmem>>
        %dma_start3A_90 = arith.constant 0 : i32
        %dma_start3A_91 = arith.constant 0 : i32
        %dma_start3A_92 = tpu.memref_slice %arg2[%arg0, %dma_start3A_90, %dma_start3A_91] : memref<2x10112x64xf32, #tpu.memory_space<hbm>> -> memref<1x10112x64xf32, #tpu.memory_space<hbm>>
        %dma_start3A_93 = tpu.memref_squeeze %dma_start3A_92 : memref<1x10112x64xf32, #tpu.memory_space<hbm>> -> memref<10112x64xf32, #tpu.memory_space<hbm>>
        %dma_start3A_94 = arith.constant 0 : i32
        %dma_start3A_95 = arith.constant 0 : i32
        %dma_start3A_96 = tpu.memref_slice %dma_start3A_93[%dma_start3A_94, %dma_start3A_95] : memref<10112x64xf32, #tpu.memory_space<hbm>> -> memref<10112x64xf32, #tpu.memory_space<hbm>>
        tpu.enqueue_indirect_dma source(%dma_start3A_96 : memref<10112x64xf32, #tpu.memory_space<hbm>>) target(%arg8 : memref<256x64xf32, #tpu.memory_space<vmem>>) offsets(%dma_start3A_89 : memref<256xi32, #tpu.memory_space<vmem>>) semaphore(%arg11 : memref<!tpu.dma_semaphore, #tpu.memory_space<semaphore_mem>>)
      } else {
      }
      %add3A_71 = arith.constant 1 : i32
      %add3A_72 = arith.addi %mul3A_45, %add3A_71 : i32
      %dma_wait3A_73 = arith.constant 0 : i32
      %dma_wait3A_74 = tpu.memref_slice %arg6[%add3A_72, %dma_wait3A_73] : memref<80x256xi32, #tpu.memory_space<vmem>> -> memref<1x256xi32, #tpu.memory_space<vmem>>
      %dma_wait3A_75 = tpu.memref_squeeze %dma_wait3A_74 : memref<1x256xi32, #tpu.memory_space<vmem>> -> memref<256xi32, #tpu.memory_space<vmem>>
      %dma_wait3A_76 = arith.constant 0 : i32
      %dma_wait3A_77 = arith.constant 0 : i32
      %dma_wait3A_78 = tpu.memref_slice %arg2[%arg0, %dma_wait3A_76, %dma_wait3A_77] : memref<2x10112x64xf32, #tpu.memory_space<hbm>> -> memref<1x10112x64xf32, #tpu.memory_space<hbm>>
      %dma_wait3A_79 = tpu.memref_squeeze %dma_wait3A_78 : memref<1x10112x64xf32, #tpu.memory_space<hbm>> -> memref<10112x64xf32, #tpu.memory_space<hbm>>
      %dma_wait3A_80 = arith.constant 0 : i32
      %dma_wait3A_81 = arith.constant 0 : i32
      %dma_wait3A_82 = tpu.memref_slice %dma_wait3A_79[%dma_wait3A_80, %dma_wait3A_81] : memref<10112x64xf32, #tpu.memory_space<hbm>> -> memref<10112x64xf32, #tpu.memory_space<hbm>>
      tpu.wait_indirect_dma semaphore(%arg12 : memref<!tpu.dma_semaphore, #tpu.memory_space<semaphore_mem>>) src(%dma_wait3A_82 : memref<10112x64xf32, #tpu.memory_space<hbm>>) dst(%arg9 : memref<256x64xf32, #tpu.memory_space<vmem>>)
      %add3A_83 = arith.constant 1 : i32
      %add3A_84 = arith.addi %mul3A_45, %add3A_83 : i32
      "tpu.region"() ({
        %run_scoped3A = tpu.sem_alloc : memref<!tpu.dma_semaphore, #tpu.memory_space<semaphore_mem>>
        %dma_start3A_85 = arith.constant 0 : i32
        %dma_start3A_86 = tpu.memref_slice %arg7[%add3A_84, %dma_start3A_85] : memref<80x256xi32, #tpu.memory_space<vmem>> -> memref<1x256xi32, #tpu.memory_space<vmem>>
        %dma_start3A_87 = tpu.memref_squeeze %dma_start3A_86 : memref<1x256xi32, #tpu.memory_space<vmem>> -> memref<256xi32, #tpu.memory_space<vmem>>
        %dma_start3A_88 = arith.constant 0 : i32
        %dma_start3A_89 = arith.constant 0 : i32
        %dma_start3A_90 = tpu.memref_slice %arg10[%dma_start3A_88, %dma_start3A_89] : memref<10112x64xf32, #tpu.memory_space<vmem_shared>> -> memref<10112x64xf32, #tpu.memory_space<vmem_shared>>
        tpu.enqueue_indirect_dma source(%arg9 : memref<256x64xf32, #tpu.memory_space<vmem>>) target(%dma_start3A_90 : memref<10112x64xf32, #tpu.memory_space<vmem_shared>>) offsets(%dma_start3A_87 : memref<256xi32, #tpu.memory_space<vmem>>) semaphore(%run_scoped3A : memref<!tpu.dma_semaphore, #tpu.memory_space<semaphore_mem>>) {add = true}
        %dma_wait3A_91 = arith.constant 0 : i32
        %dma_wait3A_92 = tpu.memref_slice %arg7[%add3A_84, %dma_wait3A_91] : memref<80x256xi32, #tpu.memory_space<vmem>> -> memref<1x256xi32, #tpu.memory_space<vmem>>
        %dma_wait3A_93 = tpu.memref_squeeze %dma_wait3A_92 : memref<1x256xi32, #tpu.memory_space<vmem>> -> memref<256xi32, #tpu.memory_space<vmem>>
        %dma_wait3A_94 = arith.constant 0 : i32
        %dma_wait3A_95 = arith.constant 0 : i32
        %dma_wait3A_96 = tpu.memref_slice %arg10[%dma_wait3A_94, %dma_wait3A_95] : memref<10112x64xf32, #tpu.memory_space<vmem_shared>> -> memref<10112x64xf32, #tpu.memory_space<vmem_shared>>
        tpu.wait_indirect_dma semaphore(%run_scoped3A : memref<!tpu.dma_semaphore, #tpu.memory_space<semaphore_mem>>) src(%arg9 : memref<256x64xf32, #tpu.memory_space<vmem>>) dst(%dma_wait3A_96 : memref<10112x64xf32, #tpu.memory_space<vmem_shared>>)
        tpu.yield
      }) : () -> ()
    }
    %scan3A_33 = arith.constant 40 : i32
    %barrier3A_34 = arith.constant 0 : index
    tpu.barrier barrier_id(%barrier3A_34)
    %mul3A_35 = arith.constant 632 : i32
    %mul3A_36 = arith.muli %arg1, %mul3A_35 : i32
    %mul3A_37 = arith.constant 632 : i32
    %mul3A_38 = arith.muli %arg1, %mul3A_37 : i32
    "tpu.region"() ({
      %run_scoped3A = tpu.sem_alloc : memref<!tpu.dma_semaphore, #tpu.memory_space<semaphore_mem>>
      %dma_start3A_39 = arith.constant 0 : i32
      %dma_start3A_40 = tpu.memref_slice %arg5[%arg0, %mul3A_38, %dma_start3A_39] : memref<2x10112x64xf32, #tpu.memory_space<hbm>> -> memref<1x632x64xf32, #tpu.memory_space<hbm>>
      %dma_start3A_41 = tpu.memref_squeeze %dma_start3A_40 : memref<1x632x64xf32, #tpu.memory_space<hbm>> -> memref<632x64xf32, #tpu.memory_space<hbm>>
      %dma_start3A_42 = arith.constant 0 : i32
      %dma_start3A_43 = tpu.memref_slice %arg10[%mul3A_36, %dma_start3A_42] : memref<10112x64xf32, #tpu.memory_space<vmem_shared>> -> memref<632x64xf32, #tpu.memory_space<vmem_shared>>
      tpu.enqueue_dma source(%dma_start3A_43 : memref<632x64xf32, #tpu.memory_space<vmem_shared>>) target(%dma_start3A_41 : memref<632x64xf32, #tpu.memory_space<hbm>>) target_semaphore(%run_scoped3A : memref<!tpu.dma_semaphore, #tpu.memory_space<semaphore_mem>>)
      %dma_wait3A = arith.constant 0 : i32
      %dma_wait3A_44 = tpu.memref_slice %arg5[%arg0, %mul3A_38, %dma_wait3A] : memref<2x10112x64xf32, #tpu.memory_space<hbm>> -> memref<1x632x64xf32, #tpu.memory_space<hbm>>
      %dma_wait3A_45 = tpu.memref_squeeze %dma_wait3A_44 : memref<1x632x64xf32, #tpu.memory_space<hbm>> -> memref<632x64xf32, #tpu.memory_space<hbm>>
      %dma_wait3A_46 = arith.constant 0 : i32
      %dma_wait3A_47 = tpu.memref_slice %arg10[%mul3A_36, %dma_wait3A_46] : memref<10112x64xf32, #tpu.memory_space<vmem_shared>> -> memref<632x64xf32, #tpu.memory_space<vmem_shared>>
      tpu.wait_dma2 semaphore(%run_scoped3A : memref<!tpu.dma_semaphore, #tpu.memory_space<semaphore_mem>>) src(%dma_wait3A_47 : memref<632x64xf32, #tpu.memory_space<vmem_shared>>) dst(%dma_wait3A_45 : memref<632x64xf32, #tpu.memory_space<hbm>>)
      tpu.yield
    }) : () -> ()
    return
  }
}

module attributes {stable_mosaic.version = 14 : i64} {
  func.func @body(%arg0: i32, %arg1: memref<632x512xf32, #tpu.memory_space<vmem>>, %arg2: memref<632x128xf32, #tpu.memory_space<vmem>>, %arg3: memref<128x128xf32, #tpu.memory_space<vmem>>, %arg4: memref<2x632x64xf32, #tpu.memory_space<vmem>>, %arg5: memref<632x1xf32, #tpu.memory_space<vmem>>) attributes {dimension_semantics = [#tpu.dimension_semantics<arbitrary>], iteration_bounds = array<i64: 16>, scalar_prefetch = 0 : i64, scratch_operands = 0 : i64, tpu.core_type = #tpu.core_type<tc>, window_params = [{transform_indices = @transform_0, window_bounds = array<i64: 632, 512>}, {transform_indices = @transform_1, window_bounds = array<i64: 632, 128>}, {pipeline_mode = #tpu.pipeline_mode<synchronous>, transform_indices = @transform_2, window_bounds = array<i64: 128, 128>}, {transform_indices = @transform_3, window_bounds = array<i64: 2, 632, 64>}, {transform_indices = @transform_4, window_bounds = array<i64: 632, 1>}]} {
    %get3A = arith.constant 0 : index
    %get3A_0 = arith.constant 0 : index
    %get3A_1 = vector.load %arg1[%get3A, %get3A_0] : memref<632x512xf32, #tpu.memory_space<vmem>>, vector<632x512xf32>
    %reduce_sum3A = arith.constant dense<0.000000e+00> : vector<632xf32>
    %reduce_sum3A_2 = vector.multi_reduction <add>, %get3A_1, %reduce_sum3A [1] : vector<632x512xf32> to vector<632xf32>
    %broadcast_in_dim3A = vector.shape_cast %reduce_sum3A_2 : vector<632xf32> to vector<632x1xf32>
    %add3A = arith.constant 1.000000e+00 : f32
    %add3A_3 = vector.broadcast %add3A : f32 to vector<632x1xf32>
    %add3A_4 = arith.addf %broadcast_in_dim3A, %add3A_3 : vector<632x1xf32>
    %max3A = arith.constant 1.000000e+00 : f32
    %max3A_5 = vector.broadcast %max3A : f32 to vector<632x1xf32>
    %max3A_6 = arith.maximumf %add3A_4, %max3A_5 : vector<632x1xf32>
    %rsqrt3A = math.rsqrt %max3A_6 : vector<632x1xf32>
    %swap3A = arith.constant 0 : index
    %swap3A_7 = arith.constant 0 : index
    %swap3A_8 = vector.load %arg5[%swap3A, %swap3A_7] : memref<632x1xf32, #tpu.memory_space<vmem>>, vector<632x1xf32>
    tpu.vector_store %arg5[%swap3A, %swap3A_7], %rsqrt3A {strides = array<i32>} : memref<632x1xf32, #tpu.memory_space<vmem>>, vector<632x1xf32>,
    %get3A_9 = arith.constant 0 : index
    %get3A_10 = arith.constant 0 : index
    %get3A_11 = vector.load %arg2[%get3A_9, %get3A_10] : memref<632x128xf32, #tpu.memory_space<vmem>>, vector<632x128xf32>
    %mul3A = vector.broadcast %rsqrt3A : vector<632x1xf32> to vector<632x128xf32>
    %mul3A_12 = arith.mulf %get3A_11, %mul3A : vector<632x128xf32>
    %get3A_13 = arith.constant 0 : index
    %get3A_14 = arith.constant 0 : index
    %get3A_15 = vector.load %arg3[%get3A_13, %get3A_14] : memref<128x128xf32, #tpu.memory_space<vmem>>, vector<128x128xf32>
    %dot_general3A = arith.constant dense<0.000000e+00> : vector<632x128xf32>
    %dot_general3A_16 = tpu.matmul %mul3A_12, %get3A_15, %dot_general3A {dimension_numbers = #tpu.dot_dimension_numbers<[1], [0], [0], [1], [0, 0, 1, 1], [], []>, transpose_lhs_hint = false} : vector<632x128xf32>, vector<128x128xf32>, vector<632x128xf32> -> vector<632x128xf32>
    %slice3A = vector.extract_strided_slice %dot_general3A_16 {offsets = [0, 0], sizes = [632, 64], strides = [1, 1]} : vector<632x128xf32> to vector<632x64xf32>
    %swap3A_17 = arith.constant 0 : index
    %swap3A_18 = arith.constant 0 : index
    %swap3A_19 = arith.constant 0 : index
    %swap3A_20 = vector.load %arg4[%swap3A_17, %swap3A_18, %swap3A_19] : memref<2x632x64xf32, #tpu.memory_space<vmem>>, vector<1x632x64xf32>
    %swap3A_21 = vector.shape_cast %swap3A_20 : vector<1x632x64xf32> to vector<632x64xf32>
    %swap3A_22 = vector.shape_cast %slice3A : vector<632x64xf32> to vector<1x632x64xf32>
    tpu.vector_store %arg4[%swap3A_17, %swap3A_18, %swap3A_19], %swap3A_22 {strides = array<i32>} : memref<2x632x64xf32, #tpu.memory_space<vmem>>, vector<1x632x64xf32>,
    %slice3A_23 = vector.extract_strided_slice %dot_general3A_16 {offsets = [0, 64], sizes = [632, 64], strides = [1, 1]} : vector<632x128xf32> to vector<632x64xf32>
    %swap3A_24 = arith.constant 1 : index
    %swap3A_25 = arith.constant 0 : index
    %swap3A_26 = arith.constant 0 : index
    %swap3A_27 = vector.load %arg4[%swap3A_24, %swap3A_25, %swap3A_26] : memref<2x632x64xf32, #tpu.memory_space<vmem>>, vector<1x632x64xf32>
    %swap3A_28 = vector.shape_cast %swap3A_27 : vector<1x632x64xf32> to vector<632x64xf32>
    %swap3A_29 = vector.shape_cast %slice3A_23 : vector<632x64xf32> to vector<1x632x64xf32>
    tpu.vector_store %arg4[%swap3A_24, %swap3A_25, %swap3A_26], %swap3A_29 {strides = array<i32>} : memref<2x632x64xf32, #tpu.memory_space<vmem>>, vector<1x632x64xf32>,
    return
  }
  func.func @transform_0(%arg0: i32) -> (i32, i32) {
    %c0_i32 = arith.constant 0 : i32
    %c0_i32_0 = arith.constant 0 : i32
    return %arg0, %c0_i32 : i32, i32
  }
  func.func @transform_1(%arg0: i32) -> (i32, i32) {
    %c0_i32 = arith.constant 0 : i32
    %c0_i32_0 = arith.constant 0 : i32
    return %arg0, %c0_i32 : i32, i32
  }
  func.func @transform_2(%arg0: i32) -> (i32, i32) {
    %c0_i32 = arith.constant 0 : i32
    %c0_i32_0 = arith.constant 0 : i32
    %c0_i32_1 = arith.constant 0 : i32
    return %c0_i32, %c0_i32_0 : i32, i32
  }
  func.func @transform_3(%arg0: i32) -> (i32, i32, i32) {
    %c0_i32 = arith.constant 0 : i32
    %c0_i32_0 = arith.constant 0 : i32
    %c0_i32_1 = arith.constant 0 : i32
    return %c0_i32, %arg0, %c0_i32_0 : i32, i32, i32
  }
  func.func @transform_4(%arg0: i32) -> (i32, i32) {
    %c0_i32 = arith.constant 0 : i32
    %c0_i32_0 = arith.constant 0 : i32
    return %arg0, %c0_i32 : i32, i32
  }
}

module attributes {stable_mosaic.version = 14 : i64} {
  func.func @body(%arg0: i32, %arg1: memref<2x632x64xf32, #tpu.memory_space<vmem>>, %arg2: memref<2x632x64xf32, #tpu.memory_space<vmem>>, %arg3: memref<632x1xf32, #tpu.memory_space<vmem>>, %arg4: memref<1x128xf32, #tpu.memory_space<vmem>>, %arg5: memref<128x128xf32, #tpu.memory_space<vmem>>, %arg6: memref<2x632x64xf32, #tpu.memory_space<vmem>>) attributes {dimension_semantics = [#tpu.dimension_semantics<arbitrary>], iteration_bounds = array<i64: 16>, scalar_prefetch = 0 : i64, scratch_operands = 0 : i64, tpu.core_type = #tpu.core_type<tc>, window_params = [{transform_indices = @transform_0, window_bounds = array<i64: 2, 632, 64>}, {transform_indices = @transform_1, window_bounds = array<i64: 2, 632, 64>}, {transform_indices = @transform_2, window_bounds = array<i64: 632, 1>}, {pipeline_mode = #tpu.pipeline_mode<synchronous>, transform_indices = @transform_3, window_bounds = array<i64: 1, 128>}, {pipeline_mode = #tpu.pipeline_mode<synchronous>, transform_indices = @transform_4, window_bounds = array<i64: 128, 128>}, {transform_indices = @transform_5, window_bounds = array<i64: 2, 632, 64>}]} {
    %get3A = arith.constant 0 : index
    %get3A_0 = arith.constant 0 : index
    %get3A_1 = arith.constant 0 : index
    %get3A_2 = vector.load %arg1[%get3A, %get3A_0, %get3A_1] : memref<2x632x64xf32, #tpu.memory_space<vmem>>, vector<1x632x64xf32>
    %get3A_3 = vector.shape_cast %get3A_2 : vector<1x632x64xf32> to vector<632x64xf32>
    %get3A_4 = arith.constant 0 : index
    %get3A_5 = arith.constant 0 : index
    %get3A_6 = arith.constant 0 : index
    %get3A_7 = vector.load %arg2[%get3A_4, %get3A_5, %get3A_6] : memref<2x632x64xf32, #tpu.memory_space<vmem>>, vector<1x632x64xf32>
    %get3A_8 = vector.shape_cast %get3A_7 : vector<1x632x64xf32> to vector<632x64xf32>
    %add3A = arith.addf %get3A_3, %get3A_8 : vector<632x64xf32>
    %get3A_9 = arith.constant 1 : index
    %get3A_10 = arith.constant 0 : index
    %get3A_11 = arith.constant 0 : index
    %get3A_12 = vector.load %arg1[%get3A_9, %get3A_10, %get3A_11] : memref<2x632x64xf32, #tpu.memory_space<vmem>>, vector<1x632x64xf32>
    %get3A_13 = vector.shape_cast %get3A_12 : vector<1x632x64xf32> to vector<632x64xf32>
    %get3A_14 = arith.constant 1 : index
    %get3A_15 = arith.constant 0 : index
    %get3A_16 = arith.constant 0 : index
    %get3A_17 = vector.load %arg2[%get3A_14, %get3A_15, %get3A_16] : memref<2x632x64xf32, #tpu.memory_space<vmem>>, vector<1x632x64xf32>
    %get3A_18 = vector.shape_cast %get3A_17 : vector<1x632x64xf32> to vector<632x64xf32>
    %add3A_19 = arith.addf %get3A_13, %get3A_18 : vector<632x64xf32>
    %concatenate3A = tpu.concatenate %add3A, %add3A_19 in 1 : vector<632x64xf32>, vector<632x64xf32> -> vector<632x128xf32>
    %get3A_20 = arith.constant 0 : index
    %get3A_21 = arith.constant 0 : index
    %get3A_22 = vector.load %arg3[%get3A_20, %get3A_21] : memref<632x1xf32, #tpu.memory_space<vmem>>, vector<632x1xf32>
    %mul3A = vector.broadcast %get3A_22 : vector<632x1xf32> to vector<632x128xf32>
    %mul3A_23 = arith.mulf %mul3A, %concatenate3A : vector<632x128xf32>
    %get3A_24 = arith.constant 0 : index
    %get3A_25 = arith.constant 0 : index
    %get3A_26 = vector.load %arg4[%get3A_24, %get3A_25] : memref<1x128xf32, #tpu.memory_space<vmem>>, vector<1x128xf32>
    %add3A_27 = vector.broadcast %get3A_26 : vector<1x128xf32> to vector<632x128xf32>
    %add3A_28 = arith.addf %mul3A_23, %add3A_27 : vector<632x128xf32>
    %max3A = arith.constant 0.000000e+00 : f32
    %max3A_29 = vector.broadcast %max3A : f32 to vector<632x128xf32>
    %max3A_30 = arith.maximumf %add3A_28, %max3A_29 : vector<632x128xf32>
    %get3A_31 = arith.constant 0 : index
    %get3A_32 = arith.constant 0 : index
    %get3A_33 = vector.load %arg3[%get3A_31, %get3A_32] : memref<632x1xf32, #tpu.memory_space<vmem>>, vector<632x1xf32>
    %mul3A_34 = vector.broadcast %get3A_33 : vector<632x1xf32> to vector<632x128xf32>
    %mul3A_35 = arith.mulf %max3A_30, %mul3A_34 : vector<632x128xf32>
    %get3A_36 = arith.constant 0 : index
    %get3A_37 = arith.constant 0 : index
    %get3A_38 = vector.load %arg5[%get3A_36, %get3A_37] : memref<128x128xf32, #tpu.memory_space<vmem>>, vector<128x128xf32>
    %dot_general3A = arith.constant dense<0.000000e+00> : vector<632x128xf32>
    %dot_general3A_39 = tpu.matmul %mul3A_35, %get3A_38, %dot_general3A {dimension_numbers = #tpu.dot_dimension_numbers<[1], [0], [0], [1], [0, 0, 1, 1], [], []>, transpose_lhs_hint = false} : vector<632x128xf32>, vector<128x128xf32>, vector<632x128xf32> -> vector<632x128xf32>
    %slice3A = vector.extract_strided_slice %dot_general3A_39 {offsets = [0, 0], sizes = [632, 64], strides = [1, 1]} : vector<632x128xf32> to vector<632x64xf32>
    %swap3A = arith.constant 0 : index
    %swap3A_40 = arith.constant 0 : index
    %swap3A_41 = arith.constant 0 : index
    %swap3A_42 = vector.load %arg6[%swap3A, %swap3A_40, %swap3A_41] : memref<2x632x64xf32, #tpu.memory_space<vmem>>, vector<1x632x64xf32>
    %swap3A_43 = vector.shape_cast %swap3A_42 : vector<1x632x64xf32> to vector<632x64xf32>
    %swap3A_44 = vector.shape_cast %slice3A : vector<632x64xf32> to vector<1x632x64xf32>
    tpu.vector_store %arg6[%swap3A, %swap3A_40, %swap3A_41], %swap3A_44 {strides = array<i32>} : memref<2x632x64xf32, #tpu.memory_space<vmem>>, vector<1x632x64xf32>,
    %slice3A_45 = vector.extract_strided_slice %dot_general3A_39 {offsets = [0, 64], sizes = [632, 64], strides = [1, 1]} : vector<632x128xf32> to vector<632x64xf32>
    %swap3A_46 = arith.constant 1 : index
    %swap3A_47 = arith.constant 0 : index
    %swap3A_48 = arith.constant 0 : index
    %swap3A_49 = vector.load %arg6[%swap3A_46, %swap3A_47, %swap3A_48] : memref<2x632x64xf32, #tpu.memory_space<vmem>>, vector<1x632x64xf32>
    %swap3A_50 = vector.shape_cast %swap3A_49 : vector<1x632x64xf32> to vector<632x64xf32>
    %swap3A_51 = vector.shape_cast %slice3A_45 : vector<632x64xf32> to vector<1x632x64xf32>
    tpu.vector_store %arg6[%swap3A_46, %swap3A_47, %swap3A_48], %swap3A_51 {strides = array<i32>} : memref<2x632x64xf32, #tpu.memory_space<vmem>>, vector<1x632x64xf32>,
    return
  }
  func.func @transform_0(%arg0: i32) -> (i32, i32, i32) {
    %c0_i32 = arith.constant 0 : i32
    %c0_i32_0 = arith.constant 0 : i32
    %c0_i32_1 = arith.constant 0 : i32
    return %c0_i32, %arg0, %c0_i32_0 : i32, i32, i32
  }
  func.func @transform_1(%arg0: i32) -> (i32, i32, i32) {
    %c0_i32 = arith.constant 0 : i32
    %c0_i32_0 = arith.constant 0 : i32
    %c0_i32_1 = arith.constant 0 : i32
    return %c0_i32, %arg0, %c0_i32_0 : i32, i32, i32
  }
  func.func @transform_2(%arg0: i32) -> (i32, i32) {
    %c0_i32 = arith.constant 0 : i32
    %c0_i32_0 = arith.constant 0 : i32
    return %arg0, %c0_i32 : i32, i32
  }
  func.func @transform_3(%arg0: i32) -> (i32, i32) {
    %c0_i32 = arith.constant 0 : i32
    %c0_i32_0 = arith.constant 0 : i32
    %c0_i32_1 = arith.constant 0 : i32
    return %c0_i32, %c0_i32_0 : i32, i32
  }
  func.func @transform_4(%arg0: i32) -> (i32, i32) {
    %c0_i32 = arith.constant 0 : i32
    %c0_i32_0 = arith.constant 0 : i32
    %c0_i32_1 = arith.constant 0 : i32
    return %c0_i32, %c0_i32_0 : i32, i32
  }
  func.func @transform_5(%arg0: i32) -> (i32, i32, i32) {
    %c0_i32 = arith.constant 0 : i32
    %c0_i32_0 = arith.constant 0 : i32
    %c0_i32_1 = arith.constant 0 : i32
    return %c0_i32, %arg0, %c0_i32_0 : i32, i32, i32
  }
}

module attributes {stable_mosaic.version = 14 : i64} {
  func.func @body(%arg0: i32, %arg1: memref<2x632x64xf32, #tpu.memory_space<vmem>>, %arg2: memref<2x632x64xf32, #tpu.memory_space<vmem>>, %arg3: memref<632x1xf32, #tpu.memory_space<vmem>>, %arg4: memref<1x128xf32, #tpu.memory_space<vmem>>, %arg5: memref<128x64xf32, #tpu.memory_space<vmem>>, %arg6: memref<2x632x32xf32, #tpu.memory_space<vmem>>) attributes {dimension_semantics = [#tpu.dimension_semantics<arbitrary>], iteration_bounds = array<i64: 16>, scalar_prefetch = 0 : i64, scratch_operands = 0 : i64, tpu.core_type = #tpu.core_type<tc>, window_params = [{transform_indices = @transform_0, window_bounds = array<i64: 2, 632, 64>}, {transform_indices = @transform_1, window_bounds = array<i64: 2, 632, 64>}, {transform_indices = @transform_2, window_bounds = array<i64: 632, 1>}, {pipeline_mode = #tpu.pipeline_mode<synchronous>, transform_indices = @transform_3, window_bounds = array<i64: 1, 128>}, {pipeline_mode = #tpu.pipeline_mode<synchronous>, transform_indices = @transform_4, window_bounds = array<i64: 128, 64>}, {transform_indices = @transform_5, window_bounds = array<i64: 2, 632, 32>}]} {
    %get3A = arith.constant 0 : index
    %get3A_0 = arith.constant 0 : index
    %get3A_1 = arith.constant 0 : index
    %get3A_2 = vector.load %arg1[%get3A, %get3A_0, %get3A_1] : memref<2x632x64xf32, #tpu.memory_space<vmem>>, vector<1x632x64xf32>
    %get3A_3 = vector.shape_cast %get3A_2 : vector<1x632x64xf32> to vector<632x64xf32>
    %get3A_4 = arith.constant 0 : index
    %get3A_5 = arith.constant 0 : index
    %get3A_6 = arith.constant 0 : index
    %get3A_7 = vector.load %arg2[%get3A_4, %get3A_5, %get3A_6] : memref<2x632x64xf32, #tpu.memory_space<vmem>>, vector<1x632x64xf32>
    %get3A_8 = vector.shape_cast %get3A_7 : vector<1x632x64xf32> to vector<632x64xf32>
    %add3A = arith.addf %get3A_3, %get3A_8 : vector<632x64xf32>
    %get3A_9 = arith.constant 1 : index
    %get3A_10 = arith.constant 0 : index
    %get3A_11 = arith.constant 0 : index
    %get3A_12 = vector.load %arg1[%get3A_9, %get3A_10, %get3A_11] : memref<2x632x64xf32, #tpu.memory_space<vmem>>, vector<1x632x64xf32>
    %get3A_13 = vector.shape_cast %get3A_12 : vector<1x632x64xf32> to vector<632x64xf32>
    %get3A_14 = arith.constant 1 : index
    %get3A_15 = arith.constant 0 : index
    %get3A_16 = arith.constant 0 : index
    %get3A_17 = vector.load %arg2[%get3A_14, %get3A_15, %get3A_16] : memref<2x632x64xf32, #tpu.memory_space<vmem>>, vector<1x632x64xf32>
    %get3A_18 = vector.shape_cast %get3A_17 : vector<1x632x64xf32> to vector<632x64xf32>
    %add3A_19 = arith.addf %get3A_13, %get3A_18 : vector<632x64xf32>
    %concatenate3A = tpu.concatenate %add3A, %add3A_19 in 1 : vector<632x64xf32>, vector<632x64xf32> -> vector<632x128xf32>
    %get3A_20 = arith.constant 0 : index
    %get3A_21 = arith.constant 0 : index
    %get3A_22 = vector.load %arg3[%get3A_20, %get3A_21] : memref<632x1xf32, #tpu.memory_space<vmem>>, vector<632x1xf32>
    %mul3A = vector.broadcast %get3A_22 : vector<632x1xf32> to vector<632x128xf32>
    %mul3A_23 = arith.mulf %mul3A, %concatenate3A : vector<632x128xf32>
    %get3A_24 = arith.constant 0 : index
    %get3A_25 = arith.constant 0 : index
    %get3A_26 = vector.load %arg4[%get3A_24, %get3A_25] : memref<1x128xf32, #tpu.memory_space<vmem>>, vector<1x128xf32>
    %add3A_27 = vector.broadcast %get3A_26 : vector<1x128xf32> to vector<632x128xf32>
    %add3A_28 = arith.addf %mul3A_23, %add3A_27 : vector<632x128xf32>
    %max3A = arith.constant 0.000000e+00 : f32
    %max3A_29 = vector.broadcast %max3A : f32 to vector<632x128xf32>
    %max3A_30 = arith.maximumf %add3A_28, %max3A_29 : vector<632x128xf32>
    %get3A_31 = arith.constant 0 : index
    %get3A_32 = arith.constant 0 : index
    %get3A_33 = vector.load %arg3[%get3A_31, %get3A_32] : memref<632x1xf32, #tpu.memory_space<vmem>>, vector<632x1xf32>
    %mul3A_34 = vector.broadcast %get3A_33 : vector<632x1xf32> to vector<632x128xf32>
    %mul3A_35 = arith.mulf %max3A_30, %mul3A_34 : vector<632x128xf32>
    %get3A_36 = arith.constant 0 : index
    %get3A_37 = arith.constant 0 : index
    %get3A_38 = vector.load %arg5[%get3A_36, %get3A_37] : memref<128x64xf32, #tpu.memory_space<vmem>>, vector<128x64xf32>
    %dot_general3A = arith.constant dense<0.000000e+00> : vector<632x64xf32>
    %dot_general3A_39 = tpu.matmul %mul3A_35, %get3A_38, %dot_general3A {dimension_numbers = #tpu.dot_dimension_numbers<[1], [0], [0], [1], [0, 0, 1, 1], [], []>, transpose_lhs_hint = false} : vector<632x128xf32>, vector<128x64xf32>, vector<632x64xf32> -> vector<632x64xf32>
    %slice3A = vector.extract_strided_slice %dot_general3A_39 {offsets = [0, 0], sizes = [632, 32], strides = [1, 1]} : vector<632x64xf32> to vector<632x32xf32>
    %swap3A = arith.constant 0 : index
    %swap3A_40 = arith.constant 0 : index
    %swap3A_41 = arith.constant 0 : index
    %swap3A_42 = vector.load %arg6[%swap3A, %swap3A_40, %swap3A_41] : memref<2x632x32xf32, #tpu.memory_space<vmem>>, vector<1x632x32xf32>
    %swap3A_43 = vector.shape_cast %swap3A_42 : vector<1x632x32xf32> to vector<632x32xf32>
    %swap3A_44 = vector.shape_cast %slice3A : vector<632x32xf32> to vector<1x632x32xf32>
    tpu.vector_store %arg6[%swap3A, %swap3A_40, %swap3A_41], %swap3A_44 {strides = array<i32>} : memref<2x632x32xf32, #tpu.memory_space<vmem>>, vector<1x632x32xf32>,
    %slice3A_45 = vector.extract_strided_slice %dot_general3A_39 {offsets = [0, 32], sizes = [632, 32], strides = [1, 1]} : vector<632x64xf32> to vector<632x32xf32>
    %swap3A_46 = arith.constant 1 : index
    %swap3A_47 = arith.constant 0 : index
    %swap3A_48 = arith.constant 0 : index
    %swap3A_49 = vector.load %arg6[%swap3A_46, %swap3A_47, %swap3A_48] : memref<2x632x32xf32, #tpu.memory_space<vmem>>, vector<1x632x32xf32>
    %swap3A_50 = vector.shape_cast %swap3A_49 : vector<1x632x32xf32> to vector<632x32xf32>
    %swap3A_51 = vector.shape_cast %slice3A_45 : vector<632x32xf32> to vector<1x632x32xf32>
    tpu.vector_store %arg6[%swap3A_46, %swap3A_47, %swap3A_48], %swap3A_51 {strides = array<i32>} : memref<2x632x32xf32, #tpu.memory_space<vmem>>, vector<1x632x32xf32>,
    return
  }
  func.func @transform_0(%arg0: i32) -> (i32, i32, i32) {
    %c0_i32 = arith.constant 0 : i32
    %c0_i32_0 = arith.constant 0 : i32
    %c0_i32_1 = arith.constant 0 : i32
    return %c0_i32, %arg0, %c0_i32_0 : i32, i32, i32
  }
  func.func @transform_1(%arg0: i32) -> (i32, i32, i32) {
    %c0_i32 = arith.constant 0 : i32
    %c0_i32_0 = arith.constant 0 : i32
    %c0_i32_1 = arith.constant 0 : i32
    return %c0_i32, %arg0, %c0_i32_0 : i32, i32, i32
  }
  func.func @transform_2(%arg0: i32) -> (i32, i32) {
    %c0_i32 = arith.constant 0 : i32
    %c0_i32_0 = arith.constant 0 : i32
    return %arg0, %c0_i32 : i32, i32
  }
  func.func @transform_3(%arg0: i32) -> (i32, i32) {
    %c0_i32 = arith.constant 0 : i32
    %c0_i32_0 = arith.constant 0 : i32
    %c0_i32_1 = arith.constant 0 : i32
    return %c0_i32, %c0_i32_0 : i32, i32
  }
  func.func @transform_4(%arg0: i32) -> (i32, i32) {
    %c0_i32 = arith.constant 0 : i32
    %c0_i32_0 = arith.constant 0 : i32
    %c0_i32_1 = arith.constant 0 : i32
    return %c0_i32, %c0_i32_0 : i32, i32
  }
  func.func @transform_5(%arg0: i32) -> (i32, i32, i32) {
    %c0_i32 = arith.constant 0 : i32
    %c0_i32_0 = arith.constant 0 : i32
    %c0_i32_1 = arith.constant 0 : i32
    return %c0_i32, %arg0, %c0_i32_0 : i32, i32, i32
  }
}

module attributes {stable_mosaic.version = 14 : i64} {
  func.func @body(%arg0: i32, %arg1: memref<2x632x32xf32, #tpu.memory_space<vmem>>, %arg2: memref<2x632x32xf32, #tpu.memory_space<vmem>>, %arg3: memref<632x1xf32, #tpu.memory_space<vmem>>, %arg4: memref<1x64xf32, #tpu.memory_space<vmem>>, %arg5: memref<632x64xf32, #tpu.memory_space<vmem>>) attributes {dimension_semantics = [#tpu.dimension_semantics<arbitrary>], iteration_bounds = array<i64: 16>, scalar_prefetch = 0 : i64, scratch_operands = 0 : i64, tpu.core_type = #tpu.core_type<tc>, window_params = [{transform_indices = @transform_0, window_bounds = array<i64: 2, 632, 32>}, {transform_indices = @transform_1, window_bounds = array<i64: 2, 632, 32>}, {transform_indices = @transform_2, window_bounds = array<i64: 632, 1>}, {pipeline_mode = #tpu.pipeline_mode<synchronous>, transform_indices = @transform_3, window_bounds = array<i64: 1, 64>}, {transform_indices = @transform_4, window_bounds = array<i64: 632, 64>}]} {
    %get3A = arith.constant 0 : index
    %get3A_0 = arith.constant 0 : index
    %get3A_1 = arith.constant 0 : index
    %get3A_2 = vector.load %arg1[%get3A, %get3A_0, %get3A_1] : memref<2x632x32xf32, #tpu.memory_space<vmem>>, vector<1x632x32xf32>
    %get3A_3 = vector.shape_cast %get3A_2 : vector<1x632x32xf32> to vector<632x32xf32>
    %get3A_4 = arith.constant 0 : index
    %get3A_5 = arith.constant 0 : index
    %get3A_6 = arith.constant 0 : index
    %get3A_7 = vector.load %arg2[%get3A_4, %get3A_5, %get3A_6] : memref<2x632x32xf32, #tpu.memory_space<vmem>>, vector<1x632x32xf32>
    %get3A_8 = vector.shape_cast %get3A_7 : vector<1x632x32xf32> to vector<632x32xf32>
    %add3A = arith.addf %get3A_3, %get3A_8 : vector<632x32xf32>
    %get3A_9 = arith.constant 1 : index
    %get3A_10 = arith.constant 0 : index
    %get3A_11 = arith.constant 0 : index
    %get3A_12 = vector.load %arg1[%get3A_9, %get3A_10, %get3A_11] : memref<2x632x32xf32, #tpu.memory_space<vmem>>, vector<1x632x32xf32>
    %get3A_13 = vector.shape_cast %get3A_12 : vector<1x632x32xf32> to vector<632x32xf32>
    %get3A_14 = arith.constant 1 : index
    %get3A_15 = arith.constant 0 : index
    %get3A_16 = arith.constant 0 : index
    %get3A_17 = vector.load %arg2[%get3A_14, %get3A_15, %get3A_16] : memref<2x632x32xf32, #tpu.memory_space<vmem>>, vector<1x632x32xf32>
    %get3A_18 = vector.shape_cast %get3A_17 : vector<1x632x32xf32> to vector<632x32xf32>
    %add3A_19 = arith.addf %get3A_13, %get3A_18 : vector<632x32xf32>
    %concatenate3A = tpu.concatenate %add3A, %add3A_19 in 1 : vector<632x32xf32>, vector<632x32xf32> -> vector<632x64xf32>
    %get3A_20 = arith.constant 0 : index
    %get3A_21 = arith.constant 0 : index
    %get3A_22 = vector.load %arg3[%get3A_20, %get3A_21] : memref<632x1xf32, #tpu.memory_space<vmem>>, vector<632x1xf32>
    %mul3A = vector.broadcast %get3A_22 : vector<632x1xf32> to vector<632x64xf32>
    %mul3A_23 = arith.mulf %mul3A, %concatenate3A : vector<632x64xf32>
    %get3A_24 = arith.constant 0 : index
    %get3A_25 = arith.constant 0 : index
    %get3A_26 = vector.load %arg4[%get3A_24, %get3A_25] : memref<1x64xf32, #tpu.memory_space<vmem>>, vector<1x64xf32>
    %add3A_27 = vector.broadcast %get3A_26 : vector<1x64xf32> to vector<632x64xf32>
    %add3A_28 = arith.addf %mul3A_23, %add3A_27 : vector<632x64xf32>
    %swap3A = arith.constant 0 : index
    %swap3A_29 = arith.constant 0 : index
    %swap3A_30 = vector.load %arg5[%swap3A, %swap3A_29] : memref<632x64xf32, #tpu.memory_space<vmem>>, vector<632x64xf32>
    tpu.vector_store %arg5[%swap3A, %swap3A_29], %add3A_28 {strides = array<i32>} : memref<632x64xf32, #tpu.memory_space<vmem>>, vector<632x64xf32>,
    return
  }
  func.func @transform_0(%arg0: i32) -> (i32, i32, i32) {
    %c0_i32 = arith.constant 0 : i32
    %c0_i32_0 = arith.constant 0 : i32
    %c0_i32_1 = arith.constant 0 : i32
    return %c0_i32, %arg0, %c0_i32_0 : i32, i32, i32
  }
  func.func @transform_1(%arg0: i32) -> (i32, i32, i32) {
    %c0_i32 = arith.constant 0 : i32
    %c0_i32_0 = arith.constant 0 : i32
    %c0_i32_1 = arith.constant 0 : i32
    return %c0_i32, %arg0, %c0_i32_0 : i32, i32, i32
  }
  func.func @transform_2(%arg0: i32) -> (i32, i32) {
    %c0_i32 = arith.constant 0 : i32
    %c0_i32_0 = arith.constant 0 : i32
    return %arg0, %c0_i32 : i32, i32
  }
  func.func @transform_3(%arg0: i32) -> (i32, i32) {
    %c0_i32 = arith.constant 0 : i32
    %c0_i32_0 = arith.constant 0 : i32
    %c0_i32_1 = arith.constant 0 : i32
    return %c0_i32, %c0_i32_0 : i32, i32
  }
  func.func @transform_4(%arg0: i32) -> (i32, i32) {
    %c0_i32 = arith.constant 0 : i32
    %c0_i32_0 = arith.constant 0 : i32
    return %arg0, %c0_i32 : i32, i32
  }
}

</mosaic_0001>

<sc_bundles>
// kernel: kernel.10.cloned.1.call-start
scs
__scs_entry_jumppad:
0x0: {  	(pc) =	sbr.rel $0x88, $3  }
0x1: {  	(tag) =	ssettag $0x0;
	lr =	simm.s32 $0x1  }
0x2: {  	[smem:$0x3F99] =	sst lr;
	_ =	strace $0xD0000000  }
0x3: {  	_ = 	snop  }
0x4: {  	_ = 	snop  }
0x5: {  	_ = 	snop  }
0x6: {  	_ = 	snop  }
0x7: {  	_ = 	snop  }
__scs_overlays_trampoline_lowered:
0x8: {  	[smem:$0x3FA8] =	sst s0  }
0x9: {  	[smem:$0x3FA9] =	sst s1  }
0xa: {  	[smem:$0x3FAA] =	sst s2  }
0xb: {  	[smem:$0x3FAB] =	sst s3  }
0xc: {  	[smem:$0x3FAC] =	sst s4  }
0xd: {  	[smem:$0x3FAD] =	sst s5  }
0xe: {  	[smem:$0x3FAE] =	sst s6  }
0xf: {  	[smem:$0x3FAF] =	sst s7  }
0x10: {  	[smem:$0x3FB0] =	sst s8  }
0x11: {  	[smem:$0x3FB1] =	sst s9;
	s0 =	simm.s32 @!p0 $0x0  }
0x12: {  	s1 =	sld [smem:$0x3F97];
	s0 =	simm.s32 @p0 $0x1  }
0x13: {  	[smem:$0x3FB2] =	sst s0;
	s0 =	simm.s32 @!p1 $0x0  }
0x14: {  	s2 =	sld [smem:$0x3F96];
	s0 =	simm.s32 @p1 $0x1  }
0x15: {  	[smem:$0x3FB3] =	sst s0;
	s0 =	simm.s32 @!p2 $0x0  }
0x16: {  	s3 =	sld [smem:$0x3FDB];
	s0 =	simm.s32 @p2 $0x1  }
0x17: {  	s4 =	simm.s32 $0x1BF5;
	[smem:$0x3FB5] =	sst s0  }
0x18: {  	s0 =	sld [smem:$0x3F98];
	_ =	swait.ge [sflag:s4], $0x0  }
0x19: {  	s7 =	sld [smem:$0x3F99]  }
0x1a: {  	s8 =	sadd.s32 $0xFFFFE003, lr  }
0x1b: {  	s9 =	sadd.s32 $0xFFFFFEF7, lr;
	s5 =	simm.s32 $0xFFFFFFFF;
	p2 =	slt.u32 s8, $0xFFFFF086  }
0x1c: {  	p1 =	slt.u32 s9, $0xF7A;
	s5 =	simm.s32 @!p2 $0x0  }
0x1d: {  	s5 =	simm.s32 @p1 $0x1;
	p0 =	seq.s32 s7, s2  }
0x1e: {  	s7 =	smul.u32 @!p0 $0xF7A, s2;
	p2 =	seq.s32 @!p0 s5, $0x0  }
0x1f: {  	s9 =	smul.u32 $0xF7A, s1;
	s8 =	simm.s32 @!p0 $0x1BF5;
	p2 =	por !p2, p0  }
0x20: {  	[sflag:s8] =	ssyncset.s32 @!p0 $0xFFFFF086;
	s6 =	sadd.s32 @!p0 s3, s7;
	s7 =	simm.s32 @!p0 $0x108  }
0x21: {  	s3 =	sadd.s32 s3, s9;
	s6 =	sadd.s32 @!p0 $0x88, s6;
	s7 =	simm.s32 @p2 $0x1082  }
0x22: {  	[simem:s7], [sflag:s8] =	dma.local @!p0 [hbm:s6], $0xF7A  }
0x23: {  	s9 =	sor.u32 $0xD0000000, s2;
	s6 =	simm.s32 $0x108;
	_ =	swait.ge @!p0 [sflag:s8], $0x0  }
0x24: {  	s3 =	sadd.s32 $0x88, s3;
	s6 =	simm.s32 @!p1 $0x1082;
	[sflag:s4] =	ssyncset.s32 $0xFFFFF086  }
0x25: {  	[simem:s6], [sflag:s4] =	dma.local [hbm:s3], $0xF7A  }
0x26: {  	[smem:$0x3F99] =	sst s1;
	(tag) =	ssettag s2;
	_ =	strace s9  }
0x27: {  	s1 =	sld [smem:$0x3FA9]  }
0x28: {  	s2 =	sld [smem:$0x3FAA]  }
0x29: {  	s4 =	sld [smem:$0x3FAC]  }
0x2a: {  	p0 =	seq.s32 s5, $0x0;
	s5 =	sld [smem:$0x3FAD]  }
0x2b: {  	s6 =	sld [smem:$0x3FAE]  }
0x2c: {  	s7 =	sld [smem:$0x3FAF]  }
0x2d: {  	s3 =	simm.s32 $0x108;
	s8 =	sld [smem:$0x3FB0]  }
0x2e: {  	s3 =	simm.s32 @!p0 $0x1082;
	s9 =	sld [smem:$0x3FB1]  }
0x2f: {  	lr =	sadd.s32 s0, s3;
	s0 =	sld [smem:$0x3FA8]  }
0x30: {  	s3 =	sld [smem:$0x3FAB]  }
0x31: {  	[smem:$0x3FB4] =	sst s10  }
0x32: {  	s10 =	sld [smem:$0x3FB2];
	_ =	sdelay $0x3  }
0x33: {  	p0 =	seq.s32 s10, $0x1;
	s10 =	sld [smem:$0x3FB4];
	_ =	sdelay $0x3  }
0x34: {  	[smem:$0x3FB4] =	sst s10  }
0x35: {  	s10 =	sld [smem:$0x3FB3];
	_ =	sdelay $0x3  }
0x36: {  	p1 =	seq.s32 s10, $0x1;
	s10 =	sld [smem:$0x3FB4];
	_ =	sdelay $0x3  }
0x37: {  	[smem:$0x3FB4] =	sst s10  }
0x38: {  	s10 =	sld [smem:$0x3FB5]  }
0x39: {  	_ = 	snop;
	(pc) =	sbr.ind lr, $3  }
0x3a: {  	_ = 	snop  }
0x3b: {  	_ = 	snop  }
0x3c: {  	p2 =	seq.s32 s10, $0x1;
	s10 =	sld [smem:$0x3FB4]  }
0x3d: {  	_ =	shalt  }
0x3e: {  	_ =	shalt  }
0x3f: {  	_ =	shalt  }
0x40: {  	_ =	shalt  }
0x41: {  	_ =	shalt  }
0x42: {  	_ =	shalt  }
0x43: {  	_ =	shalt  }
0x44: {  	_ =	shalt  }
0x45: {  	_ =	shalt  }
0x46: {  	_ =	shalt  }
0x47: {  	_ =	shalt  }
0x48: {  	_ =	shalt  }
0x49: {  	_ =	shalt  }
0x4a: {  	_ =	shalt  }
0x4b: {  	_ =	shalt  }
0x4c: {  	_ =	shalt  }
0x4d: {  	_ =	shalt  }
0x4e: {  	_ =	shalt  }
0x4f: {  	_ =	shalt  }
0x50: {  	_ =	shalt  }
0x51: {  	_ =	shalt  }
0x52: {  	_ =	shalt  }
0x53: {  	_ =	shalt  }
0x54: {  	_ =	shalt  }
0x55: {  	_ =	shalt  }
0x56: {  	_ =	shalt  }
0x57: {  	_ =	shalt  }
0x58: {  	_ =	shalt  }
0x59: {  	_ =	shalt  }
0x5a: {  	_ =	shalt  }
0x5b: {  	_ =	shalt  }
0x5c: {  	_ =	shalt  }
0x5d: {  	_ =	shalt  }
0x5e: {  	_ =	shalt  }
0x5f: {  	_ =	shalt  }
0x60: {  	_ =	shalt  }
0x61: {  	_ =	shalt  }
0x62: {  	_ =	shalt  }
0x63: {  	_ =	shalt  }
0x64: {  	_ =	shalt  }
0x65: {  	_ =	shalt  }
0x66: {  	_ =	shalt  }
0x67: {  	_ =	shalt  }
0x68: {  	_ =	shalt  }
0x69: {  	_ =	shalt  }
0x6a: {  	_ =	shalt  }
0x6b: {  	_ =	shalt  }
0x6c: {  	_ =	shalt  }
0x6d: {  	_ =	shalt  }
0x6e: {  	_ =	shalt  }
0x6f: {  	_ =	shalt  }
0x70: {  	_ =	shalt  }
0x71: {  	_ =	shalt  }
0x72: {  	_ =	shalt  }
0x73: {  	_ =	shalt  }
0x74: {  	_ =	shalt  }
0x75: {  	_ =	shalt  }
0x76: {  	_ =	shalt  }
0x77: {  	_ =	shalt  }
0x78: {  	_ =	shalt  }
0x79: {  	_ =	shalt  }
0x7a: {  	_ =	shalt  }
0x7b: {  	_ =	shalt  }
0x7c: {  	_ =	shalt  }
0x7d: {  	_ =	shalt  }
0x7e: {  	_ =	shalt  }
0x7f: {  	_ =	shalt  }
0x80: {  	_ =	shalt  }
0x81: {  	_ =	shalt  }
0x82: {  	_ =	shalt  }
0x83: {  	_ =	shalt  }
0x84: {  	_ =	shalt  }
0x85: {  	_ =	shalt  }
0x86: {  	_ =	shalt  }
0x87: {  	_ =	shalt  }
.Lfunc_end0:
.L_simem_size_0:
called_computation_lowered:
.L_overlay_start_0:
0x88: {  	s2 =	sld [smem:$0x3FD9]  }
0x89: {  	s3 =	sld [smem:$0x3FFE];
	_ =	sdelay $0x1  }
0x8a: {  	s1 =	srdreg.scid  }
0x8b: {  	s0 =	sand.u32 $0x1, s1  }
0x8c: {  	s16 =	sshll.u32 s0, $0xA;
	s2 =	sadd.s32 s3, s2  }
0x8d: {  	s2 =	sadd.s32 s2, s16  }
0x8e: {  	[smem:$0x3FC0] =	sst s2  }
0x8f: {  	_ = 	snop  }
0x90: {  	(tm) =	ssettm $0x1  }
0x91: {  	s17 =	sld [smem:$0x3FFB];
	_ =	sdelay $0x3  }
0x92: {  	_ =	strace s17  }
0x93: {  	s2 =	sld [smem:$0x3FFC];
	_ =	sdelay $0x3  }
0x94: {  	_ =	strace s2  }
0x95: {  	s2 =	sld [smem:$0x3FFD];
	_ =	sdelay $0x3  }
0x96: {  	_ =	strace s2  }
0x97: {  	_ =	strace $0x8FFFFFFF  }
0x98: {  	s18 =	sld [smem:$0x3FDB];
	_ =	sdelay $0x1  }
0x99: {  	s19 =	simm.s32 $_scs_section_size  }
0x9a: {  	s4 =	simm.s32 $_size__tile_overlayer_lowered;
	s5 =	simm.s32 $_tile_overlayer_lowered  }
0x9b: {  	s22 =	simm.s32 $0x1BFF;
	s21 =	sshll.u32 s5, $0x1;
	s2 =	sadd.s32 s19, s18  }
0x9c: {  	s6 =	simm.s32 $0x0;
	s20 =	sshll.u32 s4, $0x1;
	s4 =	sadd.s32 s21, s2  }
0x9d: {  	[timem:s6], [sflag:s22] =	dma.local [hbm:s4], s20  }
0x9e: {  	_ =	swait.ge [sflag:s22], s20  }
0x9f: {  	s3 =	ssub.s32 $0x0, s20;
	[sflag:s22] =	ssyncset.done $0x0  }
0xa0: {  	[sflag:s22] =	ssyncadd.s32 s3;
	_ =	sdelay $0x1  }
0xa1: {  	s23 =	simm.s32 $0x1B8B  }
0xa2: {  	_ =	swait.ge [sflag:s23], $0x1  }
0xa3: {  	[sflag:s23] =	ssyncset.done $0x0  }
0xa4: {  	s25 =	simm.s32 $0x1B8E;
	s24 =	sld [smem:$0x3FFE];
	[sflag:s23] =	ssyncadd.s32 $0xFFFFFFFF  }
0xa5: {  	s26 =	simm.s32 $execute0_lowered;
	[smem:$0x3FD2] =	sst s25  }
0xa6: {  	s4 =	sshll.u32 s26, $0x1;
	_ =	strace $0x80000046;
	[dreg:$0x1] =	wrdreg $0xFFFFFFFF  }
0xa7: {  	s28 =	simm.s32 $_size_execute0_lowered;
	s2 =	sadd.s32 s2, s4;
	[dreg:$0x0] =	wrdreg $0x0  }
0xa8: {  	s4 =	sshll.u32 s28, $0x1;
	[dreg:$0x2] =	wrdreg s2  }
0xa9: {  	[dreg:$0x3] =	wrdreg s4  }
0xaa: {  	[dreg:$0x4] =	wrdreg $0xC0  }
0xab: {  	_ =	task [dreg:s6], $0x5FFFF  }
0xac: {  	[dreg:$0x1] =	wrdreg $0xFFFFFFFF  }
0xad: {  	[dreg:$0x0] =	wrdreg $0x60  }
0xae: {  	[dreg:$0x2] =	wrdreg s24  }
0xaf: {  	[dreg:$0x3] =	wrdreg $0x9  }
0xb0: {  	_ =	task.clear_ibuf [dreg:s6], $0x4FFFF;
	_ =	strace $0x90000046  }
0xb1: {  	s29 =	simm.s32 $0x9;
	_ =	strace $0x80000048  }
0xb2: {  	_ =	swait.ge [sflag:s29], $0x1  }
0xb3: {  	[sflag:s29] =	ssyncadd.s32 $0xFFFFFFFF  }
0xb4: {  	_ =	strace $0x90000048  }
0xb5: {  	_ =	sfence  }
0xb6: {  	s30 =	sld [smem:$0x0];
	_ =	sdelay $0x2  }
0xb7: {  	s31 =	sshll.u32 s1, $0xD;
	s1 =	sshrl.u32 s1, $0x2  }
0xb8: {  	s3 =	sand.u32 $0x4000, s31;
	s1 =	sadd.s32 s1, s30  }
0xb9: {  	s0 =	sor.u32 s3, s0;
	s1 =	sshll.u32 s1, $0x11  }
0xba: {  	s0 =	sor.u32 s1, s0  }
0xbb: {  	s0 =	sadd.s32 $0x8F2B, s0  }
0xbc: {  	[sflag:s0] =	ssyncadd.remote.s32 $0x1  }
0xbd: {  	_ =	sfence.sel $0xFFFF  }
0xbe: {  	[dreg:$0x0] =	wrdreg $0xFFFFFFFF;
	(pc) =	sbr.abs _section_cstart, $3  }
0xbf: {  	[dreg:$0x1] =	wrdreg $0xFFFFFFFF  }
0xc0: {  	_ =	task.clear_ibuf [dreg:s6], $0x2FFFF;
	_ =	strace $0x9FFFFFFF  }
0xc1: {  	(tm) =	ssettm $0x7FFFFFFF  }
tec
execute0_lowered:
.L_overlay_start_1:
0x0: {  	(tag) =	ssettag $0x1  }
0x1: {  	s1 =	srdreg.scid;
	s0 =	stileid.u32  }
0x2: {  	s3 =	rddreg [dreg:$0x0];
	s2 =	simm.s32 $0x0;
	s8 =	simm.s32 $0x2800  }
0x3: {  	s9 =	simm.s32 $0x10;
	s10 =	simm.s32 $0x200;
	s11 =	simm.s32 $0x0  }
0x4: {  	s4 =	sand.u32 $0x1, s1;
	s5 =	sshll.u32 s0, $0x1;
	s1 =	rddreg [dreg:$0x1]  }
0x5: {  	[smem:$0x7FF] =	sst s2;
	s5 =	sor.u32 s4, s5;
	s4 =	ssub.s32 $0x2, s4  }
0x6: {  	s6 =	smul.u32 $0x500, s5;
	s5 =	sshll.u32 s5, $0x1;
	s7 =	sshrl.u32 s4, $0x1  }
0x7: {  	_ =	strace $0x80000047;
	s5 =	sadd.s32 s5, s3;
	s7 =	ssub.s32 s4, s7  }
0x8: {  	v0 =	vlaneseq.u32;
	s6 =	sadd.s32 s6, s3;
	s4 =	sadd.s32 $0xCE00, s5;
	s5 =	sadd.s32 $0x5BE00, s5  }
0x9: {  	v1 =	vimm.f32 $0.0e+00;
	v2 =	vimm.f32 $1.000000000e+00;
	v3 =	vor.u32 $0xFFFEC400, v0;
	s3 =	sadd.s32 $0x2E00, s6;
	s6 =	smax.u32 s7, $0x1;
	s7 =	simm.s32 $0x1  }
.LBB2_1:
0xa: {  	[tilespmem:s2], [sflag:$0x1] =	stream.linear.gather [hbm4b:s3+s2], $0x2800, $0x38;
	[tilespmem:$0x16400] =	vst v63  }
0xb: {  	_ =	swait.ge [sflag:s7], $0x2800  }
0xc: {  	[sflag:s7] =	ssyncset.done $0x0  }
0xd: {  	s12 =	simm.s32 $0x0;
	[sflag:s7] =	ssyncadd.s32 $0xFFFFD800  }
.LBB2_2:
0xe: {  	p0 =	sne.s32 s12, $0x4EFC0  }
.Ltmp0:
0xf: {  	_ = 	snop;
	(pc) =	sbr.rel @p0 .LBB2_2-.Ltmp0, $3  }
0x10: {  	_ =	sdelay $0x1  }
0x11: {  	s13 =	sshra.s32 s12, $0x2  }
0x12: {  	s12 =	sadd.s32 $0x40, s12;
	[tilespmem:s13+$0x2800] =	vst v1  }
0x13: {  	s12 =	simm.s32 $0x0  }
.LBB2_4:
0x14: {  	s13 =	sshra.s32 s12, $0x2  }
0x15: {  	v4 =	vld [tilespmem:s13+$0x0];
	_ =	sdelay $0x4  }
0x16: {  	vm0 =	vlt.u32 v4, $0x13C0;
	v4 =	vshll.u32 v4, $0x4  }
0x17: {  	v4 =	vor.u32 v0, v4;
	_ =	sdelay $0x4  }
0x18: {  	[tilespmem:v4+s8+$0x0] =	vst.idx.add.f32.msk vm0, v2  }
0x19: {  	v4 =	vld [tilespmem:s13+$0x10];
	_ =	sdelay $0x4  }
0x1a: {  	vm9 =	vlt.u32 v4, $0x13C0;
	v4 =	vshll.u32 v4, $0x4  }
0x1b: {  	v4 =	vor.u32 v0, v4;
	_ =	sdelay $0x4  }
0x1c: {  	[tilespmem:v4+s8+$0x0] =	vst.idx.add.f32.msk vm9, v2  }
0x1d: {  	v4 =	vld [tilespmem:s13+$0x20];
	_ =	sdelay $0x4  }
0x1e: {  	vm10 =	vlt.u32 v4, $0x13C0;
	v4 =	vshll.u32 v4, $0x4  }
0x1f: {  	v4 =	vor.u32 v0, v4;
	_ =	sdelay $0x4  }
0x20: {  	[tilespmem:v4+s8+$0x0] =	vst.idx.add.f32.msk vm10, v2  }
0x21: {  	v4 =	vld [tilespmem:s13+$0x30];
	_ =	sdelay $0x4  }
0x22: {  	vm11 =	vlt.u32 v4, $0x13C0;
	v4 =	vshll.u32 v4, $0x4  }
0x23: {  	v4 =	vor.u32 v0, v4;
	_ =	sdelay $0x4  }
0x24: {  	[tilespmem:v4+s8+$0x0] =	vst.idx.add.f32.msk vm11, v2  }
0x25: {  	v4 =	vld [tilespmem:s13+$0x40];
	_ =	sdelay $0x4  }
0x26: {  	vm12 =	vlt.u32 v4, $0x13C0;
	v4 =	vshll.u32 v4, $0x4  }
0x27: {  	v4 =	vor.u32 v0, v4;
	_ =	sdelay $0x4  }
0x28: {  	[tilespmem:v4+s8+$0x0] =	vst.idx.add.f32.msk vm12, v2  }
0x29: {  	v4 =	vld [tilespmem:s13+$0x50];
	_ =	sdelay $0x4  }
0x2a: {  	vm13 =	vlt.u32 v4, $0x13C0;
	v4 =	vshll.u32 v4, $0x4  }
0x2b: {  	v4 =	vor.u32 v0, v4;
	_ =	sdelay $0x4  }
0x2c: {  	[tilespmem:v4+s8+$0x0] =	vst.idx.add.f32.msk vm13, v2  }
0x2d: {  	v4 =	vld [tilespmem:s13+$0x60];
	_ =	sdelay $0x4  }
0x2e: {  	vm14 =	vlt.u32 v4, $0x13C0;
	v4 =	vshll.u32 v4, $0x4  }
0x2f: {  	v4 =	vor.u32 v0, v4;
	_ =	sdelay $0x4  }
0x30: {  	[tilespmem:v4+s8+$0x0] =	vst.idx.add.f32.msk vm14, v2  }
0x31: {  	v4 =	vld [tilespmem:s13+$0x70];
	_ =	sdelay $0x4  }
0x32: {  	vm15 =	vlt.u32 v4, $0x13C0;
	v4 =	vshll.u32 v4, $0x4  }
0x33: {  	p0 =	sne.s32 s12, $0x9E00;
	v4 =	vor.u32 v0, v4  }
.Ltmp1:
0x34: {  	_ = 	snop;
	(pc) =	sbr.rel @p0 .LBB2_4-.Ltmp1, $2  }
0x35: {  	_ =	sdelay $0x2  }
0x36: {  	s12 =	sadd.s32 $0x200, s12;
	[tilespmem:v4+s8+$0x0] =	vst.idx.add.f32.msk vm15, v2  }
0x37: {  	[hbm4b:s4+s9] =	stream.strided.scatter [tilespmem:s8], [sflag:$0x1], $0x13C00, s10, s9, $0x38;
	[tilespmem:$0x16400] =	vst v63  }
0x38: {  	_ =	swait.ge [sflag:s7], $0x13C00  }
0x39: {  	s12 =	simm.s32 $0x0;
	[sflag:s7] =	ssyncset.done $0x0  }
0x3a: {  	s13 =	simm.s32 $0x40;
	s14 =	simm.s32 $0x0;
	[sflag:s7] =	ssyncadd.s32 $0xFFFEC400  }
.LBB2_6:
0x3b: {  	p0 =	sne.s32 s13, $0x4EFC0;
	[tilespmem:s14+$0x2800] =	vst v1;
	s14 =	smov.u32 s13;
	s13 =	sadd.s32 $0x40, s13  }
.Ltmp2:
0x3c: {  	(pc) =	sbr.rel @p0 .LBB2_6-.Ltmp2, $2  }
0x3d: {  	_ =	sdelay $0x2  }
0x3e: {  	s14 =	sshra.s32 s14, $0x2  }
0x3f: {  	[tilespmem:s14+$0x2800] =	vst v1  }
.LBB2_8:
0x40: {  	s13 =	sshra.s32 s12, $0x2  }
0x41: {  	v4 =	vld [tilespmem:s13+$0x0];
	_ =	sdelay $0x4  }
0x42: {  	v5 =	vadd.s32 $0xFFFFEC40, v4  }
0x43: {  	v4 =	vshll.u32 v4, $0x4;
	vm0 =	vlt.u32 v5, $0x13C0  }
0x44: {  	v4 =	vadd.s32 v3, v4;
	_ =	sdelay $0x4  }
0x45: {  	[tilespmem:v4+s8+$0x0] =	vst.idx.add.f32.msk vm0, v2  }
0x46: {  	v4 =	vld [tilespmem:s13+$0x10];
	_ =	sdelay $0x4  }
0x47: {  	v5 =	vadd.s32 $0xFFFFEC40, v4  }
0x48: {  	v4 =	vshll.u32 v4, $0x4;
	vm9 =	vlt.u32 v5, $0x13C0  }
0x49: {  	v4 =	vadd.s32 v3, v4;
	_ =	sdelay $0x4  }
0x4a: {  	[tilespmem:v4+s8+$0x0] =	vst.idx.add.f32.msk vm9, v2  }
0x4b: {  	v4 =	vld [tilespmem:s13+$0x20];
	_ =	sdelay $0x4  }
0x4c: {  	v5 =	vadd.s32 $0xFFFFEC40, v4  }
0x4d: {  	v4 =	vshll.u32 v4, $0x4;
	vm10 =	vlt.u32 v5, $0x13C0  }
0x4e: {  	v4 =	vadd.s32 v3, v4;
	_ =	sdelay $0x4  }
0x4f: {  	[tilespmem:v4+s8+$0x0] =	vst.idx.add.f32.msk vm10, v2  }
0x50: {  	v4 =	vld [tilespmem:s13+$0x30];
	_ =	sdelay $0x4  }
0x51: {  	v5 =	vadd.s32 $0xFFFFEC40, v4  }
0x52: {  	v4 =	vshll.u32 v4, $0x4;
	vm11 =	vlt.u32 v5, $0x13C0  }
0x53: {  	v4 =	vadd.s32 v3, v4;
	_ =	sdelay $0x4  }
0x54: {  	[tilespmem:v4+s8+$0x0] =	vst.idx.add.f32.msk vm11, v2  }
0x55: {  	v4 =	vld [tilespmem:s13+$0x40];
	_ =	sdelay $0x4  }
0x56: {  	v5 =	vadd.s32 $0xFFFFEC40, v4  }
0x57: {  	v4 =	vshll.u32 v4, $0x4;
	vm12 =	vlt.u32 v5, $0x13C0  }
0x58: {  	v4 =	vadd.s32 v3, v4;
	_ =	sdelay $0x4  }
0x59: {  	[tilespmem:v4+s8+$0x0] =	vst.idx.add.f32.msk vm12, v2  }
0x5a: {  	v4 =	vld [tilespmem:s13+$0x50];
	_ =	sdelay $0x4  }
0x5b: {  	v5 =	vadd.s32 $0xFFFFEC40, v4  }
0x5c: {  	v4 =	vshll.u32 v4, $0x4;
	vm13 =	vlt.u32 v5, $0x13C0  }
0x5d: {  	v4 =	vadd.s32 v3, v4;
	_ =	sdelay $0x4  }
0x5e: {  	[tilespmem:v4+s8+$0x0] =	vst.idx.add.f32.msk vm13, v2  }
0x5f: {  	v4 =	vld [tilespmem:s13+$0x60];
	_ =	sdelay $0x4  }
0x60: {  	v5 =	vadd.s32 $0xFFFFEC40, v4  }
0x61: {  	v4 =	vshll.u32 v4, $0x4;
	vm14 =	vlt.u32 v5, $0x13C0  }
0x62: {  	v4 =	vadd.s32 v3, v4;
	_ =	sdelay $0x4  }
0x63: {  	[tilespmem:v4+s8+$0x0] =	vst.idx.add.f32.msk vm14, v2  }
0x64: {  	v4 =	vld [tilespmem:s13+$0x70];
	_ =	sdelay $0x4  }
0x65: {  	v5 =	vadd.s32 $0xFFFFEC40, v4  }
0x66: {  	v4 =	vshll.u32 v4, $0x4;
	vm15 =	vlt.u32 v5, $0x13C0  }
0x67: {  	p0 =	sne.s32 s12, $0x9E00;
	v4 =	vadd.s32 v3, v4  }
.Ltmp3:
0x68: {  	_ = 	snop;
	(pc) =	sbr.rel @p0 .LBB2_8-.Ltmp3, $2  }
0x69: {  	_ =	sdelay $0x2  }
0x6a: {  	s12 =	sadd.s32 $0x200, s12;
	[tilespmem:v4+s8+$0x0] =	vst.idx.add.f32.msk vm15, v2  }
0x6b: {  	s11 =	sadd.s32 $0x1, s11  }
0x6c: {  	p0 =	sne.s32 s11, s6  }
.Ltmp4:
0x6d: {  	_ = 	snop;
	(pc) =	sbr.rel @p0 .LBB2_1-.Ltmp4, $4  }
0x6e: {  	[hbm4b:s5+s9] =	stream.strided.scatter [tilespmem:s8], [sflag:$0x1], $0x13C00, s10, s9, $0x38;
	[tilespmem:$0x16400] =	vst v63  }
0x6f: {  	_ =	swait.ge [sflag:s7], $0x13C00  }
0x70: {  	[sflag:s7] =	ssyncset.done $0x0  }
0x71: {  	[sflag:s7] =	ssyncadd.s32 $0xFFFEC400  }
0x72: {  	_ =	sfence.sel $0x180000  }
0x73: {  	[bflag:$0x0] =	sbarrier.arrive $0xFFFF  }
0x74: {  	p0 =	sne.s32 s0, $0x0;
	_ =	strace $0x90000047  }
0x75: {  	s0 =	sadd.s32 @!p0 $0x100000, s1;
	[bflag:$0x2] =	sbarrier.arrive $0xFFFF  }
0x76: {  	[sflag:s0] =	ssyncadd.tile.s32 @!p0 $0x1;
	_ =	shalt  }
.Lfunc_end2:
_tile_overlayer_lowered:
.L_overlay_start_2:
0x77: {  	(tag) =	ssettag $0x2  }
0x78: {  	s0 =	rddreg [dreg:$0x0];
	s2 =	stileid.u32  }
0x79: {  	s1 =	rddreg [dreg:$0x1];
	p0 =	sne.s32 s2, $0x0  }
0x7a: {  	s3 =	rddreg [dreg:$0x2];
	[bflag:$0x3] =	sbarrier.arrive $0xFFFF;
	s2 =	simm.s32 @!p0 $0x1C01  }
0x7b: {  	[timem:s3], [sflag:s2] =	dma.local @!p0 [hbm:s0], s1  }
0x7c: {  	s0 =	simm.s32 @!p0 $0x1  }
0x7d: {  	_ =	swait.ge @!p0 [sflag:s0], s1  }
0x7e: {  	s1 =	ssub.s32 @!p0 $0x0, s1;
	[sflag:s0] =	ssyncset.done @!p0 $0x0  }
0x7f: {  	[sflag:s0] =	ssyncadd.s32 @!p0 s1  }
0x80: {  	[bflag:$0x3] =	sbarrier.arrive $0xFFFF  }
0x81: {  	_ =	shalt  }

// kernel: kernel.13.cloned.1.call-start
scs
__scs_entry_jumppad:
0x0: {  	(pc) =	sbr.rel $0x88, $3  }
0x1: {  	(tag) =	ssettag $0x0;
	lr =	simm.s32 $0x1  }
0x2: {  	[smem:$0x3F99] =	sst lr;
	_ =	strace $0xD0000000  }
0x3: {  	_ = 	snop  }
0x4: {  	_ = 	snop  }
0x5: {  	_ = 	snop  }
0x6: {  	_ = 	snop  }
0x7: {  	_ = 	snop  }
__scs_overlays_trampoline_lowered:
0x8: {  	[smem:$0x3FA8] =	sst s0  }
0x9: {  	[smem:$0x3FA9] =	sst s1  }
0xa: {  	[smem:$0x3FAA] =	sst s2  }
0xb: {  	[smem:$0x3FAB] =	sst s3  }
0xc: {  	[smem:$0x3FAC] =	sst s4  }
0xd: {  	[smem:$0x3FAD] =	sst s5  }
0xe: {  	[smem:$0x3FAE] =	sst s6  }
0xf: {  	[smem:$0x3FAF] =	sst s7  }
0x10: {  	[smem:$0x3FB0] =	sst s8  }
0x11: {  	[smem:$0x3FB1] =	sst s9;
	s0 =	simm.s32 @!p0 $0x0  }
0x12: {  	s1 =	sld [smem:$0x3F97];
	s0 =	simm.s32 @p0 $0x1  }
0x13: {  	[smem:$0x3FB2] =	sst s0;
	s0 =	simm.s32 @!p1 $0x0  }
0x14: {  	s2 =	sld [smem:$0x3F96];
	s0 =	simm.s32 @p1 $0x1  }
0x15: {  	[smem:$0x3FB3] =	sst s0;
	s0 =	simm.s32 @!p2 $0x0  }
0x16: {  	s3 =	sld [smem:$0x3FDB];
	s0 =	simm.s32 @p2 $0x1  }
0x17: {  	s4 =	simm.s32 $0x1BF5;
	[smem:$0x3FB5] =	sst s0  }
0x18: {  	s0 =	sld [smem:$0x3F98];
	_ =	swait.ge [sflag:s4], $0x0  }
0x19: {  	s7 =	sld [smem:$0x3F99]  }
0x1a: {  	s8 =	sadd.s32 $0xFFFFE003, lr  }
0x1b: {  	s9 =	sadd.s32 $0xFFFFFEF7, lr;
	s5 =	simm.s32 $0xFFFFFFFF;
	p2 =	slt.u32 s8, $0xFFFFF086  }
0x1c: {  	p1 =	slt.u32 s9, $0xF7A;
	s5 =	simm.s32 @!p2 $0x0  }
0x1d: {  	s5 =	simm.s32 @p1 $0x1;
	p0 =	seq.s32 s7, s2  }
0x1e: {  	s7 =	smul.u32 @!p0 $0xF7A, s2;
	p2 =	seq.s32 @!p0 s5, $0x0  }
0x1f: {  	s9 =	smul.u32 $0xF7A, s1;
	s8 =	simm.s32 @!p0 $0x1BF5;
	p2 =	por !p2, p0  }
0x20: {  	[sflag:s8] =	ssyncset.s32 @!p0 $0xFFFFF086;
	s6 =	sadd.s32 @!p0 s3, s7;
	s7 =	simm.s32 @!p0 $0x108  }
0x21: {  	s3 =	sadd.s32 s3, s9;
	s6 =	sadd.s32 @!p0 $0x88, s6;
	s7 =	simm.s32 @p2 $0x1082  }
0x22: {  	[simem:s7], [sflag:s8] =	dma.local @!p0 [hbm:s6], $0xF7A  }
0x23: {  	s9 =	sor.u32 $0xD0000000, s2;
	s6 =	simm.s32 $0x108;
	_ =	swait.ge @!p0 [sflag:s8], $0x0  }
0x24: {  	s3 =	sadd.s32 $0x88, s3;
	s6 =	simm.s32 @!p1 $0x1082;
	[sflag:s4] =	ssyncset.s32 $0xFFFFF086  }
0x25: {  	[simem:s6], [sflag:s4] =	dma.local [hbm:s3], $0xF7A  }
0x26: {  	[smem:$0x3F99] =	sst s1;
	(tag) =	ssettag s2;
	_ =	strace s9  }
0x27: {  	s1 =	sld [smem:$0x3FA9]  }
0x28: {  	s2 =	sld [smem:$0x3FAA]  }
0x29: {  	s4 =	sld [smem:$0x3FAC]  }
0x2a: {  	p0 =	seq.s32 s5, $0x0;
	s5 =	sld [smem:$0x3FAD]  }
0x2b: {  	s6 =	sld [smem:$0x3FAE]  }
0x2c: {  	s7 =	sld [smem:$0x3FAF]  }
0x2d: {  	s3 =	simm.s32 $0x108;
	s8 =	sld [smem:$0x3FB0]  }
0x2e: {  	s3 =	simm.s32 @!p0 $0x1082;
	s9 =	sld [smem:$0x3FB1]  }
0x2f: {  	lr =	sadd.s32 s0, s3;
	s0 =	sld [smem:$0x3FA8]  }
0x30: {  	s3 =	sld [smem:$0x3FAB]  }
0x31: {  	[smem:$0x3FB4] =	sst s10  }
0x32: {  	s10 =	sld [smem:$0x3FB2];
	_ =	sdelay $0x3  }
0x33: {  	p0 =	seq.s32 s10, $0x1;
	s10 =	sld [smem:$0x3FB4];
	_ =	sdelay $0x3  }
0x34: {  	[smem:$0x3FB4] =	sst s10  }
0x35: {  	s10 =	sld [smem:$0x3FB3];
	_ =	sdelay $0x3  }
0x36: {  	p1 =	seq.s32 s10, $0x1;
	s10 =	sld [smem:$0x3FB4];
	_ =	sdelay $0x3  }
0x37: {  	[smem:$0x3FB4] =	sst s10  }
0x38: {  	s10 =	sld [smem:$0x3FB5]  }
0x39: {  	_ = 	snop;
	(pc) =	sbr.ind lr, $3  }
0x3a: {  	_ = 	snop  }
0x3b: {  	_ = 	snop  }
0x3c: {  	p2 =	seq.s32 s10, $0x1;
	s10 =	sld [smem:$0x3FB4]  }
0x3d: {  	_ =	shalt  }
0x3e: {  	_ =	shalt  }
0x3f: {  	_ =	shalt  }
0x40: {  	_ =	shalt  }
0x41: {  	_ =	shalt  }
0x42: {  	_ =	shalt  }
0x43: {  	_ =	shalt  }
0x44: {  	_ =	shalt  }
0x45: {  	_ =	shalt  }
0x46: {  	_ =	shalt  }
0x47: {  	_ =	shalt  }
0x48: {  	_ =	shalt  }
0x49: {  	_ =	shalt  }
0x4a: {  	_ =	shalt  }
0x4b: {  	_ =	shalt  }
0x4c: {  	_ =	shalt  }
0x4d: {  	_ =	shalt  }
0x4e: {  	_ =	shalt  }
0x4f: {  	_ =	shalt  }
0x50: {  	_ =	shalt  }
0x51: {  	_ =	shalt  }
0x52: {  	_ =	shalt  }
0x53: {  	_ =	shalt  }
0x54: {  	_ =	shalt  }
0x55: {  	_ =	shalt  }
0x56: {  	_ =	shalt  }
0x57: {  	_ =	shalt  }
0x58: {  	_ =	shalt  }
0x59: {  	_ =	shalt  }
0x5a: {  	_ =	shalt  }
0x5b: {  	_ =	shalt  }
0x5c: {  	_ =	shalt  }
0x5d: {  	_ =	shalt  }
0x5e: {  	_ =	shalt  }
0x5f: {  	_ =	shalt  }
0x60: {  	_ =	shalt  }
0x61: {  	_ =	shalt  }
0x62: {  	_ =	shalt  }
0x63: {  	_ =	shalt  }
0x64: {  	_ =	shalt  }
0x65: {  	_ =	shalt  }
0x66: {  	_ =	shalt  }
0x67: {  	_ =	shalt  }
0x68: {  	_ =	shalt  }
0x69: {  	_ =	shalt  }
0x6a: {  	_ =	shalt  }
0x6b: {  	_ =	shalt  }
0x6c: {  	_ =	shalt  }
0x6d: {  	_ =	shalt  }
0x6e: {  	_ =	shalt  }
0x6f: {  	_ =	shalt  }
0x70: {  	_ =	shalt  }
0x71: {  	_ =	shalt  }
0x72: {  	_ =	shalt  }
0x73: {  	_ =	shalt  }
0x74: {  	_ =	shalt  }
0x75: {  	_ =	shalt  }
0x76: {  	_ =	shalt  }
0x77: {  	_ =	shalt  }
0x78: {  	_ =	shalt  }
0x79: {  	_ =	shalt  }
0x7a: {  	_ =	shalt  }
0x7b: {  	_ =	shalt  }
0x7c: {  	_ =	shalt  }
0x7d: {  	_ =	shalt  }
0x7e: {  	_ =	shalt  }
0x7f: {  	_ =	shalt  }
0x80: {  	_ =	shalt  }
0x81: {  	_ =	shalt  }
0x82: {  	_ =	shalt  }
0x83: {  	_ =	shalt  }
0x84: {  	_ =	shalt  }
0x85: {  	_ =	shalt  }
0x86: {  	_ =	shalt  }
0x87: {  	_ =	shalt  }
.Lfunc_end0:
.L_simem_size_0:
called_computation.1_lowered:
.L_overlay_start_0:
0x88: {  	s2 =	sld [smem:$0x3FD9]  }
0x89: {  	s3 =	sld [smem:$0x3FFE];
	_ =	sdelay $0x1  }
0x8a: {  	s1 =	srdreg.scid  }
0x8b: {  	s0 =	sand.u32 $0x1, s1  }
0x8c: {  	s16 =	sshll.u32 s0, $0xA;
	s2 =	sadd.s32 s3, s2  }
0x8d: {  	s2 =	sadd.s32 s2, s16  }
0x8e: {  	[smem:$0x3FC0] =	sst s2  }
0x8f: {  	_ = 	snop  }
0x90: {  	(tm) =	ssettm $0x1  }
0x91: {  	s17 =	sld [smem:$0x3FFB];
	_ =	sdelay $0x3  }
0x92: {  	_ =	strace s17  }
0x93: {  	s2 =	sld [smem:$0x3FFC];
	_ =	sdelay $0x3  }
0x94: {  	_ =	strace s2  }
0x95: {  	s2 =	sld [smem:$0x3FFD];
	_ =	sdelay $0x3  }
0x96: {  	_ =	strace s2  }
0x97: {  	_ =	strace $0x8FFFFFFF  }
0x98: {  	s18 =	sld [smem:$0x3FDB];
	_ =	sdelay $0x1  }
0x99: {  	s19 =	simm.s32 $_scs_section_size  }
0x9a: {  	s4 =	simm.s32 $_size__tile_overlayer_lowered;
	s5 =	simm.s32 $_tile_overlayer_lowered  }
0x9b: {  	s22 =	simm.s32 $0x1BFF;
	s21 =	sshll.u32 s5, $0x1;
	s2 =	sadd.s32 s19, s18  }
0x9c: {  	s6 =	simm.s32 $0x0;
	s20 =	sshll.u32 s4, $0x1;
	s4 =	sadd.s32 s21, s2  }
0x9d: {  	[timem:s6], [sflag:s22] =	dma.local [hbm:s4], s20  }
0x9e: {  	_ =	swait.ge [sflag:s22], s20  }
0x9f: {  	s3 =	ssub.s32 $0x0, s20;
	[sflag:s22] =	ssyncset.done $0x0  }
0xa0: {  	[sflag:s22] =	ssyncadd.s32 s3;
	_ =	sdelay $0x1  }
0xa1: {  	s23 =	simm.s32 $0x1B8B  }
0xa2: {  	_ =	swait.ge [sflag:s23], $0x1  }
0xa3: {  	[sflag:s23] =	ssyncset.done $0x0  }
0xa4: {  	s25 =	simm.s32 $0x1B8E;
	s24 =	sld [smem:$0x3FFE];
	[sflag:s23] =	ssyncadd.s32 $0xFFFFFFFF  }
0xa5: {  	s26 =	simm.s32 $execute0_lowered;
	[smem:$0x3FD2] =	sst s25  }
0xa6: {  	s4 =	sshll.u32 s26, $0x1;
	_ =	strace $0x80000049;
	[dreg:$0x1] =	wrdreg $0xFFFFFFFF  }
0xa7: {  	s28 =	simm.s32 $_size_execute0_lowered;
	s2 =	sadd.s32 s2, s4;
	[dreg:$0x0] =	wrdreg $0x0  }
0xa8: {  	s4 =	sshll.u32 s28, $0x1;
	[dreg:$0x2] =	wrdreg s2  }
0xa9: {  	[dreg:$0x3] =	wrdreg s4  }
0xaa: {  	[dreg:$0x4] =	wrdreg $0xC0  }
0xab: {  	_ =	task [dreg:s6], $0x5FFFF  }
0xac: {  	[dreg:$0x1] =	wrdreg $0xFFFFFFFF  }
0xad: {  	[dreg:$0x0] =	wrdreg $0x60  }
0xae: {  	[dreg:$0x2] =	wrdreg s24  }
0xaf: {  	[dreg:$0x3] =	wrdreg $0x120000  }
0xb0: {  	[dreg:$0x4] =	wrdreg $0x9  }
0xb1: {  	_ =	task.clear_ibuf [dreg:s6], $0x5FFFF;
	_ =	strace $0x90000049  }
0xb2: {  	s29 =	simm.s32 $0x9;
	_ =	strace $0x8000004B  }
0xb3: {  	_ =	swait.ge [sflag:s29], $0x1  }
0xb4: {  	[sflag:s29] =	ssyncadd.s32 $0xFFFFFFFF  }
0xb5: {  	_ =	strace $0x9000004B  }
0xb6: {  	_ =	sfence  }
0xb7: {  	s30 =	sld [smem:$0x0];
	_ =	sdelay $0x2  }
0xb8: {  	s31 =	sshll.u32 s1, $0xD;
	s1 =	sshrl.u32 s1, $0x2  }
0xb9: {  	s3 =	sand.u32 $0x4000, s31;
	s1 =	sadd.s32 s1, s30  }
0xba: {  	s0 =	sor.u32 s3, s0;
	s1 =	sshll.u32 s1, $0x11  }
0xbb: {  	s0 =	sor.u32 s1, s0  }
0xbc: {  	s0 =	sadd.s32 $0x8F2B, s0  }
0xbd: {  	[sflag:s0] =	ssyncadd.remote.s32 $0x1  }
0xbe: {  	_ =	sfence.sel $0xFFFF  }
0xbf: {  	[dreg:$0x0] =	wrdreg $0xFFFFFFFF;
	(pc) =	sbr.abs _section_cstart, $3  }
0xc0: {  	[dreg:$0x1] =	wrdreg $0xFFFFFFFF  }
0xc1: {  	_ =	task.clear_ibuf [dreg:s6], $0x2FFFF;
	_ =	strace $0x9FFFFFFF  }
0xc2: {  	(tm) =	ssettm $0x7FFFFFFF  }
0xc3: {  	_ =	shalt  }
tec
execute0_lowered:
.L_overlay_start_1:
0x0: {  	(tag) =	ssettag $0x1  }
0x1: {  	s4 =	rddreg [dreg:$0x0]  }
0x2: {  	s1 =	rddreg [dreg:$0x1]  }
0x3: {  	s2 =	srdreg.scid;
	s0 =	rddreg [dreg:$0x2]  }
0x4: {  	s3 =	simm.s32 $0x0;
	s13 =	simm.s32 $0x5000;
	s14 =	simm.s32 $0xA000  }
0x5: {  	s15 =	simm.s32 $0x100;
	s16 =	simm.s32 $0xE000;
	s17 =	simm.s32 $0x1  }
0x6: {  	s18 =	simm.s32 $0x2;
	s19 =	simm.s32 $0x4F00;
	s5 =	sand.u32 $0x1, s2  }
0x7: {  	s20 =	simm.s32 $0x9E00;
	s2 =	stileid.u32;
	s6 =	smul.u32 $0x9E000, s5  }
0x8: {  	s21 =	simm.s32 $0x9F00;
	s22 =	simm.s32 $0x0;
	s7 =	smul.u32 $0x9E00, s2  }
0x9: {  	[smem:$0x7FF] =	sst s3;
	s9 =	smul.u32 $0xA00, s2;
	s5 =	ssub.s32 $0x2, s5  }
0xa: {  	_ =	strace $0x8000004A;
	s29 =	smul.u32 $0x27800, s2;
	s30 =	sshrl.u32 s5, $0x1  }
0xb: {  	s8 =	sshrl.u32 s6, $0x3;
	s6 =	sadd.s32 s7, s6;
	s9 =	sadd.s32 s9, s4  }
0xc: {  	s31 =	sshrl.u32 s29, $0x2;
	s12 =	ssub.s32 s5, s30;
	s10 =	sadd.s32 s8, s4  }
0xd: {  	s6 =	sshrl.u32 s6, $0x3;
	s8 =	sadd.s32 s31, s1;
	s5 =	sadd.s32 $0x2E00, s9  }
0xe: {  	s11 =	sadd.s32 s6, s4;
	s4 =	sadd.s32 $0xAAE00, s9;
	s6 =	sadd.s32 s7, s1  }
0xf: {  	s7 =	sadd.s32 $0x4000, s8;
	s8 =	sadd.s32 $0x8000, s8;
	s9 =	sadd.s32 $0x83600, s10  }
0x10: {  	v0 =	vimm.f32 $0.0e+00;
	s10 =	sadd.s32 $0xB4E00, s11;
	s11 =	smax.u32 s12, $0x1;
	s12 =	simm.s32 $0x3  }
.LBB2_1:
0x11: {  	[tilespmem:s3], [sflag:$0x3] =	stream.linear.gather [hbm4b:s4+s3], $0x5000, $0x38;
	[tilespmem:$0x1BE00] =	vst v63  }
0x12: {  	_ =	swait.ge [sflag:s12], $0x5000  }
0x13: {  	[sflag:s12] =	ssyncset.done $0x0  }
0x14: {  	[sflag:s12] =	ssyncadd.s32 $0xFFFFB000  }
0x15: {  	[tilespmem:s13], [sflag:$0x3] =	stream.linear.gather [hbm4b:s5+s3], $0x5000, $0x38;
	[tilespmem:$0x1BE00] =	vst v63  }
0x16: {  	_ =	swait.ge [sflag:s12], $0x5000  }
0x17: {  	[sflag:s12] =	ssyncset.done $0x0  }
0x18: {  	s24 =	simm.s32 $0x100;
	s23 =	simm.s32 $0x0;
	[sflag:s12] =	ssyncadd.s32 $0xFFFFB000  }
.LBB2_2:
0x19: {  	p0 =	sne.s32 s24, $0xFF00;
	[tilespmem:s23+$0xA030] =	vst v0;
	s25 =	smov.u32 s24;
	s24 =	sadd.s32 $0x100, s24  }
.Ltmp0:
0x1a: {  	[tilespmem:s23+$0xA020] =	vst v0;
	(pc) =	sbr.rel @p0 .LBB2_2-.Ltmp0, $3  }
0x1b: {  	[tilespmem:s23+$0xA000] =	vst v0  }
0x1c: {  	[tilespmem:s23+$0xA010] =	vst v0;
	_ =	sdelay $0x1  }
0x1d: {  	s23 =	sshra.s32 s25, $0x2  }
0x1e: {  	[tilespmem:s23+$0xA030] =	vst v0  }
0x1f: {  	[tilespmem:s23+$0xA020] =	vst v0  }
0x20: {  	[tilespmem:s23+$0xA000] =	vst v0  }
0x21: {  	[tilespmem:s23+$0xA010] =	vst v0  }
0x22: {  	[spmem:s6] =	stream.linear.scatter [tilespmem:s14], [sflag:$0x3], $0x4000, $0x38;
	[tilespmem:$0x1BE00] =	vst v63  }
0x23: {  	_ =	swait.ge [sflag:s12], $0x4000  }
0x24: {  	[sflag:s12] =	ssyncset.done $0x0  }
0x25: {  	[sflag:s12] =	ssyncadd.s32 $0xFFFFC000  }
0x26: {  	[spmem:s7] =	stream.linear.scatter [tilespmem:s14], [sflag:$0x3], $0x4000, $0x38;
	[tilespmem:$0x1BE00] =	vst v63  }
0x27: {  	_ =	swait.ge [sflag:s12], $0x4000  }
0x28: {  	[sflag:s12] =	ssyncset.done $0x0  }
0x29: {  	[sflag:s12] =	ssyncadd.s32 $0xFFFFC000  }
0x2a: {  	[spmem:s8] =	stream.linear.scatter [tilespmem:s14], [sflag:$0x3], $0x1E00, $0x38;
	[tilespmem:$0x1BE00] =	vst v63  }
0x2b: {  	_ =	swait.ge [sflag:s12], $0x1E00  }
0x2c: {  	[sflag:s12] =	ssyncset.done $0x0  }
0x2d: {  	[sflag:s12] =	ssyncadd.s32 $0xFFFFE200  }
0x2e: {  	s26 =	simm.s32 $0x0;
	[bflag:$0x0] =	sbarrier.arrive $0xFFFF  }
0x2f: {  	[tilespmem:s14], [sflag:$0x1] =	stream.indirect.gather [hbm4b:s9+s15], $0x40, s26, s15, $0xb8;
	[tilespmem:$0x1BE00] =	vst v63  }
0x30: {  	s28 =	simm.s32 $0x100  }
0x31: {  	[tilespmem:s16], [sflag:$0x2] =	stream.indirect.gather [hbm4b:s9+s15], $0x40, s28, s15, $0xb8;
	[tilespmem:$0x1BE00] =	vst v63  }
0x32: {  	_ =	swait.ge [sflag:s17], $0x4000  }
0x33: {  	[sflag:s17] =	ssyncset.done $0x0  }
0x34: {  	s29 =	simm.s32 $0x5000;
	[sflag:s17] =	ssyncadd.s32 $0xFFFFC000  }
0x35: {  	[spmem:s1] =	stream.indirect.scatter.add.f32 [tilespmem:s14], [sflag:$0x3], $0x40, s29, s15, $0xb8;
	[tilespmem:$0x1BE00] =	vst v63  }
0x36: {  	_ =	swait.ge [sflag:s12], $0x4000  }
0x37: {  	[sflag:s12] =	ssyncset.done $0x0  }
0x38: {  	s30 =	simm.s32 $0x200;
	[sflag:s12] =	ssyncadd.s32 $0xFFFFC000  }
0x39: {  	[tilespmem:s14], [sflag:$0x1] =	stream.indirect.gather [hbm4b:s9+s15], $0x40, s30, s15, $0xb8;
	[tilespmem:$0x1BE00] =	vst v63  }
0x3a: {  	_ =	swait.ge [sflag:s18], $0x4000  }
0x3b: {  	[sflag:s18] =	ssyncset.done $0x0  }
0x3c: {  	s31 =	simm.s32 $0x5100;
	[sflag:s18] =	ssyncadd.s32 $0xFFFFC000  }
0x3d: {  	[spmem:s1] =	stream.indirect.scatter.add.f32 [tilespmem:s16], [sflag:$0x3], $0x40, s31, s15, $0xb8;
	[tilespmem:$0x1BE00] =	vst v63  }
0x3e: {  	_ =	swait.ge [sflag:s12], $0x4000  }
0x3f: {  	s24 =	simm.s32 $0x1000;
	s23 =	simm.s32 $0x200;
	[sflag:s12] =	ssyncset.done $0x0  }
.LBB2_4:
0x40: {  	s25 =	sadd.s32 $0x100, s23  }
0x41: {  	[sflag:s12] =	ssyncadd.s32 $0xFFFFC000;
	s26 =	smov.u32 s24;
	s28 =	sadd.s32 $0x800, s24  }
0x42: {  	[tilespmem:s16], [sflag:$0x2] =	stream.indirect.gather [hbm4b:s9+s15], $0x40, s25, s15, $0xb8;
	[tilespmem:$0x1BE00] =	vst v63  }
0x43: {  	p0 =	sne.s32 s24, $0x13000;
	_ =	swait.ge [sflag:s17], $0x4000  }
0x44: {  	[sflag:s17] =	ssyncset.done $0x0  }
0x45: {  	s24 =	sadd.s32 $0x5000, s23;
	[sflag:s17] =	ssyncadd.s32 $0xFFFFC000  }
0x46: {  	[spmem:s1] =	stream.indirect.scatter.add.f32 [tilespmem:s14], [sflag:$0x3], $0x40, s24, s15, $0xb8;
	[tilespmem:$0x1BE00] =	vst v63  }
0x47: {  	_ =	swait.ge [sflag:s12], $0x4000  }
0x48: {  	[sflag:s12] =	ssyncset.done $0x0  }
0x49: {  	s24 =	sadd.s32 $0x200, s23;
	[sflag:s12] =	ssyncadd.s32 $0xFFFFC000  }
0x4a: {  	[tilespmem:s14], [sflag:$0x1] =	stream.indirect.gather [hbm4b:s9+s15], $0x40, s24, s15, $0xb8;
	[tilespmem:$0x1BE00] =	vst v63  }
0x4b: {  	_ =	swait.ge [sflag:s18], $0x4000  }
.Ltmp1:
0x4c: {  	[sflag:s18] =	ssyncset.done $0x0;
	(pc) =	sbr.rel @p0 .LBB2_4-.Ltmp1, $4  }
0x4d: {  	s23 =	sadd.s32 $0x5100, s23;
	[sflag:s18] =	ssyncadd.s32 $0xFFFFC000  }
0x4e: {  	[spmem:s1] =	stream.indirect.scatter.add.f32 [tilespmem:s16], [sflag:$0x3], $0x40, s23, s15, $0xb8;
	[tilespmem:$0x1BE00] =	vst v63  }
0x4f: {  	_ =	swait.ge [sflag:s12], $0x4000  }
0x50: {  	s24 =	smov.u32 s28;
	s23 =	sshra.s32 s26, $0x2;
	[sflag:s12] =	ssyncset.done $0x0  }
0x51: {  	s24 =	sadd.s32 $0x100, s23;
	[sflag:s12] =	ssyncadd.s32 $0xFFFFC000  }
0x52: {  	[tilespmem:s16], [sflag:$0x2] =	stream.indirect.gather [hbm4b:s9+s15], $0x40, s24, s15, $0xb8;
	[tilespmem:$0x1BE00] =	vst v63  }
0x53: {  	_ =	swait.ge [sflag:s17], $0x4000  }
0x54: {  	[sflag:s17] =	ssyncset.done $0x0  }
0x55: {  	s26 =	sadd.s32 $0x5000, s23;
	[sflag:s17] =	ssyncadd.s32 $0xFFFFC000  }
0x56: {  	[spmem:s1] =	stream.indirect.scatter.add.f32 [tilespmem:s14], [sflag:$0x3], $0x40, s26, s15, $0xb8;
	[tilespmem:$0x1BE00] =	vst v63  }
0x57: {  	_ =	swait.ge [sflag:s12], $0x4000  }
0x58: {  	[sflag:s12] =	ssyncset.done $0x0  }
0x59: {  	s28 =	sadd.s32 $0x200, s23;
	[sflag:s12] =	ssyncadd.s32 $0xFFFFC000  }
0x5a: {  	[tilespmem:s14], [sflag:$0x1] =	stream.indirect.gather [hbm4b:s9+s15], $0x40, s28, s15, $0xb8;
	[tilespmem:$0x1BE00] =	vst v63  }
0x5b: {  	_ =	swait.ge [sflag:s18], $0x4000  }
0x5c: {  	[sflag:s18] =	ssyncset.done $0x0  }
0x5d: {  	s29 =	sadd.s32 $0x5100, s23;
	[sflag:s18] =	ssyncadd.s32 $0xFFFFC000  }
0x5e: {  	[spmem:s1] =	stream.indirect.scatter.add.f32 [tilespmem:s16], [sflag:$0x3], $0x40, s29, s15, $0xb8;
	[tilespmem:$0x1BE00] =	vst v63  }
0x5f: {  	_ =	swait.ge [sflag:s12], $0x4000  }
0x60: {  	[sflag:s12] =	ssyncset.done $0x0  }
0x61: {  	[sflag:s12] =	ssyncadd.s32 $0xFFFFC000  }
0x62: {  	[tilespmem:s16], [sflag:$0x2] =	stream.indirect.gather [hbm4b:s9+s15], $0x40, s19, s15, $0xb8;
	[tilespmem:$0x1BE00] =	vst v63  }
0x63: {  	_ =	swait.ge [sflag:s17], $0x4000  }
0x64: {  	[sflag:s17] =	ssyncset.done $0x0  }
0x65: {  	[sflag:s17] =	ssyncadd.s32 $0xFFFFC000  }
0x66: {  	[spmem:s1] =	stream.indirect.scatter.add.f32 [tilespmem:s14], [sflag:$0x3], $0x40, s20, s15, $0xb8;
	[tilespmem:$0x1BE00] =	vst v63  }
0x67: {  	_ =	swait.ge [sflag:s12], $0x4000  }
0x68: {  	[sflag:s12] =	ssyncset.done $0x0  }
0x69: {  	[sflag:s12] =	ssyncadd.s32 $0xFFFFC000  }
0x6a: {  	_ =	swait.ge [sflag:s18], $0x4000  }
0x6b: {  	[sflag:s18] =	ssyncset.done $0x0  }
0x6c: {  	[sflag:s18] =	ssyncadd.s32 $0xFFFFC000  }
0x6d: {  	[spmem:s1] =	stream.indirect.scatter.add.f32 [tilespmem:s16], [sflag:$0x3], $0x40, s21, s15, $0xb8;
	[tilespmem:$0x1BE00] =	vst v63  }
0x6e: {  	_ =	swait.ge [sflag:s12], $0x4000  }
0x6f: {  	s30 =	sshll.u32 s2, $0x6;
	s22 =	sadd.s32 $0x1, s22;
	[sflag:s12] =	ssyncset.done $0x0  }
0x70: {  	s31 =	sshrl.u32 s6, $0x3;
	p0 =	sne.s32 s22, s11;
	[sflag:s12] =	ssyncadd.s32 $0xFFFFC000  }
.Ltmp2:
0x71: {  	s23 =	sor.u32 $0x1C03, s30;
	[bflag:$0x0] =	sbarrier.arrive $0xFFFF;
	(pc) =	sbr.rel @p0 .LBB2_1-.Ltmp2, $4  }
0x72: {  	[hbm:s10], [sflag:s23] =	dma.local [spmem:s31], $0x13C0  }
0x73: {  	_ =	swait.ge [sflag:s12], $0x13C0  }
0x74: {  	[sflag:s12] =	ssyncset.done $0x0  }
0x75: {  	[sflag:s12] =	ssyncadd.s32 $0xFFFFEC40  }
0x76: {  	_ =	sfence.sel $0x180000  }
0x77: {  	[bflag:$0x0] =	sbarrier.arrive $0xFFFF  }
0x78: {  	p0 =	sne.s32 s2, $0x0;
	_ =	strace $0x9000004A  }
0x79: {  	s0 =	sadd.s32 @!p0 $0x100000, s0;
	[bflag:$0x2] =	sbarrier.arrive $0xFFFF  }
0x7a: {  	[sflag:s0] =	ssyncadd.tile.s32 @!p0 $0x1;
	_ =	shalt  }
.Lfunc_end2:
_tile_overlayer_lowered:
.L_overlay_start_2:
0x7b: {  	(tag) =	ssettag $0x2  }
0x7c: {  	s0 =	rddreg [dreg:$0x0];
	s2 =	stileid.u32  }
0x7d: {  	s1 =	rddreg [dreg:$0x1];
	p0 =	sne.s32 s2, $0x0  }
0x7e: {  	s3 =	rddreg [dreg:$0x2];
	[bflag:$0x3] =	sbarrier.arrive $0xFFFF;
	s2 =	simm.s32 @!p0 $0x1C03  }
0x7f: {  	[timem:s3], [sflag:s2] =	dma.local @!p0 [hbm:s0], s1  }
0x80: {  	s0 =	simm.s32 @!p0 $0x3  }
0x81: {  	_ =	swait.ge @!p0 [sflag:s0], s1  }
0x82: {  	s1 =	ssub.s32 @!p0 $0x0, s1;
	[sflag:s0] =	ssyncset.done @!p0 $0x0  }
0x83: {  	[sflag:s0] =	ssyncadd.s32 @!p0 s1  }
0x84: {  	[bflag:$0x3] =	sbarrier.arrive $0xFFFF  }
0x85: {  	_ =	shalt  }

// kernel: kernel.16.cloned.1.call-start
scs
__scs_entry_jumppad:
0x0: {  	(pc) =	sbr.rel $0x88, $3  }
0x1: {  	(tag) =	ssettag $0x0;
	lr =	simm.s32 $0x1  }
0x2: {  	[smem:$0x3F99] =	sst lr;
	_ =	strace $0xD0000000  }
0x3: {  	_ = 	snop  }
0x4: {  	_ = 	snop  }
0x5: {  	_ = 	snop  }
0x6: {  	_ = 	snop  }
0x7: {  	_ = 	snop  }
__scs_overlays_trampoline_lowered:
0x8: {  	[smem:$0x3FA8] =	sst s0  }
0x9: {  	[smem:$0x3FA9] =	sst s1  }
0xa: {  	[smem:$0x3FAA] =	sst s2  }
0xb: {  	[smem:$0x3FAB] =	sst s3  }
0xc: {  	[smem:$0x3FAC] =	sst s4  }
0xd: {  	[smem:$0x3FAD] =	sst s5  }
0xe: {  	[smem:$0x3FAE] =	sst s6  }
0xf: {  	[smem:$0x3FAF] =	sst s7  }
0x10: {  	[smem:$0x3FB0] =	sst s8  }
0x11: {  	[smem:$0x3FB1] =	sst s9;
	s0 =	simm.s32 @!p0 $0x0  }
0x12: {  	s1 =	sld [smem:$0x3F97];
	s0 =	simm.s32 @p0 $0x1  }
0x13: {  	[smem:$0x3FB2] =	sst s0;
	s0 =	simm.s32 @!p1 $0x0  }
0x14: {  	s2 =	sld [smem:$0x3F96];
	s0 =	simm.s32 @p1 $0x1  }
0x15: {  	[smem:$0x3FB3] =	sst s0;
	s0 =	simm.s32 @!p2 $0x0  }
0x16: {  	s3 =	sld [smem:$0x3FDB];
	s0 =	simm.s32 @p2 $0x1  }
0x17: {  	s4 =	simm.s32 $0x1BF5;
	[smem:$0x3FB5] =	sst s0  }
0x18: {  	s0 =	sld [smem:$0x3F98];
	_ =	swait.ge [sflag:s4], $0x0  }
0x19: {  	s7 =	sld [smem:$0x3F99]  }
0x1a: {  	s8 =	sadd.s32 $0xFFFFE003, lr  }
0x1b: {  	s9 =	sadd.s32 $0xFFFFFEF7, lr;
	s5 =	simm.s32 $0xFFFFFFFF;
	p2 =	slt.u32 s8, $0xFFFFF086  }
0x1c: {  	p1 =	slt.u32 s9, $0xF7A;
	s5 =	simm.s32 @!p2 $0x0  }
0x1d: {  	s5 =	simm.s32 @p1 $0x1;
	p0 =	seq.s32 s7, s2  }
0x1e: {  	s7 =	smul.u32 @!p0 $0xF7A, s2;
	p2 =	seq.s32 @!p0 s5, $0x0  }
0x1f: {  	s9 =	smul.u32 $0xF7A, s1;
	s8 =	simm.s32 @!p0 $0x1BF5;
	p2 =	por !p2, p0  }
0x20: {  	[sflag:s8] =	ssyncset.s32 @!p0 $0xFFFFF086;
	s6 =	sadd.s32 @!p0 s3, s7;
	s7 =	simm.s32 @!p0 $0x108  }
0x21: {  	s3 =	sadd.s32 s3, s9;
	s6 =	sadd.s32 @!p0 $0x88, s6;
	s7 =	simm.s32 @p2 $0x1082  }
0x22: {  	[simem:s7], [sflag:s8] =	dma.local @!p0 [hbm:s6], $0xF7A  }
0x23: {  	s9 =	sor.u32 $0xD0000000, s2;
	s6 =	simm.s32 $0x108;
	_ =	swait.ge @!p0 [sflag:s8], $0x0  }
0x24: {  	s3 =	sadd.s32 $0x88, s3;
	s6 =	simm.s32 @!p1 $0x1082;
	[sflag:s4] =	ssyncset.s32 $0xFFFFF086  }
0x25: {  	[simem:s6], [sflag:s4] =	dma.local [hbm:s3], $0xF7A  }
0x26: {  	[smem:$0x3F99] =	sst s1;
	(tag) =	ssettag s2;
	_ =	strace s9  }
0x27: {  	s1 =	sld [smem:$0x3FA9]  }
0x28: {  	s2 =	sld [smem:$0x3FAA]  }
0x29: {  	s4 =	sld [smem:$0x3FAC]  }
0x2a: {  	p0 =	seq.s32 s5, $0x0;
	s5 =	sld [smem:$0x3FAD]  }
0x2b: {  	s6 =	sld [smem:$0x3FAE]  }
0x2c: {  	s7 =	sld [smem:$0x3FAF]  }
0x2d: {  	s3 =	simm.s32 $0x108;
	s8 =	sld [smem:$0x3FB0]  }
0x2e: {  	s3 =	simm.s32 @!p0 $0x1082;
	s9 =	sld [smem:$0x3FB1]  }
0x2f: {  	lr =	sadd.s32 s0, s3;
	s0 =	sld [smem:$0x3FA8]  }
0x30: {  	s3 =	sld [smem:$0x3FAB]  }
0x31: {  	[smem:$0x3FB4] =	sst s10  }
0x32: {  	s10 =	sld [smem:$0x3FB2];
	_ =	sdelay $0x3  }
0x33: {  	p0 =	seq.s32 s10, $0x1;
	s10 =	sld [smem:$0x3FB4];
	_ =	sdelay $0x3  }
0x34: {  	[smem:$0x3FB4] =	sst s10  }
0x35: {  	s10 =	sld [smem:$0x3FB3];
	_ =	sdelay $0x3  }
0x36: {  	p1 =	seq.s32 s10, $0x1;
	s10 =	sld [smem:$0x3FB4];
	_ =	sdelay $0x3  }
0x37: {  	[smem:$0x3FB4] =	sst s10  }
0x38: {  	s10 =	sld [smem:$0x3FB5]  }
0x39: {  	_ = 	snop;
	(pc) =	sbr.ind lr, $3  }
0x3a: {  	_ = 	snop  }
0x3b: {  	_ = 	snop  }
0x3c: {  	p2 =	seq.s32 s10, $0x1;
	s10 =	sld [smem:$0x3FB4]  }
0x3d: {  	_ =	shalt  }
0x3e: {  	_ =	shalt  }
0x3f: {  	_ =	shalt  }
0x40: {  	_ =	shalt  }
0x41: {  	_ =	shalt  }
0x42: {  	_ =	shalt  }
0x43: {  	_ =	shalt  }
0x44: {  	_ =	shalt  }
0x45: {  	_ =	shalt  }
0x46: {  	_ =	shalt  }
0x47: {  	_ =	shalt  }
0x48: {  	_ =	shalt  }
0x49: {  	_ =	shalt  }
0x4a: {  	_ =	shalt  }
0x4b: {  	_ =	shalt  }
0x4c: {  	_ =	shalt  }
0x4d: {  	_ =	shalt  }
0x4e: {  	_ =	shalt  }
0x4f: {  	_ =	shalt  }
0x50: {  	_ =	shalt  }
0x51: {  	_ =	shalt  }
0x52: {  	_ =	shalt  }
0x53: {  	_ =	shalt  }
0x54: {  	_ =	shalt  }
0x55: {  	_ =	shalt  }
0x56: {  	_ =	shalt  }
0x57: {  	_ =	shalt  }
0x58: {  	_ =	shalt  }
0x59: {  	_ =	shalt  }
0x5a: {  	_ =	shalt  }
0x5b: {  	_ =	shalt  }
0x5c: {  	_ =	shalt  }
0x5d: {  	_ =	shalt  }
0x5e: {  	_ =	shalt  }
0x5f: {  	_ =	shalt  }
0x60: {  	_ =	shalt  }
0x61: {  	_ =	shalt  }
0x62: {  	_ =	shalt  }
0x63: {  	_ =	shalt  }
0x64: {  	_ =	shalt  }
0x65: {  	_ =	shalt  }
0x66: {  	_ =	shalt  }
0x67: {  	_ =	shalt  }
0x68: {  	_ =	shalt  }
0x69: {  	_ =	shalt  }
0x6a: {  	_ =	shalt  }
0x6b: {  	_ =	shalt  }
0x6c: {  	_ =	shalt  }
0x6d: {  	_ =	shalt  }
0x6e: {  	_ =	shalt  }
0x6f: {  	_ =	shalt  }
0x70: {  	_ =	shalt  }
0x71: {  	_ =	shalt  }
0x72: {  	_ =	shalt  }
0x73: {  	_ =	shalt  }
0x74: {  	_ =	shalt  }
0x75: {  	_ =	shalt  }
0x76: {  	_ =	shalt  }
0x77: {  	_ =	shalt  }
0x78: {  	_ =	shalt  }
0x79: {  	_ =	shalt  }
0x7a: {  	_ =	shalt  }
0x7b: {  	_ =	shalt  }
0x7c: {  	_ =	shalt  }
0x7d: {  	_ =	shalt  }
0x7e: {  	_ =	shalt  }
0x7f: {  	_ =	shalt  }
0x80: {  	_ =	shalt  }
0x81: {  	_ =	shalt  }
0x82: {  	_ =	shalt  }
0x83: {  	_ =	shalt  }
0x84: {  	_ =	shalt  }
0x85: {  	_ =	shalt  }
0x86: {  	_ =	shalt  }
0x87: {  	_ =	shalt  }
.Lfunc_end0:
.L_simem_size_0:
called_computation.2_lowered:
.L_overlay_start_0:
0x88: {  	s2 =	sld [smem:$0x3FD9]  }
0x89: {  	s3 =	sld [smem:$0x3FFE];
	_ =	sdelay $0x1  }
0x8a: {  	s1 =	srdreg.scid  }
0x8b: {  	s0 =	sand.u32 $0x1, s1  }
0x8c: {  	s16 =	sshll.u32 s0, $0xA;
	s2 =	sadd.s32 s3, s2  }
0x8d: {  	s2 =	sadd.s32 s2, s16  }
0x8e: {  	[smem:$0x3FC0] =	sst s2  }
0x8f: {  	_ = 	snop  }
0x90: {  	(tm) =	ssettm $0x1  }
0x91: {  	s17 =	sld [smem:$0x3FFB];
	_ =	sdelay $0x3  }
0x92: {  	_ =	strace s17  }
0x93: {  	s2 =	sld [smem:$0x3FFC];
	_ =	sdelay $0x3  }
0x94: {  	_ =	strace s2  }
0x95: {  	s2 =	sld [smem:$0x3FFD];
	_ =	sdelay $0x3  }
0x96: {  	_ =	strace s2  }
0x97: {  	_ =	strace $0x8FFFFFFF  }
0x98: {  	s18 =	sld [smem:$0x3FDB];
	_ =	sdelay $0x1  }
0x99: {  	s19 =	simm.s32 $_scs_section_size  }
0x9a: {  	s4 =	simm.s32 $_size__tile_overlayer_lowered;
	s5 =	simm.s32 $_tile_overlayer_lowered  }
0x9b: {  	s22 =	simm.s32 $0x1BFF;
	s21 =	sshll.u32 s5, $0x1;
	s2 =	sadd.s32 s19, s18  }
0x9c: {  	s6 =	simm.s32 $0x0;
	s20 =	sshll.u32 s4, $0x1;
	s4 =	sadd.s32 s21, s2  }
0x9d: {  	[timem:s6], [sflag:s22] =	dma.local [hbm:s4], s20  }
0x9e: {  	_ =	swait.ge [sflag:s22], s20  }
0x9f: {  	s3 =	ssub.s32 $0x0, s20;
	[sflag:s22] =	ssyncset.done $0x0  }
0xa0: {  	[sflag:s22] =	ssyncadd.s32 s3;
	_ =	sdelay $0x1  }
0xa1: {  	s23 =	simm.s32 $0x1B8B  }
0xa2: {  	_ =	swait.ge [sflag:s23], $0x1  }
0xa3: {  	[sflag:s23] =	ssyncset.done $0x0  }
0xa4: {  	s25 =	simm.s32 $0x1B8E;
	s24 =	sld [smem:$0x3FFE];
	[sflag:s23] =	ssyncadd.s32 $0xFFFFFFFF  }
0xa5: {  	s26 =	simm.s32 $execute0_lowered;
	[smem:$0x3FD2] =	sst s25  }
0xa6: {  	s4 =	sshll.u32 s26, $0x1;
	_ =	strace $0x8000004C;
	[dreg:$0x1] =	wrdreg $0xFFFFFFFF  }
0xa7: {  	s28 =	simm.s32 $_size_execute0_lowered;
	s2 =	sadd.s32 s2, s4;
	[dreg:$0x0] =	wrdreg $0x0  }
0xa8: {  	s4 =	sshll.u32 s28, $0x1;
	[dreg:$0x2] =	wrdreg s2  }
0xa9: {  	[dreg:$0x3] =	wrdreg s4  }
0xaa: {  	[dreg:$0x4] =	wrdreg $0xC0  }
0xab: {  	_ =	task [dreg:s6], $0x5FFFF  }
0xac: {  	[dreg:$0x1] =	wrdreg $0xFFFFFFFF  }
0xad: {  	[dreg:$0x0] =	wrdreg $0x60  }
0xae: {  	[dreg:$0x2] =	wrdreg s24  }
0xaf: {  	[dreg:$0x3] =	wrdreg $0x120000  }
0xb0: {  	[dreg:$0x4] =	wrdreg $0x9  }
0xb1: {  	_ =	task.clear_ibuf [dreg:s6], $0x5FFFF;
	_ =	strace $0x9000004C  }
0xb2: {  	s29 =	simm.s32 $0x9;
	_ =	strace $0x8000004E  }
0xb3: {  	_ =	swait.ge [sflag:s29], $0x1  }
0xb4: {  	[sflag:s29] =	ssyncadd.s32 $0xFFFFFFFF  }
0xb5: {  	_ =	strace $0x9000004E  }
0xb6: {  	_ =	sfence  }
0xb7: {  	s30 =	sld [smem:$0x0];
	_ =	sdelay $0x2  }
0xb8: {  	s31 =	sshll.u32 s1, $0xD;
	s1 =	sshrl.u32 s1, $0x2  }
0xb9: {  	s3 =	sand.u32 $0x4000, s31;
	s1 =	sadd.s32 s1, s30  }
0xba: {  	s0 =	sor.u32 s3, s0;
	s1 =	sshll.u32 s1, $0x11  }
0xbb: {  	s0 =	sor.u32 s1, s0  }
0xbc: {  	s0 =	sadd.s32 $0x8F2B, s0  }
0xbd: {  	[sflag:s0] =	ssyncadd.remote.s32 $0x1  }
0xbe: {  	_ =	sfence.sel $0xFFFF  }
0xbf: {  	[dreg:$0x0] =	wrdreg $0xFFFFFFFF;
	(pc) =	sbr.abs _section_cstart, $3  }
0xc0: {  	[dreg:$0x1] =	wrdreg $0xFFFFFFFF  }
0xc1: {  	_ =	task.clear_ibuf [dreg:s6], $0x2FFFF;
	_ =	strace $0x9FFFFFFF  }
0xc2: {  	(tm) =	ssettm $0x7FFFFFFF  }
0xc3: {  	_ =	shalt  }
tec
execute0_lowered:
.L_overlay_start_1:
0x0: {  	(tag) =	ssettag $0x1  }
0x1: {  	s4 =	rddreg [dreg:$0x0]  }
0x2: {  	s1 =	rddreg [dreg:$0x1]  }
0x3: {  	s2 =	srdreg.scid;
	s0 =	rddreg [dreg:$0x2]  }
0x4: {  	s3 =	simm.s32 $0x0;
	s13 =	simm.s32 $0x5000;
	s14 =	simm.s32 $0xA000  }
0x5: {  	s15 =	simm.s32 $0x100;
	s16 =	simm.s32 $0xE000;
	s17 =	simm.s32 $0x1  }
0x6: {  	s18 =	simm.s32 $0x2;
	s19 =	simm.s32 $0x4F00;
	s5 =	sand.u32 $0x1, s2  }
0x7: {  	s20 =	simm.s32 $0x9E00;
	s2 =	stileid.u32;
	s6 =	smul.u32 $0x9E000, s5  }
0x8: {  	s21 =	simm.s32 $0x9F00;
	s22 =	simm.s32 $0x0;
	s7 =	smul.u32 $0x9E00, s2  }
0x9: {  	[smem:$0x7FF] =	sst s3;
	s9 =	smul.u32 $0xA00, s2;
	s5 =	ssub.s32 $0x2, s5  }
0xa: {  	_ =	strace $0x8000004D;
	s29 =	smul.u32 $0x27800, s2;
	s30 =	sshrl.u32 s5, $0x1  }
0xb: {  	s8 =	sshrl.u32 s6, $0x3;
	s6 =	sadd.s32 s7, s6;
	s9 =	sadd.s32 s9, s4  }
0xc: {  	s31 =	sshrl.u32 s29, $0x2;
	s12 =	ssub.s32 s5, s30;
	s10 =	sadd.s32 s8, s4  }
0xd: {  	s6 =	sshrl.u32 s6, $0x3;
	s8 =	sadd.s32 s31, s1;
	s5 =	sadd.s32 $0x2E00, s9  }
0xe: {  	s11 =	sadd.s32 s6, s4;
	s4 =	sadd.s32 $0xAAE00, s9;
	s6 =	sadd.s32 s7, s1  }
0xf: {  	s7 =	sadd.s32 $0x4000, s8;
	s8 =	sadd.s32 $0x8000, s8;
	s9 =	sadd.s32 $0x83600, s10  }
0x10: {  	v0 =	vimm.f32 $0.0e+00;
	s10 =	sadd.s32 $0xB4E00, s11;
	s11 =	smax.u32 s12, $0x1;
	s12 =	simm.s32 $0x3  }
.LBB2_1:
0x11: {  	[tilespmem:s3], [sflag:$0x3] =	stream.linear.gather [hbm4b:s4+s3], $0x5000, $0x38;
	[tilespmem:$0x1BE00] =	vst v63  }
0x12: {  	_ =	swait.ge [sflag:s12], $0x5000  }
0x13: {  	[sflag:s12] =	ssyncset.done $0x0  }
0x14: {  	[sflag:s12] =	ssyncadd.s32 $0xFFFFB000  }
0x15: {  	[tilespmem:s13], [sflag:$0x3] =	stream.linear.gather [hbm4b:s5+s3], $0x5000, $0x38;
	[tilespmem:$0x1BE00] =	vst v63  }
0x16: {  	_ =	swait.ge [sflag:s12], $0x5000  }
0x17: {  	[sflag:s12] =	ssyncset.done $0x0  }
0x18: {  	s24 =	simm.s32 $0x100;
	s23 =	simm.s32 $0x0;
	[sflag:s12] =	ssyncadd.s32 $0xFFFFB000  }
.LBB2_2:
0x19: {  	p0 =	sne.s32 s24, $0xFF00;
	[tilespmem:s23+$0xA030] =	vst v0;
	s25 =	smov.u32 s24;
	s24 =	sadd.s32 $0x100, s24  }
.Ltmp0:
0x1a: {  	[tilespmem:s23+$0xA020] =	vst v0;
	(pc) =	sbr.rel @p0 .LBB2_2-.Ltmp0, $3  }
0x1b: {  	[tilespmem:s23+$0xA000] =	vst v0  }
0x1c: {  	[tilespmem:s23+$0xA010] =	vst v0;
	_ =	sdelay $0x1  }
0x1d: {  	s23 =	sshra.s32 s25, $0x2  }
0x1e: {  	[tilespmem:s23+$0xA030] =	vst v0  }
0x1f: {  	[tilespmem:s23+$0xA020] =	vst v0  }
0x20: {  	[tilespmem:s23+$0xA000] =	vst v0  }
0x21: {  	[tilespmem:s23+$0xA010] =	vst v0  }
0x22: {  	[spmem:s6] =	stream.linear.scatter [tilespmem:s14], [sflag:$0x3], $0x4000, $0x38;
	[tilespmem:$0x1BE00] =	vst v63  }
0x23: {  	_ =	swait.ge [sflag:s12], $0x4000  }
0x24: {  	[sflag:s12] =	ssyncset.done $0x0  }
0x25: {  	[sflag:s12] =	ssyncadd.s32 $0xFFFFC000  }
0x26: {  	[spmem:s7] =	stream.linear.scatter [tilespmem:s14], [sflag:$0x3], $0x4000, $0x38;
	[tilespmem:$0x1BE00] =	vst v63  }
0x27: {  	_ =	swait.ge [sflag:s12], $0x4000  }
0x28: {  	[sflag:s12] =	ssyncset.done $0x0  }
0x29: {  	[sflag:s12] =	ssyncadd.s32 $0xFFFFC000  }
0x2a: {  	[spmem:s8] =	stream.linear.scatter [tilespmem:s14], [sflag:$0x3], $0x1E00, $0x38;
	[tilespmem:$0x1BE00] =	vst v63  }
0x2b: {  	_ =	swait.ge [sflag:s12], $0x1E00  }
0x2c: {  	[sflag:s12] =	ssyncset.done $0x0  }
0x2d: {  	[sflag:s12] =	ssyncadd.s32 $0xFFFFE200  }
0x2e: {  	s26 =	simm.s32 $0x0;
	[bflag:$0x0] =	sbarrier.arrive $0xFFFF  }
0x2f: {  	[tilespmem:s14], [sflag:$0x1] =	stream.indirect.gather [hbm4b:s9+s15], $0x40, s26, s15, $0xb8;
	[tilespmem:$0x1BE00] =	vst v63  }
0x30: {  	s28 =	simm.s32 $0x100  }
0x31: {  	[tilespmem:s16], [sflag:$0x2] =	stream.indirect.gather [hbm4b:s9+s15], $0x40, s28, s15, $0xb8;
	[tilespmem:$0x1BE00] =	vst v63  }
0x32: {  	_ =	swait.ge [sflag:s17], $0x4000  }
0x33: {  	[sflag:s17] =	ssyncset.done $0x0  }
0x34: {  	s29 =	simm.s32 $0x5000;
	[sflag:s17] =	ssyncadd.s32 $0xFFFFC000  }
0x35: {  	[spmem:s1] =	stream.indirect.scatter.add.f32 [tilespmem:s14], [sflag:$0x3], $0x40, s29, s15, $0xb8;
	[tilespmem:$0x1BE00] =	vst v63  }
0x36: {  	_ =	swait.ge [sflag:s12], $0x4000  }
0x37: {  	[sflag:s12] =	ssyncset.done $0x0  }
0x38: {  	s30 =	simm.s32 $0x200;
	[sflag:s12] =	ssyncadd.s32 $0xFFFFC000  }
0x39: {  	[tilespmem:s14], [sflag:$0x1] =	stream.indirect.gather [hbm4b:s9+s15], $0x40, s30, s15, $0xb8;
	[tilespmem:$0x1BE00] =	vst v63  }
0x3a: {  	_ =	swait.ge [sflag:s18], $0x4000  }
0x3b: {  	[sflag:s18] =	ssyncset.done $0x0  }
0x3c: {  	s31 =	simm.s32 $0x5100;
	[sflag:s18] =	ssyncadd.s32 $0xFFFFC000  }
0x3d: {  	[spmem:s1] =	stream.indirect.scatter.add.f32 [tilespmem:s16], [sflag:$0x3], $0x40, s31, s15, $0xb8;
	[tilespmem:$0x1BE00] =	vst v63  }
0x3e: {  	_ =	swait.ge [sflag:s12], $0x4000  }
0x3f: {  	s24 =	simm.s32 $0x1000;
	s23 =	simm.s32 $0x200;
	[sflag:s12] =	ssyncset.done $0x0  }
.LBB2_4:
0x40: {  	s25 =	sadd.s32 $0x100, s23  }
0x41: {  	[sflag:s12] =	ssyncadd.s32 $0xFFFFC000;
	s26 =	smov.u32 s24;
	s28 =	sadd.s32 $0x800, s24  }
0x42: {  	[tilespmem:s16], [sflag:$0x2] =	stream.indirect.gather [hbm4b:s9+s15], $0x40, s25, s15, $0xb8;
	[tilespmem:$0x1BE00] =	vst v63  }
0x43: {  	p0 =	sne.s32 s24, $0x13000;
	_ =	swait.ge [sflag:s17], $0x4000  }
0x44: {  	[sflag:s17] =	ssyncset.done $0x0  }
0x45: {  	s24 =	sadd.s32 $0x5000, s23;
	[sflag:s17] =	ssyncadd.s32 $0xFFFFC000  }
0x46: {  	[spmem:s1] =	stream.indirect.scatter.add.f32 [tilespmem:s14], [sflag:$0x3], $0x40, s24, s15, $0xb8;
	[tilespmem:$0x1BE00] =	vst v63  }
0x47: {  	_ =	swait.ge [sflag:s12], $0x4000  }
0x48: {  	[sflag:s12] =	ssyncset.done $0x0  }
0x49: {  	s24 =	sadd.s32 $0x200, s23;
	[sflag:s12] =	ssyncadd.s32 $0xFFFFC000  }
0x4a: {  	[tilespmem:s14], [sflag:$0x1] =	stream.indirect.gather [hbm4b:s9+s15], $0x40, s24, s15, $0xb8;
	[tilespmem:$0x1BE00] =	vst v63  }
0x4b: {  	_ =	swait.ge [sflag:s18], $0x4000  }
.Ltmp1:
0x4c: {  	[sflag:s18] =	ssyncset.done $0x0;
	(pc) =	sbr.rel @p0 .LBB2_4-.Ltmp1, $4  }
0x4d: {  	s23 =	sadd.s32 $0x5100, s23;
	[sflag:s18] =	ssyncadd.s32 $0xFFFFC000  }
0x4e: {  	[spmem:s1] =	stream.indirect.scatter.add.f32 [tilespmem:s16], [sflag:$0x3], $0x40, s23, s15, $0xb8;
	[tilespmem:$0x1BE00] =	vst v63  }
0x4f: {  	_ =	swait.ge [sflag:s12], $0x4000  }
0x50: {  	s24 =	smov.u32 s28;
	s23 =	sshra.s32 s26, $0x2;
	[sflag:s12] =	ssyncset.done $0x0  }
0x51: {  	s24 =	sadd.s32 $0x100, s23;
	[sflag:s12] =	ssyncadd.s32 $0xFFFFC000  }
0x52: {  	[tilespmem:s16], [sflag:$0x2] =	stream.indirect.gather [hbm4b:s9+s15], $0x40, s24, s15, $0xb8;
	[tilespmem:$0x1BE00] =	vst v63  }
0x53: {  	_ =	swait.ge [sflag:s17], $0x4000  }
0x54: {  	[sflag:s17] =	ssyncset.done $0x0  }
0x55: {  	s26 =	sadd.s32 $0x5000, s23;
	[sflag:s17] =	ssyncadd.s32 $0xFFFFC000  }
0x56: {  	[spmem:s1] =	stream.indirect.scatter.add.f32 [tilespmem:s14], [sflag:$0x3], $0x40, s26, s15, $0xb8;
	[tilespmem:$0x1BE00] =	vst v63  }
0x57: {  	_ =	swait.ge [sflag:s12], $0x4000  }
0x58: {  	[sflag:s12] =	ssyncset.done $0x0  }
0x59: {  	s28 =	sadd.s32 $0x200, s23;
	[sflag:s12] =	ssyncadd.s32 $0xFFFFC000  }
0x5a: {  	[tilespmem:s14], [sflag:$0x1] =	stream.indirect.gather [hbm4b:s9+s15], $0x40, s28, s15, $0xb8;
	[tilespmem:$0x1BE00] =	vst v63  }
0x5b: {  	_ =	swait.ge [sflag:s18], $0x4000  }
0x5c: {  	[sflag:s18] =	ssyncset.done $0x0  }
0x5d: {  	s29 =	sadd.s32 $0x5100, s23;
	[sflag:s18] =	ssyncadd.s32 $0xFFFFC000  }
0x5e: {  	[spmem:s1] =	stream.indirect.scatter.add.f32 [tilespmem:s16], [sflag:$0x3], $0x40, s29, s15, $0xb8;
	[tilespmem:$0x1BE00] =	vst v63  }
0x5f: {  	_ =	swait.ge [sflag:s12], $0x4000  }
0x60: {  	[sflag:s12] =	ssyncset.done $0x0  }
0x61: {  	[sflag:s12] =	ssyncadd.s32 $0xFFFFC000  }
0x62: {  	[tilespmem:s16], [sflag:$0x2] =	stream.indirect.gather [hbm4b:s9+s15], $0x40, s19, s15, $0xb8;
	[tilespmem:$0x1BE00] =	vst v63  }
0x63: {  	_ =	swait.ge [sflag:s17], $0x4000  }
0x64: {  	[sflag:s17] =	ssyncset.done $0x0  }
0x65: {  	[sflag:s17] =	ssyncadd.s32 $0xFFFFC000  }
0x66: {  	[spmem:s1] =	stream.indirect.scatter.add.f32 [tilespmem:s14], [sflag:$0x3], $0x40, s20, s15, $0xb8;
	[tilespmem:$0x1BE00] =	vst v63  }
0x67: {  	_ =	swait.ge [sflag:s12], $0x4000  }
0x68: {  	[sflag:s12] =	ssyncset.done $0x0  }
0x69: {  	[sflag:s12] =	ssyncadd.s32 $0xFFFFC000  }
0x6a: {  	_ =	swait.ge [sflag:s18], $0x4000  }
0x6b: {  	[sflag:s18] =	ssyncset.done $0x0  }
0x6c: {  	[sflag:s18] =	ssyncadd.s32 $0xFFFFC000  }
0x6d: {  	[spmem:s1] =	stream.indirect.scatter.add.f32 [tilespmem:s16], [sflag:$0x3], $0x40, s21, s15, $0xb8;
	[tilespmem:$0x1BE00] =	vst v63  }
0x6e: {  	_ =	swait.ge [sflag:s12], $0x4000  }
0x6f: {  	s30 =	sshll.u32 s2, $0x6;
	s22 =	sadd.s32 $0x1, s22;
	[sflag:s12] =	ssyncset.done $0x0  }
0x70: {  	s31 =	sshrl.u32 s6, $0x3;
	p0 =	sne.s32 s22, s11;
	[sflag:s12] =	ssyncadd.s32 $0xFFFFC000  }
.Ltmp2:
0x71: {  	s23 =	sor.u32 $0x1C03, s30;
	[bflag:$0x0] =	sbarrier.arrive $0xFFFF;
	(pc) =	sbr.rel @p0 .LBB2_1-.Ltmp2, $4  }
0x72: {  	[hbm:s10], [sflag:s23] =	dma.local [spmem:s31], $0x13C0  }
0x73: {  	_ =	swait.ge [sflag:s12], $0x13C0  }
0x74: {  	[sflag:s12] =	ssyncset.done $0x0  }
0x75: {  	[sflag:s12] =	ssyncadd.s32 $0xFFFFEC40  }
0x76: {  	_ =	sfence.sel $0x180000  }
0x77: {  	[bflag:$0x0] =	sbarrier.arrive $0xFFFF  }
0x78: {  	p0 =	sne.s32 s2, $0x0;
	_ =	strace $0x9000004D  }
0x79: {  	s0 =	sadd.s32 @!p0 $0x100000, s0;
	[bflag:$0x2] =	sbarrier.arrive $0xFFFF  }
0x7a: {  	[sflag:s0] =	ssyncadd.tile.s32 @!p0 $0x1;
	_ =	shalt  }
.Lfunc_end2:
_tile_overlayer_lowered:
.L_overlay_start_2:
0x7b: {  	(tag) =	ssettag $0x2  }
0x7c: {  	s0 =	rddreg [dreg:$0x0];
	s2 =	stileid.u32  }
0x7d: {  	s1 =	rddreg [dreg:$0x1];
	p0 =	sne.s32 s2, $0x0  }
0x7e: {  	s3 =	rddreg [dreg:$0x2];
	[bflag:$0x3] =	sbarrier.arrive $0xFFFF;
	s2 =	simm.s32 @!p0 $0x1C03  }
0x7f: {  	[timem:s3], [sflag:s2] =	dma.local @!p0 [hbm:s0], s1  }
0x80: {  	s0 =	simm.s32 @!p0 $0x3  }
0x81: {  	_ =	swait.ge @!p0 [sflag:s0], s1  }
0x82: {  	s1 =	ssub.s32 @!p0 $0x0, s1;
	[sflag:s0] =	ssyncset.done @!p0 $0x0  }
0x83: {  	[sflag:s0] =	ssyncadd.s32 @!p0 s1  }
0x84: {  	[bflag:$0x3] =	sbarrier.arrive $0xFFFF  }
0x85: {  	_ =	shalt  }

// kernel: kernel.19.cloned.1.call-start
scs
__scs_entry_jumppad:
0x0: {  	(pc) =	sbr.rel $0x88, $3  }
0x1: {  	(tag) =	ssettag $0x0;
	lr =	simm.s32 $0x1  }
0x2: {  	[smem:$0x3F99] =	sst lr;
	_ =	strace $0xD0000000  }
0x3: {  	_ = 	snop  }
0x4: {  	_ = 	snop  }
0x5: {  	_ = 	snop  }
0x6: {  	_ = 	snop  }
0x7: {  	_ = 	snop  }
__scs_overlays_trampoline_lowered:
0x8: {  	[smem:$0x3FA8] =	sst s0  }
0x9: {  	[smem:$0x3FA9] =	sst s1  }
0xa: {  	[smem:$0x3FAA] =	sst s2  }
0xb: {  	[smem:$0x3FAB] =	sst s3  }
0xc: {  	[smem:$0x3FAC] =	sst s4  }
0xd: {  	[smem:$0x3FAD] =	sst s5  }
0xe: {  	[smem:$0x3FAE] =	sst s6  }
0xf: {  	[smem:$0x3FAF] =	sst s7  }
0x10: {  	[smem:$0x3FB0] =	sst s8  }
0x11: {  	[smem:$0x3FB1] =	sst s9;
	s0 =	simm.s32 @!p0 $0x0  }
0x12: {  	s1 =	sld [smem:$0x3F97];
	s0 =	simm.s32 @p0 $0x1  }
0x13: {  	[smem:$0x3FB2] =	sst s0;
	s0 =	simm.s32 @!p1 $0x0  }
0x14: {  	s2 =	sld [smem:$0x3F96];
	s0 =	simm.s32 @p1 $0x1  }
0x15: {  	[smem:$0x3FB3] =	sst s0;
	s0 =	simm.s32 @!p2 $0x0  }
0x16: {  	s3 =	sld [smem:$0x3FDB];
	s0 =	simm.s32 @p2 $0x1  }
0x17: {  	s4 =	simm.s32 $0x1BF5;
	[smem:$0x3FB5] =	sst s0  }
0x18: {  	s0 =	sld [smem:$0x3F98];
	_ =	swait.ge [sflag:s4], $0x0  }
0x19: {  	s7 =	sld [smem:$0x3F99]  }
0x1a: {  	s8 =	sadd.s32 $0xFFFFE003, lr  }
0x1b: {  	s9 =	sadd.s32 $0xFFFFFEF7, lr;
	s5 =	simm.s32 $0xFFFFFFFF;
	p2 =	slt.u32 s8, $0xFFFFF086  }
0x1c: {  	p1 =	slt.u32 s9, $0xF7A;
	s5 =	simm.s32 @!p2 $0x0  }
0x1d: {  	s5 =	simm.s32 @p1 $0x1;
	p0 =	seq.s32 s7, s2  }
0x1e: {  	s7 =	smul.u32 @!p0 $0xF7A, s2;
	p2 =	seq.s32 @!p0 s5, $0x0  }
0x1f: {  	s9 =	smul.u32 $0xF7A, s1;
	s8 =	simm.s32 @!p0 $0x1BF5;
	p2 =	por !p2, p0  }
0x20: {  	[sflag:s8] =	ssyncset.s32 @!p0 $0xFFFFF086;
	s6 =	sadd.s32 @!p0 s3, s7;
	s7 =	simm.s32 @!p0 $0x108  }
0x21: {  	s3 =	sadd.s32 s3, s9;
	s6 =	sadd.s32 @!p0 $0x88, s6;
	s7 =	simm.s32 @p2 $0x1082  }
0x22: {  	[simem:s7], [sflag:s8] =	dma.local @!p0 [hbm:s6], $0xF7A  }
0x23: {  	s9 =	sor.u32 $0xD0000000, s2;
	s6 =	simm.s32 $0x108;
	_ =	swait.ge @!p0 [sflag:s8], $0x0  }
0x24: {  	s3 =	sadd.s32 $0x88, s3;
	s6 =	simm.s32 @!p1 $0x1082;
	[sflag:s4] =	ssyncset.s32 $0xFFFFF086  }
0x25: {  	[simem:s6], [sflag:s4] =	dma.local [hbm:s3], $0xF7A  }
0x26: {  	[smem:$0x3F99] =	sst s1;
	(tag) =	ssettag s2;
	_ =	strace s9  }
0x27: {  	s1 =	sld [smem:$0x3FA9]  }
0x28: {  	s2 =	sld [smem:$0x3FAA]  }
0x29: {  	s4 =	sld [smem:$0x3FAC]  }
0x2a: {  	p0 =	seq.s32 s5, $0x0;
	s5 =	sld [smem:$0x3FAD]  }
0x2b: {  	s6 =	sld [smem:$0x3FAE]  }
0x2c: {  	s7 =	sld [smem:$0x3FAF]  }
0x2d: {  	s3 =	simm.s32 $0x108;
	s8 =	sld [smem:$0x3FB0]  }
0x2e: {  	s3 =	simm.s32 @!p0 $0x1082;
	s9 =	sld [smem:$0x3FB1]  }
0x2f: {  	lr =	sadd.s32 s0, s3;
	s0 =	sld [smem:$0x3FA8]  }
0x30: {  	s3 =	sld [smem:$0x3FAB]  }
0x31: {  	[smem:$0x3FB4] =	sst s10  }
0x32: {  	s10 =	sld [smem:$0x3FB2];
	_ =	sdelay $0x3  }
0x33: {  	p0 =	seq.s32 s10, $0x1;
	s10 =	sld [smem:$0x3FB4];
	_ =	sdelay $0x3  }
0x34: {  	[smem:$0x3FB4] =	sst s10  }
0x35: {  	s10 =	sld [smem:$0x3FB3];
	_ =	sdelay $0x3  }
0x36: {  	p1 =	seq.s32 s10, $0x1;
	s10 =	sld [smem:$0x3FB4];
	_ =	sdelay $0x3  }
0x37: {  	[smem:$0x3FB4] =	sst s10  }
0x38: {  	s10 =	sld [smem:$0x3FB5]  }
0x39: {  	_ = 	snop;
	(pc) =	sbr.ind lr, $3  }
0x3a: {  	_ = 	snop  }
0x3b: {  	_ = 	snop  }
0x3c: {  	p2 =	seq.s32 s10, $0x1;
	s10 =	sld [smem:$0x3FB4]  }
0x3d: {  	_ =	shalt  }
0x3e: {  	_ =	shalt  }
0x3f: {  	_ =	shalt  }
0x40: {  	_ =	shalt  }
0x41: {  	_ =	shalt  }
0x42: {  	_ =	shalt  }
0x43: {  	_ =	shalt  }
0x44: {  	_ =	shalt  }
0x45: {  	_ =	shalt  }
0x46: {  	_ =	shalt  }
0x47: {  	_ =	shalt  }
0x48: {  	_ =	shalt  }
0x49: {  	_ =	shalt  }
0x4a: {  	_ =	shalt  }
0x4b: {  	_ =	shalt  }
0x4c: {  	_ =	shalt  }
0x4d: {  	_ =	shalt  }
0x4e: {  	_ =	shalt  }
0x4f: {  	_ =	shalt  }
0x50: {  	_ =	shalt  }
0x51: {  	_ =	shalt  }
0x52: {  	_ =	shalt  }
0x53: {  	_ =	shalt  }
0x54: {  	_ =	shalt  }
0x55: {  	_ =	shalt  }
0x56: {  	_ =	shalt  }
0x57: {  	_ =	shalt  }
0x58: {  	_ =	shalt  }
0x59: {  	_ =	shalt  }
0x5a: {  	_ =	shalt  }
0x5b: {  	_ =	shalt  }
0x5c: {  	_ =	shalt  }
0x5d: {  	_ =	shalt  }
0x5e: {  	_ =	shalt  }
0x5f: {  	_ =	shalt  }
0x60: {  	_ =	shalt  }
0x61: {  	_ =	shalt  }
0x62: {  	_ =	shalt  }
0x63: {  	_ =	shalt  }
0x64: {  	_ =	shalt  }
0x65: {  	_ =	shalt  }
0x66: {  	_ =	shalt  }
0x67: {  	_ =	shalt  }
0x68: {  	_ =	shalt  }
0x69: {  	_ =	shalt  }
0x6a: {  	_ =	shalt  }
0x6b: {  	_ =	shalt  }
0x6c: {  	_ =	shalt  }
0x6d: {  	_ =	shalt  }
0x6e: {  	_ =	shalt  }
0x6f: {  	_ =	shalt  }
0x70: {  	_ =	shalt  }
0x71: {  	_ =	shalt  }
0x72: {  	_ =	shalt  }
0x73: {  	_ =	shalt  }
0x74: {  	_ =	shalt  }
0x75: {  	_ =	shalt  }
0x76: {  	_ =	shalt  }
0x77: {  	_ =	shalt  }
0x78: {  	_ =	shalt  }
0x79: {  	_ =	shalt  }
0x7a: {  	_ =	shalt  }
0x7b: {  	_ =	shalt  }
0x7c: {  	_ =	shalt  }
0x7d: {  	_ =	shalt  }
0x7e: {  	_ =	shalt  }
0x7f: {  	_ =	shalt  }
0x80: {  	_ =	shalt  }
0x81: {  	_ =	shalt  }
0x82: {  	_ =	shalt  }
0x83: {  	_ =	shalt  }
0x84: {  	_ =	shalt  }
0x85: {  	_ =	shalt  }
0x86: {  	_ =	shalt  }
0x87: {  	_ =	shalt  }
.Lfunc_end0:
.L_simem_size_0:
called_computation.3_lowered:
.L_overlay_start_0:
0x88: {  	s2 =	sld [smem:$0x3FD9]  }
0x89: {  	s3 =	sld [smem:$0x3FFE];
	_ =	sdelay $0x1  }
0x8a: {  	s1 =	srdreg.scid  }
0x8b: {  	s0 =	sand.u32 $0x1, s1  }
0x8c: {  	s17 =	sshll.u32 s0, $0xA;
	s2 =	sadd.s32 s3, s2  }
0x8d: {  	s2 =	sadd.s32 s2, s17  }
0x8e: {  	[smem:$0x3FC0] =	sst s2  }
0x8f: {  	_ = 	snop  }
0x90: {  	s2 =	sld [smem:$0x3FD0];
	(tm) =	ssettm $0x1  }
0x91: {  	s18 =	sld [smem:$0x3FFB];
	_ =	sdelay $0x3  }
0x92: {  	_ =	strace s18  }
0x93: {  	s3 =	sld [smem:$0x3FFC];
	_ =	sdelay $0x3  }
0x94: {  	_ =	strace s3  }
0x95: {  	s3 =	sld [smem:$0x3FFD];
	_ =	sdelay $0x3  }
0x96: {  	_ =	strace s3  }
0x97: {  	_ =	strace $0x8FFFFFFF  }
0x98: {  	s19 =	sld [smem:$0x3FDB];
	_ =	sdelay $0x1  }
0x99: {  	s4 =	simm.s32 $_scs_section_size  }
0x9a: {  	s5 =	simm.s32 $_size__tile_overlayer_lowered;
	s6 =	simm.s32 $_tile_overlayer_lowered  }
0x9b: {  	s22 =	simm.s32 $0x1BFF;
	s21 =	sshll.u32 s6, $0x1;
	s3 =	sadd.s32 s4, s19  }
0x9c: {  	s7 =	simm.s32 $0x0;
	s20 =	sshll.u32 s5, $0x1;
	s5 =	sadd.s32 s21, s3  }
0x9d: {  	[timem:s7], [sflag:s22] =	dma.local [hbm:s5], s20  }
0x9e: {  	_ =	swait.ge [sflag:s22], s20  }
0x9f: {  	s4 =	ssub.s32 $0x0, s20;
	[sflag:s22] =	ssyncset.done $0x0  }
0xa0: {  	[sflag:s22] =	ssyncadd.s32 s4;
	_ =	sdelay $0x1  }
0xa1: {  	s23 =	simm.s32 $0x1B8B  }
0xa2: {  	_ =	swait.ge [sflag:s23], $0x1  }
0xa3: {  	[sflag:s23] =	ssyncset.done $0x0  }
0xa4: {  	s25 =	simm.s32 $0x1B8E;
	s24 =	sld [smem:$0x3FFE];
	[sflag:s23] =	ssyncadd.s32 $0xFFFFFFFF  }
0xa5: {  	s26 =	simm.s32 $execute0_lowered;
	[smem:$0x3FD2] =	sst s25  }
0xa6: {  	s5 =	sshll.u32 s26, $0x1;
	_ =	strace $0x8000004F;
	[dreg:$0x1] =	wrdreg $0xFFFFFFFF  }
0xa7: {  	s28 =	simm.s32 $_size_execute0_lowered;
	s3 =	sadd.s32 s3, s5;
	[dreg:$0x0] =	wrdreg $0x0  }
0xa8: {  	s5 =	sshll.u32 s28, $0x1;
	[dreg:$0x2] =	wrdreg s3  }
0xa9: {  	[dreg:$0x3] =	wrdreg s5  }
0xaa: {  	[dreg:$0x4] =	wrdreg $0xC0  }
0xab: {  	_ =	task [dreg:s7], $0x5FFFF  }
0xac: {  	[dreg:$0x1] =	wrdreg $0xFFFFFFFF  }
0xad: {  	[dreg:$0x0] =	wrdreg $0x60  }
0xae: {  	[dreg:$0x2] =	wrdreg s2  }
0xaf: {  	[dreg:$0x3] =	wrdreg s24  }
0xb0: {  	[dreg:$0x4] =	wrdreg $0xE0000  }
0xb1: {  	[dreg:$0x5] =	wrdreg $0x9  }
0xb2: {  	_ =	task.clear_ibuf [dreg:s7], $0x6FFFF;
	_ =	strace $0x9000004F  }
0xb3: {  	s29 =	simm.s32 $0x9;
	_ =	strace $0x80000051  }
0xb4: {  	_ =	swait.ge [sflag:s29], $0x1  }
0xb5: {  	[sflag:s29] =	ssyncadd.s32 $0xFFFFFFFF  }
0xb6: {  	_ =	strace $0x90000051  }
0xb7: {  	_ =	sfence  }
0xb8: {  	s30 =	sld [smem:$0x0];
	_ =	sdelay $0x2  }
0xb9: {  	s31 =	sshll.u32 s1, $0xD;
	s1 =	sshrl.u32 s1, $0x2  }
0xba: {  	s3 =	sand.u32 $0x4000, s31;
	s1 =	sadd.s32 s1, s30  }
0xbb: {  	s0 =	sor.u32 s3, s0;
	s1 =	sshll.u32 s1, $0x11  }
0xbc: {  	s0 =	sor.u32 s1, s0  }
0xbd: {  	s0 =	sadd.s32 $0x8F2B, s0  }
0xbe: {  	[sflag:s0] =	ssyncadd.remote.s32 $0x1  }
0xbf: {  	_ =	sfence.sel $0xFFFF  }
0xc0: {  	[dreg:$0x0] =	wrdreg $0xFFFFFFFF;
	(pc) =	sbr.abs _section_cstart, $3  }
0xc1: {  	[dreg:$0x1] =	wrdreg $0xFFFFFFFF  }
0xc2: {  	_ =	task.clear_ibuf [dreg:s7], $0x2FFFF;
	_ =	strace $0x9FFFFFFF  }
0xc3: {  	(tm) =	ssettm $0x7FFFFFFF  }
tec
execute0_lowered:
.L_overlay_start_1:
0x0: {  	(tag) =	ssettag $0x1  }
0x1: {  	s9 =	rddreg [dreg:$0x0]  }
0x2: {  	s4 =	rddreg [dreg:$0x1]  }
0x3: {  	s2 =	rddreg [dreg:$0x2]  }
0x4: {  	s0 =	rddreg [dreg:$0x3]  }
0x5: {  	s1 =	stileid.u32;
	s5 =	srdreg.scid;
	s3 =	simm.s32 $0x0  }
0x6: {  	s14 =	simm.s32 $0xA000;
	s15 =	simm.s32 $0x100;
	s16 =	simm.s32 $0xC000  }
0x7: {  	s17 =	simm.s32 $0x1;
	s18 =	simm.s32 $0x2;
	s6 =	smul.u32 $0x4F00, s1  }
0x8: {  	s19 =	simm.s32 $0x4F00;
	s20 =	simm.s32 $0x9E00;
	s7 =	smul.u32 $0xA00, s1  }
0x9: {  	s21 =	simm.s32 $0x9F00;
	s5 =	sand.u32 $0x1, s5;
	s11 =	smul.u32 $0x13C00, s1  }
0xa: {  	s22 =	simm.s32 $0x0;
	[smem:$0x7FF] =	sst s3;
	s8 =	smul.u32 $0x4F000, s5  }
0xb: {  	_ =	strace $0x80000050;
	s5 =	ssub.s32 $0x2, s5;
	s7 =	sadd.s32 s7, s4  }
0xc: {  	s12 =	sshrl.u32 s5, $0x1;
	s11 =	sshrl.u32 s11, $0x2;
	s10 =	sadd.s32 s6, s8  }
0xd: {  	s12 =	ssub.s32 s5, s12;
	s5 =	sadd.s32 $0x2E00, s7;
	s11 =	sadd.s32 s11, s2  }
0xe: {  	s6 =	sadd.s32 s6, s2;
	s13 =	sshrl.u32 s8, $0x3;
	s10 =	sshrl.u32 s10, $0x3  }
0xf: {  	s8 =	sadd.s32 $0x4000, s11;
	s9 =	sadd.s32 s9, s13;
	s13 =	simm.s32 $0x5000  }
0x10: {  	s10 =	sadd.s32 s10, s4;
	s4 =	sadd.s32 $0xAAE00, s7;
	s7 =	sadd.s32 $0x2000, s11  }
0x11: {  	v0 =	vimm.f32 $0.0e+00;
	s11 =	smax.u32 s12, $0x1;
	s12 =	simm.s32 $0x3;
	s10 =	sadd.s32 $0x5BE00, s10  }
.LBB2_1:
0x12: {  	[tilespmem:s3], [sflag:$0x3] =	stream.linear.gather [hbm4b:s4+s3], $0x5000, $0x38;
	[tilespmem:$0x12F00] =	vst v63  }
0x13: {  	_ =	swait.ge [sflag:s12], $0x5000  }
0x14: {  	[sflag:s12] =	ssyncset.done $0x0  }
0x15: {  	[sflag:s12] =	ssyncadd.s32 $0xFFFFB000  }
0x16: {  	[tilespmem:s13], [sflag:$0x3] =	stream.linear.gather [hbm4b:s5+s3], $0x5000, $0x38;
	[tilespmem:$0x12F00] =	vst v63  }
0x17: {  	_ =	swait.ge [sflag:s12], $0x5000  }
0x18: {  	[sflag:s12] =	ssyncset.done $0x0  }
0x19: {  	s23 =	simm.s32 $0x80;
	s24 =	simm.s32 $0x0;
	[sflag:s12] =	ssyncadd.s32 $0xFFFFB000  }
.LBB2_2:
0x1a: {  	p0 =	sne.s32 s23, $0x7F80;
	[tilespmem:s24+$0xA000] =	vst v0;
	s25 =	smov.u32 s23;
	s23 =	sadd.s32 $0x80, s23  }
.Ltmp0:
0x1b: {  	[tilespmem:s24+$0xA010] =	vst v0;
	(pc) =	sbr.rel @p0 .LBB2_2-.Ltmp0, $2  }
0x1c: {  	_ =	sdelay $0x2  }
0x1d: {  	s24 =	sshra.s32 s25, $0x2  }
0x1e: {  	[tilespmem:s24+$0xA000] =	vst v0  }
0x1f: {  	[tilespmem:s24+$0xA010] =	vst v0  }
0x20: {  	[spmem:s6] =	stream.linear.scatter [tilespmem:s14], [sflag:$0x3], $0x2000, $0x38;
	[tilespmem:$0x12F00] =	vst v63  }
0x21: {  	_ =	swait.ge [sflag:s12], $0x2000  }
0x22: {  	[sflag:s12] =	ssyncset.done $0x0  }
0x23: {  	[sflag:s12] =	ssyncadd.s32 $0xFFFFE000  }
0x24: {  	[spmem:s7] =	stream.linear.scatter [tilespmem:s14], [sflag:$0x3], $0x2000, $0x38;
	[tilespmem:$0x12F00] =	vst v63  }
0x25: {  	_ =	swait.ge [sflag:s12], $0x2000  }
0x26: {  	[sflag:s12] =	ssyncset.done $0x0  }
0x27: {  	[sflag:s12] =	ssyncadd.s32 $0xFFFFE000  }
0x28: {  	[spmem:s8] =	stream.linear.scatter [tilespmem:s14], [sflag:$0x3], $0xF00, $0x38;
	[tilespmem:$0x12F00] =	vst v63  }
0x29: {  	_ =	swait.ge [sflag:s12], $0xF00  }
0x2a: {  	[sflag:s12] =	ssyncset.done $0x0  }
0x2b: {  	[sflag:s12] =	ssyncadd.s32 $0xFFFFF100  }
0x2c: {  	s23 =	simm.s32 $0x0;
	[bflag:$0x0] =	sbarrier.arrive $0xFFFF  }
0x2d: {  	[tilespmem:s14], [sflag:$0x1] =	stream.indirect.gather [hbm4b:s9+s15], $0x20, s23, s15, $0xb8;
	[tilespmem:$0x12F00] =	vst v63  }
0x2e: {  	s28 =	simm.s32 $0x100  }
0x2f: {  	[tilespmem:s16], [sflag:$0x2] =	stream.indirect.gather [hbm4b:s9+s15], $0x20, s28, s15, $0xb8;
	[tilespmem:$0x12F00] =	vst v63  }
0x30: {  	_ =	swait.ge [sflag:s17], $0x2000  }
0x31: {  	[sflag:s17] =	ssyncset.done $0x0  }
0x32: {  	s29 =	simm.s32 $0x5000;
	[sflag:s17] =	ssyncadd.s32 $0xFFFFE000  }
0x33: {  	[spmem:s2] =	stream.indirect.scatter.add.f32 [tilespmem:s14], [sflag:$0x3], $0x20, s29, s15, $0xb8;
	[tilespmem:$0x12F00] =	vst v63  }
0x34: {  	_ =	swait.ge [sflag:s12], $0x2000  }
0x35: {  	[sflag:s12] =	ssyncset.done $0x0  }
0x36: {  	s30 =	simm.s32 $0x200;
	[sflag:s12] =	ssyncadd.s32 $0xFFFFE000  }
0x37: {  	[tilespmem:s14], [sflag:$0x1] =	stream.indirect.gather [hbm4b:s9+s15], $0x20, s30, s15, $0xb8;
	[tilespmem:$0x12F00] =	vst v63  }
0x38: {  	_ =	swait.ge [sflag:s18], $0x2000  }
0x39: {  	[sflag:s18] =	ssyncset.done $0x0  }
0x3a: {  	s31 =	simm.s32 $0x5100;
	[sflag:s18] =	ssyncadd.s32 $0xFFFFE000  }
0x3b: {  	[spmem:s2] =	stream.indirect.scatter.add.f32 [tilespmem:s16], [sflag:$0x3], $0x20, s31, s15, $0xb8;
	[tilespmem:$0x12F00] =	vst v63  }
0x3c: {  	_ =	swait.ge [sflag:s12], $0x2000  }
0x3d: {  	s24 =	simm.s32 $0x1000;
	s23 =	simm.s32 $0x200;
	[sflag:s12] =	ssyncset.done $0x0  }
.LBB2_4:
0x3e: {  	s25 =	sadd.s32 $0x100, s23  }
0x3f: {  	[sflag:s12] =	ssyncadd.s32 $0xFFFFE000;
	s26 =	smov.u32 s24;
	s28 =	sadd.s32 $0x800, s24  }
0x40: {  	[tilespmem:s16], [sflag:$0x2] =	stream.indirect.gather [hbm4b:s9+s15], $0x20, s25, s15, $0xb8;
	[tilespmem:$0x12F00] =	vst v63  }
0x41: {  	p0 =	sne.s32 s24, $0x13000;
	_ =	swait.ge [sflag:s17], $0x2000  }
0x42: {  	[sflag:s17] =	ssyncset.done $0x0  }
0x43: {  	s24 =	sadd.s32 $0x5000, s23;
	[sflag:s17] =	ssyncadd.s32 $0xFFFFE000  }
0x44: {  	[spmem:s2] =	stream.indirect.scatter.add.f32 [tilespmem:s14], [sflag:$0x3], $0x20, s24, s15, $0xb8;
	[tilespmem:$0x12F00] =	vst v63  }
0x45: {  	_ =	swait.ge [sflag:s12], $0x2000  }
0x46: {  	[sflag:s12] =	ssyncset.done $0x0  }
0x47: {  	s24 =	sadd.s32 $0x200, s23;
	[sflag:s12] =	ssyncadd.s32 $0xFFFFE000  }
0x48: {  	[tilespmem:s14], [sflag:$0x1] =	stream.indirect.gather [hbm4b:s9+s15], $0x20, s24, s15, $0xb8;
	[tilespmem:$0x12F00] =	vst v63  }
0x49: {  	_ =	swait.ge [sflag:s18], $0x2000  }
.Ltmp1:
0x4a: {  	[sflag:s18] =	ssyncset.done $0x0;
	(pc) =	sbr.rel @p0 .LBB2_4-.Ltmp1, $4  }
0x4b: {  	s23 =	sadd.s32 $0x5100, s23;
	[sflag:s18] =	ssyncadd.s32 $0xFFFFE000  }
0x4c: {  	[spmem:s2] =	stream.indirect.scatter.add.f32 [tilespmem:s16], [sflag:$0x3], $0x20, s23, s15, $0xb8;
	[tilespmem:$0x12F00] =	vst v63  }
0x4d: {  	_ =	swait.ge [sflag:s12], $0x2000  }
0x4e: {  	s24 =	smov.u32 s28;
	s23 =	sshra.s32 s26, $0x2;
	[sflag:s12] =	ssyncset.done $0x0  }
0x4f: {  	s24 =	sadd.s32 $0x100, s23;
	[sflag:s12] =	ssyncadd.s32 $0xFFFFE000  }
0x50: {  	[tilespmem:s16], [sflag:$0x2] =	stream.indirect.gather [hbm4b:s9+s15], $0x20, s24, s15, $0xb8;
	[tilespmem:$0x12F00] =	vst v63  }
0x51: {  	_ =	swait.ge [sflag:s17], $0x2000  }
0x52: {  	[sflag:s17] =	ssyncset.done $0x0  }
0x53: {  	s26 =	sadd.s32 $0x5000, s23;
	[sflag:s17] =	ssyncadd.s32 $0xFFFFE000  }
0x54: {  	[spmem:s2] =	stream.indirect.scatter.add.f32 [tilespmem:s14], [sflag:$0x3], $0x20, s26, s15, $0xb8;
	[tilespmem:$0x12F00] =	vst v63  }
0x55: {  	_ =	swait.ge [sflag:s12], $0x2000  }
0x56: {  	[sflag:s12] =	ssyncset.done $0x0  }
0x57: {  	s28 =	sadd.s32 $0x200, s23;
	[sflag:s12] =	ssyncadd.s32 $0xFFFFE000  }
0x58: {  	[tilespmem:s14], [sflag:$0x1] =	stream.indirect.gather [hbm4b:s9+s15], $0x20, s28, s15, $0xb8;
	[tilespmem:$0x12F00] =	vst v63  }
0x59: {  	_ =	swait.ge [sflag:s18], $0x2000  }
0x5a: {  	[sflag:s18] =	ssyncset.done $0x0  }
0x5b: {  	s29 =	sadd.s32 $0x5100, s23;
	[sflag:s18] =	ssyncadd.s32 $0xFFFFE000  }
0x5c: {  	[spmem:s2] =	stream.indirect.scatter.add.f32 [tilespmem:s16], [sflag:$0x3], $0x20, s29, s15, $0xb8;
	[tilespmem:$0x12F00] =	vst v63  }
0x5d: {  	_ =	swait.ge [sflag:s12], $0x2000  }
0x5e: {  	[sflag:s12] =	ssyncset.done $0x0  }
0x5f: {  	[sflag:s12] =	ssyncadd.s32 $0xFFFFE000  }
0x60: {  	[tilespmem:s16], [sflag:$0x2] =	stream.indirect.gather [hbm4b:s9+s15], $0x20, s19, s15, $0xb8;
	[tilespmem:$0x12F00] =	vst v63  }
0x61: {  	_ =	swait.ge [sflag:s17], $0x2000  }
0x62: {  	[sflag:s17] =	ssyncset.done $0x0  }
0x63: {  	[sflag:s17] =	ssyncadd.s32 $0xFFFFE000  }
0x64: {  	[spmem:s2] =	stream.indirect.scatter.add.f32 [tilespmem:s14], [sflag:$0x3], $0x20, s20, s15, $0xb8;
	[tilespmem:$0x12F00] =	vst v63  }
0x65: {  	_ =	swait.ge [sflag:s12], $0x2000  }
0x66: {  	[sflag:s12] =	ssyncset.done $0x0  }
0x67: {  	[sflag:s12] =	ssyncadd.s32 $0xFFFFE000  }
0x68: {  	_ =	swait.ge [sflag:s18], $0x2000  }
0x69: {  	[sflag:s18] =	ssyncset.done $0x0  }
0x6a: {  	[sflag:s18] =	ssyncadd.s32 $0xFFFFE000  }
0x6b: {  	[spmem:s2] =	stream.indirect.scatter.add.f32 [tilespmem:s16], [sflag:$0x3], $0x20, s21, s15, $0xb8;
	[tilespmem:$0x12F00] =	vst v63  }
0x6c: {  	_ =	swait.ge [sflag:s12], $0x2000  }
0x6d: {  	s30 =	sshll.u32 s1, $0x6;
	s22 =	sadd.s32 $0x1, s22;
	[sflag:s12] =	ssyncset.done $0x0  }
0x6e: {  	s31 =	sshrl.u32 s6, $0x3;
	p0 =	sne.s32 s22, s11;
	[sflag:s12] =	ssyncadd.s32 $0xFFFFE000  }
.Ltmp2:
0x6f: {  	s23 =	sor.u32 $0x1C03, s30;
	[bflag:$0x0] =	sbarrier.arrive $0xFFFF;
	(pc) =	sbr.rel @p0 .LBB2_1-.Ltmp2, $4  }
0x70: {  	[hbm:s10], [sflag:s23] =	dma.local [spmem:s31], $0x9E0  }
0x71: {  	_ =	swait.ge [sflag:s12], $0x9E0  }
0x72: {  	[sflag:s12] =	ssyncset.done $0x0  }
0x73: {  	[sflag:s12] =	ssyncadd.s32 $0xFFFFF620  }
0x74: {  	_ =	sfence.sel $0x180000  }
0x75: {  	[bflag:$0x0] =	sbarrier.arrive $0xFFFF  }
0x76: {  	p0 =	sne.s32 s1, $0x0;
	_ =	strace $0x90000050  }
0x77: {  	s0 =	sadd.s32 @!p0 $0x100000, s0;
	[bflag:$0x2] =	sbarrier.arrive $0xFFFF  }
0x78: {  	[sflag:s0] =	ssyncadd.tile.s32 @!p0 $0x1;
	_ =	shalt  }
.Lfunc_end2:
_tile_overlayer_lowered:
.L_overlay_start_2:
0x79: {  	(tag) =	ssettag $0x2  }
0x7a: {  	s0 =	rddreg [dreg:$0x0];
	s2 =	stileid.u32  }
0x7b: {  	s1 =	rddreg [dreg:$0x1];
	p0 =	sne.s32 s2, $0x0  }
0x7c: {  	s3 =	rddreg [dreg:$0x2];
	[bflag:$0x3] =	sbarrier.arrive $0xFFFF;
	s2 =	simm.s32 @!p0 $0x1C03  }
0x7d: {  	[timem:s3], [sflag:s2] =	dma.local @!p0 [hbm:s0], s1  }
0x7e: {  	s0 =	simm.s32 @!p0 $0x3  }
0x7f: {  	_ =	swait.ge @!p0 [sflag:s0], s1  }
0x80: {  	s1 =	ssub.s32 @!p0 $0x0, s1;
	[sflag:s0] =	ssyncset.done @!p0 $0x0  }
0x81: {  	[sflag:s0] =	ssyncadd.s32 @!p0 s1  }
0x82: {  	[bflag:$0x3] =	sbarrier.arrive $0xFFFF  }
0x83: {  	_ =	shalt  }

</sc_bundles>
